<compile_context>
chip_gen: v7x
topology: tpu7x:2x2x1
jax: 0.10.2.dev20260603
libtpu: 0.0.44.dev20260713+nightly
codegen_flags: <defaults>
</compile_context>

<pallas_src>
import functools

import jax
import jax.numpy as jnp
from jax import lax
from jax.experimental import pallas as pl
from jax.experimental.pallas import tpu as pltpu
from jax.experimental.pallas import tpu_sc as plsc

N_NODES = 10000
N_EDGES = 320000
CH = 128
HID = 32

NC = 2
NS = 16
NW = NC * NS
EPW = N_EDGES // NW
K = 40
NCHUNK = EPW // K
DEPTH = 6
NPAD = 10240
K_D = 80
NCHUNK_D = EPW // K_D

RPT = NPAD // NS
DEGW = 128

_sc_mesh = plsc.VectorSubcoreMesh(core_axis_name="c", subcore_axis_name="s")


@functools.partial(
    pl.kernel,
    out_type=jax.ShapeDtypeStruct((NC, NPAD, DEGW), jnp.float32),
    mesh=_sc_mesh,
    scratch_types=[
        pltpu.VMEM((NCHUNK_D, K_D), jnp.int32),
        pltpu.VMEM((K_D, DEGW), jnp.float32),
        pltpu.VMEM_SHARED((NPAD, DEGW), jnp.float32),
    ],
)
def _sc_deg(dst_hbm, ones_hbm, zeros_hbm, out_hbm, idx_v, ones_v, deg_sh):
    c = lax.axis_index("c")
    s = lax.axis_index("s")
    wid = c * NS + s
    pltpu.sync_copy(dst_hbm.at[wid], idx_v)
    pltpu.sync_copy(zeros_hbm, deg_sh.at[pl.ds(s * RPT, RPT)])
    pltpu.sync_copy(ones_hbm, ones_v)
    plsc.subcore_barrier()

    def body(j, carry):
        pltpu.sync_copy(ones_v, deg_sh.at[idx_v.at[j]], add=True)
        return carry

    lax.fori_loop(0, NCHUNK_D, body, 0)
    plsc.subcore_barrier()
    pltpu.sync_copy(deg_sh.at[pl.ds(s * RPT, RPT)],
                    out_hbm.at[c, pl.ds(s * RPT, RPT)])


@functools.partial(
    pl.kernel,
    out_type=jax.ShapeDtypeStruct((NC, NPAD, CH), jnp.float32),
    mesh=_sc_mesh,
    scratch_types=[
        pltpu.VMEM((EPW,), jnp.int32),
        pltpu.VMEM((DEPTH, K), jnp.int32),
        pltpu.VMEM((DEPTH, K, CH), jnp.float32),
        pltpu.VMEM_SHARED((NPAD, CH), jnp.float32),
    ] + [pltpu.SemaphoreType.DMA] * (2 * DEPTH),
)
def _sc_scatter(xws_hbm, src_hbm, dst_hbm, zeros_hbm, out_hbm,
                idxs_v, idxd_v, rows_v, acc_sh, *sems_all):
    c = lax.axis_index("c")
    s = lax.axis_index("s")
    wid = c * NS + s
    base0 = wid * EPW
    gsems = sems_all[:DEPTH]
    dsems = sems_all[DEPTH:]
    pltpu.sync_copy(src_hbm.at[pl.ds(base0, EPW)], idxs_v)
    pltpu.sync_copy(zeros_hbm, acc_sh.at[pl.ds(s * RPT, RPT)])
    plsc.subcore_barrier()

    def issue(j, b):
        pltpu.async_copy(dst_hbm.at[pl.ds(base0 + j * K, K)], idxd_v.at[b],
                         dsems[b])
        pltpu.async_copy(xws_hbm.at[idxs_v.at[pl.ds(j * K, K)]],
                         rows_v.at[b], gsems[b])

    def drain_scatter(j, b):
        pltpu.make_async_copy(dst_hbm.at[pl.ds(base0 + j * K, K)],
                              idxd_v.at[b], dsems[b]).wait()
        pltpu.make_async_copy(xws_hbm.at[idxs_v.at[pl.ds(j * K, K)]],
                              rows_v.at[b], gsems[b]).wait()
        pltpu.sync_copy(rows_v.at[b], acc_sh.at[idxd_v.at[b]], add=True)

    for b in range(DEPTH):
        issue(b, b)

    NSTEADY = (NCHUNK - DEPTH + 1) // DEPTH

    def body(i, carry):
        for b in range(DEPTH):
            j = DEPTH * i + b
            drain_scatter(j, b)
            issue(j + DEPTH, b)
        return carry

    lax.fori_loop(0, NSTEADY, body, 0)
    for jj in range(DEPTH * NSTEADY, NCHUNK):
        drain_scatter(jj, jj % DEPTH)
        if jj + DEPTH < NCHUNK:
            issue(jj + DEPTH, jj % DEPTH)
    plsc.subcore_barrier()
    pltpu.sync_copy(acc_sh.at[pl.ds(s * RPT, RPT)],
                    out_hbm.at[c, pl.ds(s * RPT, RPT)])


_R = 2000


def _prep_body(state_ref, w_ref, degp_ref, xws_ref):
    xw = jnp.dot(state_ref[...], w_ref[...], preferred_element_type=jnp.float32)
    degp = degp_ref[...]
    deg = degp[0, :, 0] + degp[1, :, 0] + 1.0
    dinv = lax.rsqrt(deg)
    xws_ref[...] = xw * dinv[:, None]


def _head_body(accp_ref, xws_ref, state_ref, degp_ref, bg_ref,
               w1_ref, b1_ref, w2_ref, b2_ref, w3_ref, b3_ref, out_ref):
    accp = accp_ref[...]
    xws = xws_ref[...]
    degp = degp_ref[...]
    deg = degp[0, :, 0] + degp[1, :, 0] + 1.0
    dinv = lax.rsqrt(deg)[:, None]
    total = dinv * (accp[0] + accp[1] + xws) + bg_ref[...][None, :]
    h = jnp.maximum(total, 0.0) + state_ref[...]
    t = jnp.maximum(jnp.dot(h, w1_ref[...], preferred_element_type=jnp.float32)
                    + b1_ref[...][None, :], 0.0)
    t = jnp.maximum(jnp.dot(t, w2_ref[...], preferred_element_type=jnp.float32)
                    + b2_ref[...][None, :], 0.0)
    z = (jnp.dot(t, w3_ref[...], preferred_element_type=jnp.float32)
         + b3_ref[...][None, :])
    out_ref[...] = (jnp.maximum(z, 0.0) + jnp.log1p(jnp.exp(-jnp.abs(z)))
                    + 1e-20)


_tc_prep = pl.pallas_call(
    _prep_body,
    grid=(N_NODES // _R,),
    in_specs=[
        pl.BlockSpec((_R, CH), lambda i: (i, 0)),
        pl.BlockSpec((CH, CH), lambda i: (0, 0)),
        pl.BlockSpec((NC, _R, DEGW), lambda i: (0, i, 0)),
    ],
    out_specs=pl.BlockSpec((_R, CH), lambda i: (i, 0)),
    out_shape=jax.ShapeDtypeStruct((N_NODES, CH), jnp.float32),
)

_tc_head = pl.pallas_call(
    _head_body,
    grid=(N_NODES // _R,),
    in_specs=[
        pl.BlockSpec((NC, _R, CH), lambda i: (0, i, 0)),
        pl.BlockSpec((_R, CH), lambda i: (i, 0)),
        pl.BlockSpec((_R, CH), lambda i: (i, 0)),
        pl.BlockSpec((NC, _R, DEGW), lambda i: (0, i, 0)),
        pl.BlockSpec((CH,), lambda i: (0,)),
        pl.BlockSpec((CH, HID), lambda i: (0, 0)),
        pl.BlockSpec((HID,), lambda i: (0,)),
        pl.BlockSpec((HID, HID), lambda i: (0, 0)),
        pl.BlockSpec((HID,), lambda i: (0,)),
        pl.BlockSpec((HID, 1), lambda i: (0, 0)),
        pl.BlockSpec((1,), lambda i: (0,)),
    ],
    out_specs=pl.BlockSpec((_R, 1), lambda i: (i, 0)),
    out_shape=jax.ShapeDtypeStruct((N_NODES, 1), jnp.float32),
)


def kernel(state, edge_index, W_gcn, b_gcn, W1, b1, W2, b2, W3, b3):
    ei = edge_index.astype(jnp.int32)
    dst3 = ei[1].reshape(NW, NCHUNK_D, K_D)
    ones_deg = jnp.ones((K_D, DEGW), jnp.float32)
    zeros_blk = jnp.zeros((RPT, CH), jnp.float32)

    degp = _sc_deg(dst3, ones_deg, zeros_blk)
    xws = _tc_prep(state, W_gcn, degp)
    accp = _sc_scatter(xws, ei[0], ei[1], zeros_blk)
    y = _tc_head(accp, xws, state, degp, b_gcn, W1, b1, W2, b2, W3, b3)
    return y.reshape(N_NODES // 8, 8)

# --- scband reference (transcript-rebuilt; emitter-appended) ---
"""Pipeline reference for scband-gnnactor-1752346657346 (READ-ONLY COPY).

The authoritative reference and input builder live on the scoring server;
editing this copy changes nothing except your own understanding.
"""

import jax, jax.numpy as jnp
import numpy as np

N_NODES = 10000
N_EDGES = 320000
IN_CH = 128
HIDDEN = 32
ACT_DIM = 8


def setup_inputs(seed: int = 0) -> dict:
    key = jax.random.key(seed)
    ks = jax.random.split(key, 10)
    state = jax.random.normal(ks[0], (N_NODES, IN_CH), dtype=jnp.float32)
    edge_index = jax.random.randint(ks[1], (2, N_EDGES), 0, N_NODES, dtype=jnp.int64)
    # GCNConv weight (in_channels -> in_channels) and bias
    W_gcn = jax.random.normal(ks[2], (IN_CH, IN_CH), dtype=jnp.float32) * (1.0 / np.sqrt(IN_CH))
    b_gcn = jnp.zeros((IN_CH,), dtype=jnp.float32)
    # lin1: in_channels -> hidden
    W1 = jax.random.normal(ks[3], (IN_CH, HIDDEN), dtype=jnp.float32) * (1.0 / np.sqrt(IN_CH))
    b1 = jax.random.normal(ks[4], (HIDDEN,), dtype=jnp.float32) * 0.01
    # lin2: hidden -> hidden
    W2 = jax.random.normal(ks[5], (HIDDEN, HIDDEN), dtype=jnp.float32) * (1.0 / np.sqrt(HIDDEN))
    b2 = jax.random.normal(ks[6], (HIDDEN,), dtype=jnp.float32) * 0.01
    # lin3: hidden -> 1
    W3 = jax.random.normal(ks[7], (HIDDEN, 1), dtype=jnp.float32) * (1.0 / np.sqrt(HIDDEN))
    b3 = jax.random.normal(ks[8], (1,), dtype=jnp.float32) * 0.01
    return {"state": state, "edge_index": edge_index, "W_gcn": W_gcn, "b_gcn": b_gcn,
            "W1": W1, "b1": b1, "W2": W2, "b2": b2, "W3": W3, "b3": b3}


def gcn_conv(x, edge_index, W, b):
    # Faithful PyG GCNConv: add self-loops, symmetric normalization, aggregate.
    N = x.shape[0]
    loop = jnp.arange(N, dtype=edge_index.dtype)
    src = jnp.concatenate([edge_index[0], loop])
    dst = jnp.concatenate([edge_index[1], loop])
    deg = jnp.zeros((N,), dtype=jnp.float32).at[dst].add(1.0)
    deg_inv_sqrt = 1.0 / jnp.sqrt(deg)  # deg >= 1 due to self-loops
    norm = deg_inv_sqrt[src] * deg_inv_sqrt[dst]
    xw = x @ W
    msgs = jnp.take(xw, src, axis=0) * norm[:, None]
    out = jax.ops.segment_sum(msgs, dst, num_segments=N)
    return out + b


def reference(state, edge_index, W_gcn, b_gcn, W1, b1, W2, b2, W3, b3):
    out = jax.nn.relu(gcn_conv(state, edge_index, W_gcn, b_gcn))
    x = out + state
    x = x.reshape(-1, ACT_DIM, IN_CH)
    x = jax.nn.relu(x @ W1 + b1)
    x = jax.nn.relu(x @ W2 + b2)
    x = jax.nn.softplus(x @ W3 + b3)
    concentration = jnp.squeeze(x, -1) + 1e-20
    return concentration

if __name__ == "__main__":
    import jax
    _d = setup_inputs()
    print(jax.jit(kernel)(*tuple(_d.values())))

</pallas_src>

<mosaic_0001>
#map = affine_map<(d0, d1) -> (0, 0, 0)>
#map1 = affine_map<(d0, d1) -> (0, 0)>
module attributes {stable_mosaic.version = 14 : i64} {
  func.func @_sc_deg(%arg0: i32, %arg1: i32, %arg2: memref<32x125x80xi32, #tpu.memory_space<hbm>>, %arg3: memref<80x128xf32, #tpu.memory_space<hbm>>, %arg4: memref<640x128xf32, #tpu.memory_space<hbm>>, %arg5: memref<2x10240x128xf32, #tpu.memory_space<hbm>>, %arg6: memref<125x80xi32, #tpu.memory_space<vmem>>, %arg7: memref<80x128xf32, #tpu.memory_space<vmem>>, %arg8: memref<10240x128xf32, #tpu.memory_space<vmem_shared>>) attributes {dimension_semantics = [#tpu.dimension_semantics<core_parallel>, #tpu.dimension_semantics<subcore_parallel>], iteration_bounds = array<i64: 2, 16>, scalar_prefetch = 0 : i64, scratch_operands = 3 : i64, tpu.core_type = #tpu.core_type<sc_vector_subcore>, window_params = [{transform_indices = #map}, {transform_indices = #map1}, {transform_indices = #map1}, {transform_indices = #map}]} {
    %mul3A = arith.constant 16 : i32
    %mul3A_0 = arith.muli %arg0, %mul3A : i32
    %add3A = arith.addi %mul3A_0, %arg1 : i32
    "tpu.region"() ({
      %run_scoped3A = tpu.sem_alloc : memref<!tpu.dma_semaphore, #tpu.memory_space<semaphore_mem>>
      %dma_start3A = arith.constant 0 : i32
      %dma_start3A_13 = arith.constant 0 : i32
      %dma_start3A_14 = tpu.memref_slice %arg2[%add3A, %dma_start3A, %dma_start3A_13] : memref<32x125x80xi32, #tpu.memory_space<hbm>> -> memref<1x125x80xi32, #tpu.memory_space<hbm>>
      %dma_start3A_15 = tpu.memref_squeeze %dma_start3A_14 : memref<1x125x80xi32, #tpu.memory_space<hbm>> -> memref<125x80xi32, #tpu.memory_space<hbm>>
      %dma_start3A_16 = arith.constant 0 : i32
      %dma_start3A_17 = arith.constant 0 : i32
      %dma_start3A_18 = tpu.memref_slice %arg2[%add3A, %dma_start3A_16, %dma_start3A_17] : memref<32x125x80xi32, #tpu.memory_space<hbm>> -> memref<1x125x80xi32, #tpu.memory_space<hbm>>
      %dma_start3A_19 = tpu.memref_squeeze %dma_start3A_18 : memref<1x125x80xi32, #tpu.memory_space<hbm>> -> memref<125x80xi32, #tpu.memory_space<hbm>>
      tpu.enqueue_dma source(%dma_start3A_19 : memref<125x80xi32, #tpu.memory_space<hbm>>) target(%arg6 : memref<125x80xi32, #tpu.memory_space<vmem>>) target_semaphore(%run_scoped3A : memref<!tpu.dma_semaphore, #tpu.memory_space<semaphore_mem>>)
      %dma_wait3A = arith.constant 0 : i32
      %dma_wait3A_20 = arith.constant 0 : i32
      %dma_wait3A_21 = tpu.memref_slice %arg2[%add3A, %dma_wait3A, %dma_wait3A_20] : memref<32x125x80xi32, #tpu.memory_space<hbm>> -> memref<1x125x80xi32, #tpu.memory_space<hbm>>
      %dma_wait3A_22 = tpu.memref_squeeze %dma_wait3A_21 : memref<1x125x80xi32, #tpu.memory_space<hbm>> -> memref<125x80xi32, #tpu.memory_space<hbm>>
      %dma_wait3A_23 = arith.constant 0 : i32
      %dma_wait3A_24 = arith.constant 0 : i32
      %dma_wait3A_25 = tpu.memref_slice %arg2[%add3A, %dma_wait3A_23, %dma_wait3A_24] : memref<32x125x80xi32, #tpu.memory_space<hbm>> -> memref<1x125x80xi32, #tpu.memory_space<hbm>>
      %dma_wait3A_26 = tpu.memref_squeeze %dma_wait3A_25 : memref<1x125x80xi32, #tpu.memory_space<hbm>> -> memref<125x80xi32, #tpu.memory_space<hbm>>
      tpu.wait_dma2 semaphore(%run_scoped3A : memref<!tpu.dma_semaphore, #tpu.memory_space<semaphore_mem>>) src(%dma_wait3A_26 : memref<125x80xi32, #tpu.memory_space<hbm>>) dst(%arg6 : memref<125x80xi32, #tpu.memory_space<vmem>>)
      tpu.yield
    }) : () -> ()
    %mul3A_1 = arith.constant 640 : i32
    %mul3A_2 = arith.muli %arg1, %mul3A_1 : i32
    "tpu.region"() ({
      %run_scoped3A = tpu.sem_alloc : memref<!tpu.dma_semaphore, #tpu.memory_space<semaphore_mem>>
      %dma_start3A = arith.constant 0 : i32
      %dma_start3A_13 = tpu.memref_slice %arg8[%mul3A_2, %dma_start3A] : memref<10240x128xf32, #tpu.memory_space<vmem_shared>> -> memref<640x128xf32, #tpu.memory_space<vmem_shared>>
      tpu.enqueue_dma source(%arg4 : memref<640x128xf32, #tpu.memory_space<hbm>>) target(%dma_start3A_13 : memref<640x128xf32, #tpu.memory_space<vmem_shared>>) target_semaphore(%run_scoped3A : memref<!tpu.dma_semaphore, #tpu.memory_space<semaphore_mem>>)
      %dma_wait3A = arith.constant 0 : i32
      %dma_wait3A_14 = tpu.memref_slice %arg8[%mul3A_2, %dma_wait3A] : memref<10240x128xf32, #tpu.memory_space<vmem_shared>> -> memref<640x128xf32, #tpu.memory_space<vmem_shared>>
      tpu.wait_dma2 semaphore(%run_scoped3A : memref<!tpu.dma_semaphore, #tpu.memory_space<semaphore_mem>>) src(%arg4 : memref<640x128xf32, #tpu.memory_space<hbm>>) dst(%dma_wait3A_14 : memref<640x128xf32, #tpu.memory_space<vmem_shared>>)
      tpu.yield
    }) : () -> ()
    "tpu.region"() ({
      %run_scoped3A = tpu.sem_alloc : memref<!tpu.dma_semaphore, #tpu.memory_space<semaphore_mem>>
      tpu.enqueue_dma source(%arg3 : memref<80x128xf32, #tpu.memory_space<hbm>>) target(%arg7 : memref<80x128xf32, #tpu.memory_space<vmem>>) target_semaphore(%run_scoped3A : memref<!tpu.dma_semaphore, #tpu.memory_space<semaphore_mem>>)
      tpu.wait_dma2 semaphore(%run_scoped3A : memref<!tpu.dma_semaphore, #tpu.memory_space<semaphore_mem>>) src(%arg3 : memref<80x128xf32, #tpu.memory_space<hbm>>) dst(%arg7 : memref<80x128xf32, #tpu.memory_space<vmem>>)
      tpu.yield
    }) : () -> ()
    %barrier3A = arith.constant 0 : index
    tpu.barrier barrier_id(%barrier3A)
    %scan3A = arith.constant 0 : i32
    %scan3A_3 = arith.constant 0 : i32
    %scan3A_4 = arith.constant 125 : i32
    %scan3A_5 = arith.addi %scan3A_3, %scan3A_4 : i32
    %scan3A_6 = arith.constant 1 : i32
    scf.for %scan3A_13 = %scan3A_3 to %scan3A_5 step %scan3A_6  : i32 {
      "tpu.region"() ({
        %run_scoped3A = tpu.sem_alloc : memref<!tpu.dma_semaphore, #tpu.memory_space<semaphore_mem>>
        %dma_start3A = arith.constant 0 : i32
        %dma_start3A_14 = tpu.memref_slice %arg6[%scan3A_13, %dma_start3A] : memref<125x80xi32, #tpu.memory_space<vmem>> -> memref<1x80xi32, #tpu.memory_space<vmem>>
        %dma_start3A_15 = tpu.memref_squeeze %dma_start3A_14 : memref<1x80xi32, #tpu.memory_space<vmem>> -> memref<80xi32, #tpu.memory_space<vmem>>
        %dma_start3A_16 = arith.constant 0 : i32
        %dma_start3A_17 = arith.constant 0 : i32
        %dma_start3A_18 = tpu.memref_slice %arg8[%dma_start3A_16, %dma_start3A_17] : memref<10240x128xf32, #tpu.memory_space<vmem_shared>> -> memref<10240x128xf32, #tpu.memory_space<vmem_shared>>
        tpu.enqueue_indirect_dma source(%arg7 : memref<80x128xf32, #tpu.memory_space<vmem>>) target(%dma_start3A_18 : memref<10240x128xf32, #tpu.memory_space<vmem_shared>>) offsets(%dma_start3A_15 : memref<80xi32, #tpu.memory_space<vmem>>) semaphore(%run_scoped3A : memref<!tpu.dma_semaphore, #tpu.memory_space<semaphore_mem>>) {add = true}
        %dma_wait3A = arith.constant 0 : i32
        %dma_wait3A_19 = tpu.memref_slice %arg6[%scan3A_13, %dma_wait3A] : memref<125x80xi32, #tpu.memory_space<vmem>> -> memref<1x80xi32, #tpu.memory_space<vmem>>
        %dma_wait3A_20 = tpu.memref_squeeze %dma_wait3A_19 : memref<1x80xi32, #tpu.memory_space<vmem>> -> memref<80xi32, #tpu.memory_space<vmem>>
        %dma_wait3A_21 = arith.constant 0 : i32
        %dma_wait3A_22 = arith.constant 0 : i32
        %dma_wait3A_23 = tpu.memref_slice %arg8[%dma_wait3A_21, %dma_wait3A_22] : memref<10240x128xf32, #tpu.memory_space<vmem_shared>> -> memref<10240x128xf32, #tpu.memory_space<vmem_shared>>
        tpu.wait_indirect_dma semaphore(%run_scoped3A : memref<!tpu.dma_semaphore, #tpu.memory_space<semaphore_mem>>) src(%arg7 : memref<80x128xf32, #tpu.memory_space<vmem>>) dst(%dma_wait3A_23 : memref<10240x128xf32, #tpu.memory_space<vmem_shared>>)
        tpu.yield
      }) : () -> ()
    }
    %scan3A_7 = arith.constant 125 : i32
    %barrier3A_8 = arith.constant 0 : index
    tpu.barrier barrier_id(%barrier3A_8)
    %mul3A_9 = arith.constant 640 : i32
    %mul3A_10 = arith.muli %arg1, %mul3A_9 : i32
    %mul3A_11 = arith.constant 640 : i32
    %mul3A_12 = arith.muli %arg1, %mul3A_11 : i32
    "tpu.region"() ({
      %run_scoped3A = tpu.sem_alloc : memref<!tpu.dma_semaphore, #tpu.memory_space<semaphore_mem>>
      %dma_start3A = arith.constant 0 : i32
      %dma_start3A_13 = tpu.memref_slice %arg5[%arg0, %mul3A_12, %dma_start3A] : memref<2x10240x128xf32, #tpu.memory_space<hbm>> -> memref<1x640x128xf32, #tpu.memory_space<hbm>>
      %dma_start3A_14 = tpu.memref_squeeze %dma_start3A_13 : memref<1x640x128xf32, #tpu.memory_space<hbm>> -> memref<640x128xf32, #tpu.memory_space<hbm>>
      %dma_start3A_15 = arith.constant 0 : i32
      %dma_start3A_16 = tpu.memref_slice %arg8[%mul3A_10, %dma_start3A_15] : memref<10240x128xf32, #tpu.memory_space<vmem_shared>> -> memref<640x128xf32, #tpu.memory_space<vmem_shared>>
      tpu.enqueue_dma source(%dma_start3A_16 : memref<640x128xf32, #tpu.memory_space<vmem_shared>>) target(%dma_start3A_14 : memref<640x128xf32, #tpu.memory_space<hbm>>) target_semaphore(%run_scoped3A : memref<!tpu.dma_semaphore, #tpu.memory_space<semaphore_mem>>)
      %dma_wait3A = arith.constant 0 : i32
      %dma_wait3A_17 = tpu.memref_slice %arg5[%arg0, %mul3A_12, %dma_wait3A] : memref<2x10240x128xf32, #tpu.memory_space<hbm>> -> memref<1x640x128xf32, #tpu.memory_space<hbm>>
      %dma_wait3A_18 = tpu.memref_squeeze %dma_wait3A_17 : memref<1x640x128xf32, #tpu.memory_space<hbm>> -> memref<640x128xf32, #tpu.memory_space<hbm>>
      %dma_wait3A_19 = arith.constant 0 : i32
      %dma_wait3A_20 = tpu.memref_slice %arg8[%mul3A_10, %dma_wait3A_19] : memref<10240x128xf32, #tpu.memory_space<vmem_shared>> -> memref<640x128xf32, #tpu.memory_space<vmem_shared>>
      tpu.wait_dma2 semaphore(%run_scoped3A : memref<!tpu.dma_semaphore, #tpu.memory_space<semaphore_mem>>) src(%dma_wait3A_20 : memref<640x128xf32, #tpu.memory_space<vmem_shared>>) dst(%dma_wait3A_18 : memref<640x128xf32, #tpu.memory_space<hbm>>)
      tpu.yield
    }) : () -> ()
    return
  }
}

#map = affine_map<(d0, d1) -> (0, 0)>
#map1 = affine_map<(d0, d1) -> (0)>
#map2 = affine_map<(d0, d1) -> (0, 0, 0)>
module attributes {stable_mosaic.version = 14 : i64} {
  func.func @_sc_scatter(%arg0: i32, %arg1: i32, %arg2: memref<10000x128xf32, #tpu.memory_space<hbm>>, %arg3: memref<320000xi32, #tpu.memory_space<hbm>>, %arg4: memref<320000xi32, #tpu.memory_space<hbm>>, %arg5: memref<640x128xf32, #tpu.memory_space<hbm>>, %arg6: memref<2x10240x128xf32, #tpu.memory_space<hbm>>, %arg7: memref<10000xi32, #tpu.memory_space<vmem>>, %arg8: memref<6x40xi32, #tpu.memory_space<vmem>>, %arg9: memref<6x40x128xf32, #tpu.memory_space<vmem>>, %arg10: memref<10240x128xf32, #tpu.memory_space<vmem_shared>>, %arg11: memref<!tpu.dma_semaphore, #tpu.memory_space<semaphore_mem>>, %arg12: memref<!tpu.dma_semaphore, #tpu.memory_space<semaphore_mem>>, %arg13: memref<!tpu.dma_semaphore, #tpu.memory_space<semaphore_mem>>, %arg14: memref<!tpu.dma_semaphore, #tpu.memory_space<semaphore_mem>>, %arg15: memref<!tpu.dma_semaphore, #tpu.memory_space<semaphore_mem>>, %arg16: memref<!tpu.dma_semaphore, #tpu.memory_space<semaphore_mem>>, %arg17: memref<!tpu.dma_semaphore, #tpu.memory_space<semaphore_mem>>, %arg18: memref<!tpu.dma_semaphore, #tpu.memory_space<semaphore_mem>>, %arg19: memref<!tpu.dma_semaphore, #tpu.memory_space<semaphore_mem>>, %arg20: memref<!tpu.dma_semaphore, #tpu.memory_space<semaphore_mem>>, %arg21: memref<!tpu.dma_semaphore, #tpu.memory_space<semaphore_mem>>, %arg22: memref<!tpu.dma_semaphore, #tpu.memory_space<semaphore_mem>>) attributes {dimension_semantics = [#tpu.dimension_semantics<core_parallel>, #tpu.dimension_semantics<subcore_parallel>], iteration_bounds = array<i64: 2, 16>, scalar_prefetch = 0 : i64, scratch_operands = 16 : i64, tpu.core_type = #tpu.core_type<sc_vector_subcore>, window_params = [{transform_indices = #map}, {transform_indices = #map1}, {transform_indices = #map1}, {transform_indices = #map}, {transform_indices = #map2}]} {
    %mul3A = arith.constant 16 : i32
    %mul3A_0 = arith.muli %arg0, %mul3A : i32
    %add3A = arith.addi %mul3A_0, %arg1 : i32
    %mul3A_1 = arith.constant 10000 : i32
    %mul3A_2 = arith.muli %add3A, %mul3A_1 : i32
    "tpu.region"() ({
      %run_scoped3A_452 = tpu.sem_alloc : memref<!tpu.dma_semaphore, #tpu.memory_space<semaphore_mem>>
      %dma_start3A_453 = tpu.memref_slice %arg3[%mul3A_2] : memref<320000xi32, #tpu.memory_space<hbm>> -> memref<10000xi32, #tpu.memory_space<hbm>>
      %dma_start3A_454 = tpu.memref_slice %arg3[%mul3A_2] : memref<320000xi32, #tpu.memory_space<hbm>> -> memref<10000xi32, #tpu.memory_space<hbm>>
      tpu.enqueue_dma source(%dma_start3A_454 : memref<10000xi32, #tpu.memory_space<hbm>>) target(%arg7 : memref<10000xi32, #tpu.memory_space<vmem>>) target_semaphore(%run_scoped3A_452 : memref<!tpu.dma_semaphore, #tpu.memory_space<semaphore_mem>>)
      %dma_wait3A_455 = tpu.memref_slice %arg3[%mul3A_2] : memref<320000xi32, #tpu.memory_space<hbm>> -> memref<10000xi32, #tpu.memory_space<hbm>>
      %dma_wait3A_456 = tpu.memref_slice %arg3[%mul3A_2] : memref<320000xi32, #tpu.memory_space<hbm>> -> memref<10000xi32, #tpu.memory_space<hbm>>
      tpu.wait_dma2 semaphore(%run_scoped3A_452 : memref<!tpu.dma_semaphore, #tpu.memory_space<semaphore_mem>>) src(%dma_wait3A_456 : memref<10000xi32, #tpu.memory_space<hbm>>) dst(%arg7 : memref<10000xi32, #tpu.memory_space<vmem>>)
      tpu.yield
    }) : () -> ()
    %mul3A_3 = arith.constant 640 : i32
    %mul3A_4 = arith.muli %arg1, %mul3A_3 : i32
    "tpu.region"() ({
      %run_scoped3A_452 = tpu.sem_alloc : memref<!tpu.dma_semaphore, #tpu.memory_space<semaphore_mem>>
      %dma_start3A_453 = arith.constant 0 : i32
      %dma_start3A_454 = tpu.memref_slice %arg10[%mul3A_4, %dma_start3A_453] : memref<10240x128xf32, #tpu.memory_space<vmem_shared>> -> memref<640x128xf32, #tpu.memory_space<vmem_shared>>
      tpu.enqueue_dma source(%arg5 : memref<640x128xf32, #tpu.memory_space<hbm>>) target(%dma_start3A_454 : memref<640x128xf32, #tpu.memory_space<vmem_shared>>) target_semaphore(%run_scoped3A_452 : memref<!tpu.dma_semaphore, #tpu.memory_space<semaphore_mem>>)
      %dma_wait3A_455 = arith.constant 0 : i32
      %dma_wait3A_456 = tpu.memref_slice %arg10[%mul3A_4, %dma_wait3A_455] : memref<10240x128xf32, #tpu.memory_space<vmem_shared>> -> memref<640x128xf32, #tpu.memory_space<vmem_shared>>
      tpu.wait_dma2 semaphore(%run_scoped3A_452 : memref<!tpu.dma_semaphore, #tpu.memory_space<semaphore_mem>>) src(%arg5 : memref<640x128xf32, #tpu.memory_space<hbm>>) dst(%dma_wait3A_456 : memref<640x128xf32, #tpu.memory_space<vmem_shared>>)
      tpu.yield
    }) : () -> ()
    %barrier3A = arith.constant 0 : index
    tpu.barrier barrier_id(%barrier3A)
    %add3A_5 = arith.constant 0 : i32
    %add3A_6 = arith.addi %mul3A_2, %add3A_5 : i32
    %dma_start3A = arith.constant 0 : i32
    %dma_start3A_7 = arith.constant 0 : i32
    %dma_start3A_8 = tpu.memref_slice %arg8[%dma_start3A, %dma_start3A_7] : memref<6x40xi32, #tpu.memory_space<vmem>> -> memref<1x40xi32, #tpu.memory_space<vmem>>
    %dma_start3A_9 = tpu.memref_squeeze %dma_start3A_8 : memref<1x40xi32, #tpu.memory_space<vmem>> -> memref<40xi32, #tpu.memory_space<vmem>>
    %dma_start3A_10 = tpu.memref_slice %arg4[%add3A_6] : memref<320000xi32, #tpu.memory_space<hbm>> -> memref<40xi32, #tpu.memory_space<hbm>>
    %dma_start3A_11 = arith.constant 0 : i32
    %dma_start3A_12 = tpu.memref_slice %arg8[%dma_start3A, %dma_start3A_11] : memref<6x40xi32, #tpu.memory_space<vmem>> -> memref<1x40xi32, #tpu.memory_space<vmem>>
    %dma_start3A_13 = tpu.memref_squeeze %dma_start3A_12 : memref<1x40xi32, #tpu.memory_space<vmem>> -> memref<40xi32, #tpu.memory_space<vmem>>
    %dma_start3A_14 = tpu.memref_slice %arg4[%add3A_6] : memref<320000xi32, #tpu.memory_space<hbm>> -> memref<40xi32, #tpu.memory_space<hbm>>
    tpu.enqueue_dma source(%dma_start3A_14 : memref<40xi32, #tpu.memory_space<hbm>>) target(%dma_start3A_13 : memref<40xi32, #tpu.memory_space<vmem>>) target_semaphore(%arg17 : memref<!tpu.dma_semaphore, #tpu.memory_space<semaphore_mem>>)
    %dma_start3A_15 = arith.constant 0 : i32
    %dma_start3A_16 = arith.constant 0 : i32
    %dma_start3A_17 = arith.constant 0 : i32
    %dma_start3A_18 = tpu.memref_slice %arg9[%dma_start3A_15, %dma_start3A_16, %dma_start3A_17] : memref<6x40x128xf32, #tpu.memory_space<vmem>> -> memref<1x40x128xf32, #tpu.memory_space<vmem>>
    %dma_start3A_19 = tpu.memref_squeeze %dma_start3A_18 : memref<1x40x128xf32, #tpu.memory_space<vmem>> -> memref<40x128xf32, #tpu.memory_space<vmem>>
    %dma_start3A_20 = arith.constant 0 : i32
    %dma_start3A_21 = tpu.memref_slice %arg7[%dma_start3A_20] : memref<10000xi32, #tpu.memory_space<vmem>> -> memref<40xi32, #tpu.memory_space<vmem>>
    %dma_start3A_22 = arith.constant 0 : i32
    %dma_start3A_23 = arith.constant 0 : i32
    %dma_start3A_24 = tpu.memref_slice %arg2[%dma_start3A_22, %dma_start3A_23] : memref<10000x128xf32, #tpu.memory_space<hbm>> -> memref<10000x128xf32, #tpu.memory_space<hbm>>
    tpu.enqueue_indirect_dma source(%dma_start3A_24 : memref<10000x128xf32, #tpu.memory_space<hbm>>) target(%dma_start3A_19 : memref<40x128xf32, #tpu.memory_space<vmem>>) offsets(%dma_start3A_21 : memref<40xi32, #tpu.memory_space<vmem>>) semaphore(%arg11 : memref<!tpu.dma_semaphore, #tpu.memory_space<semaphore_mem>>)
    %add3A_25 = arith.constant 40 : i32
    %add3A_26 = arith.addi %mul3A_2, %add3A_25 : i32
    %dma_start3A_27 = arith.constant 1 : i32
    %dma_start3A_28 = arith.constant 0 : i32
    %dma_start3A_29 = tpu.memref_slice %arg8[%dma_start3A_27, %dma_start3A_28] : memref<6x40xi32, #tpu.memory_space<vmem>> -> memref<1x40xi32, #tpu.memory_space<vmem>>
    %dma_start3A_30 = tpu.memref_squeeze %dma_start3A_29 : memref<1x40xi32, #tpu.memory_space<vmem>> -> memref<40xi32, #tpu.memory_space<vmem>>
    %dma_start3A_31 = tpu.memref_slice %arg4[%add3A_26] : memref<320000xi32, #tpu.memory_space<hbm>> -> memref<40xi32, #tpu.memory_space<hbm>>
    %dma_start3A_32 = arith.constant 0 : i32
    %dma_start3A_33 = tpu.memref_slice %arg8[%dma_start3A_27, %dma_start3A_32] : memref<6x40xi32, #tpu.memory_space<vmem>> -> memref<1x40xi32, #tpu.memory_space<vmem>>
    %dma_start3A_34 = tpu.memref_squeeze %dma_start3A_33 : memref<1x40xi32, #tpu.memory_space<vmem>> -> memref<40xi32, #tpu.memory_space<vmem>>
    %dma_start3A_35 = tpu.memref_slice %arg4[%add3A_26] : memref<320000xi32, #tpu.memory_space<hbm>> -> memref<40xi32, #tpu.memory_space<hbm>>
    tpu.enqueue_dma source(%dma_start3A_35 : memref<40xi32, #tpu.memory_space<hbm>>) target(%dma_start3A_34 : memref<40xi32, #tpu.memory_space<vmem>>) target_semaphore(%arg18 : memref<!tpu.dma_semaphore, #tpu.memory_space<semaphore_mem>>)
    %dma_start3A_36 = arith.constant 1 : i32
    %dma_start3A_37 = arith.constant 0 : i32
    %dma_start3A_38 = arith.constant 0 : i32
    %dma_start3A_39 = tpu.memref_slice %arg9[%dma_start3A_36, %dma_start3A_37, %dma_start3A_38] : memref<6x40x128xf32, #tpu.memory_space<vmem>> -> memref<1x40x128xf32, #tpu.memory_space<vmem>>
    %dma_start3A_40 = tpu.memref_squeeze %dma_start3A_39 : memref<1x40x128xf32, #tpu.memory_space<vmem>> -> memref<40x128xf32, #tpu.memory_space<vmem>>
    %dma_start3A_41 = arith.constant 40 : i32
    %dma_start3A_42 = tpu.memref_slice %arg7[%dma_start3A_41] : memref<10000xi32, #tpu.memory_space<vmem>> -> memref<40xi32, #tpu.memory_space<vmem>>
    %dma_start3A_43 = arith.constant 0 : i32
    %dma_start3A_44 = arith.constant 0 : i32
    %dma_start3A_45 = tpu.memref_slice %arg2[%dma_start3A_43, %dma_start3A_44] : memref<10000x128xf32, #tpu.memory_space<hbm>> -> memref<10000x128xf32, #tpu.memory_space<hbm>>
    tpu.enqueue_indirect_dma source(%dma_start3A_45 : memref<10000x128xf32, #tpu.memory_space<hbm>>) target(%dma_start3A_40 : memref<40x128xf32, #tpu.memory_space<vmem>>) offsets(%dma_start3A_42 : memref<40xi32, #tpu.memory_space<vmem>>) semaphore(%arg12 : memref<!tpu.dma_semaphore, #tpu.memory_space<semaphore_mem>>)
    %add3A_46 = arith.constant 80 : i32
    %add3A_47 = arith.addi %mul3A_2, %add3A_46 : i32
    %dma_start3A_48 = arith.constant 2 : i32
    %dma_start3A_49 = arith.constant 0 : i32
    %dma_start3A_50 = tpu.memref_slice %arg8[%dma_start3A_48, %dma_start3A_49] : memref<6x40xi32, #tpu.memory_space<vmem>> -> memref<1x40xi32, #tpu.memory_space<vmem>>
    %dma_start3A_51 = tpu.memref_squeeze %dma_start3A_50 : memref<1x40xi32, #tpu.memory_space<vmem>> -> memref<40xi32, #tpu.memory_space<vmem>>
    %dma_start3A_52 = tpu.memref_slice %arg4[%add3A_47] : memref<320000xi32, #tpu.memory_space<hbm>> -> memref<40xi32, #tpu.memory_space<hbm>>
    %dma_start3A_53 = arith.constant 0 : i32
    %dma_start3A_54 = tpu.memref_slice %arg8[%dma_start3A_48, %dma_start3A_53] : memref<6x40xi32, #tpu.memory_space<vmem>> -> memref<1x40xi32, #tpu.memory_space<vmem>>
    %dma_start3A_55 = tpu.memref_squeeze %dma_start3A_54 : memref<1x40xi32, #tpu.memory_space<vmem>> -> memref<40xi32, #tpu.memory_space<vmem>>
    %dma_start3A_56 = tpu.memref_slice %arg4[%add3A_47] : memref<320000xi32, #tpu.memory_space<hbm>> -> memref<40xi32, #tpu.memory_space<hbm>>
    tpu.enqueue_dma source(%dma_start3A_56 : memref<40xi32, #tpu.memory_space<hbm>>) target(%dma_start3A_55 : memref<40xi32, #tpu.memory_space<vmem>>) target_semaphore(%arg19 : memref<!tpu.dma_semaphore, #tpu.memory_space<semaphore_mem>>)
    %dma_start3A_57 = arith.constant 2 : i32
    %dma_start3A_58 = arith.constant 0 : i32
    %dma_start3A_59 = arith.constant 0 : i32
    %dma_start3A_60 = tpu.memref_slice %arg9[%dma_start3A_57, %dma_start3A_58, %dma_start3A_59] : memref<6x40x128xf32, #tpu.memory_space<vmem>> -> memref<1x40x128xf32, #tpu.memory_space<vmem>>
    %dma_start3A_61 = tpu.memref_squeeze %dma_start3A_60 : memref<1x40x128xf32, #tpu.memory_space<vmem>> -> memref<40x128xf32, #tpu.memory_space<vmem>>
    %dma_start3A_62 = arith.constant 80 : i32
    %dma_start3A_63 = tpu.memref_slice %arg7[%dma_start3A_62] : memref<10000xi32, #tpu.memory_space<vmem>> -> memref<40xi32, #tpu.memory_space<vmem>>
    %dma_start3A_64 = arith.constant 0 : i32
    %dma_start3A_65 = arith.constant 0 : i32
    %dma_start3A_66 = tpu.memref_slice %arg2[%dma_start3A_64, %dma_start3A_65] : memref<10000x128xf32, #tpu.memory_space<hbm>> -> memref<10000x128xf32, #tpu.memory_space<hbm>>
    tpu.enqueue_indirect_dma source(%dma_start3A_66 : memref<10000x128xf32, #tpu.memory_space<hbm>>) target(%dma_start3A_61 : memref<40x128xf32, #tpu.memory_space<vmem>>) offsets(%dma_start3A_63 : memref<40xi32, #tpu.memory_space<vmem>>) semaphore(%arg13 : memref<!tpu.dma_semaphore, #tpu.memory_space<semaphore_mem>>)
    %add3A_67 = arith.constant 120 : i32
    %add3A_68 = arith.addi %mul3A_2, %add3A_67 : i32
    %dma_start3A_69 = arith.constant 3 : i32
    %dma_start3A_70 = arith.constant 0 : i32
    %dma_start3A_71 = tpu.memref_slice %arg8[%dma_start3A_69, %dma_start3A_70] : memref<6x40xi32, #tpu.memory_space<vmem>> -> memref<1x40xi32, #tpu.memory_space<vmem>>
    %dma_start3A_72 = tpu.memref_squeeze %dma_start3A_71 : memref<1x40xi32, #tpu.memory_space<vmem>> -> memref<40xi32, #tpu.memory_space<vmem>>
    %dma_start3A_73 = tpu.memref_slice %arg4[%add3A_68] : memref<320000xi32, #tpu.memory_space<hbm>> -> memref<40xi32, #tpu.memory_space<hbm>>
    %dma_start3A_74 = arith.constant 0 : i32
    %dma_start3A_75 = tpu.memref_slice %arg8[%dma_start3A_69, %dma_start3A_74] : memref<6x40xi32, #tpu.memory_space<vmem>> -> memref<1x40xi32, #tpu.memory_space<vmem>>
    %dma_start3A_76 = tpu.memref_squeeze %dma_start3A_75 : memref<1x40xi32, #tpu.memory_space<vmem>> -> memref<40xi32, #tpu.memory_space<vmem>>
    %dma_start3A_77 = tpu.memref_slice %arg4[%add3A_68] : memref<320000xi32, #tpu.memory_space<hbm>> -> memref<40xi32, #tpu.memory_space<hbm>>
    tpu.enqueue_dma source(%dma_start3A_77 : memref<40xi32, #tpu.memory_space<hbm>>) target(%dma_start3A_76 : memref<40xi32, #tpu.memory_space<vmem>>) target_semaphore(%arg20 : memref<!tpu.dma_semaphore, #tpu.memory_space<semaphore_mem>>)
    %dma_start3A_78 = arith.constant 3 : i32
    %dma_start3A_79 = arith.constant 0 : i32
    %dma_start3A_80 = arith.constant 0 : i32
    %dma_start3A_81 = tpu.memref_slice %arg9[%dma_start3A_78, %dma_start3A_79, %dma_start3A_80] : memref<6x40x128xf32, #tpu.memory_space<vmem>> -> memref<1x40x128xf32, #tpu.memory_space<vmem>>
    %dma_start3A_82 = tpu.memref_squeeze %dma_start3A_81 : memref<1x40x128xf32, #tpu.memory_space<vmem>> -> memref<40x128xf32, #tpu.memory_space<vmem>>
    %dma_start3A_83 = arith.constant 120 : i32
    %dma_start3A_84 = tpu.memref_slice %arg7[%dma_start3A_83] : memref<10000xi32, #tpu.memory_space<vmem>> -> memref<40xi32, #tpu.memory_space<vmem>>
    %dma_start3A_85 = arith.constant 0 : i32
    %dma_start3A_86 = arith.constant 0 : i32
    %dma_start3A_87 = tpu.memref_slice %arg2[%dma_start3A_85, %dma_start3A_86] : memref<10000x128xf32, #tpu.memory_space<hbm>> -> memref<10000x128xf32, #tpu.memory_space<hbm>>
    tpu.enqueue_indirect_dma source(%dma_start3A_87 : memref<10000x128xf32, #tpu.memory_space<hbm>>) target(%dma_start3A_82 : memref<40x128xf32, #tpu.memory_space<vmem>>) offsets(%dma_start3A_84 : memref<40xi32, #tpu.memory_space<vmem>>) semaphore(%arg14 : memref<!tpu.dma_semaphore, #tpu.memory_space<semaphore_mem>>)
    %add3A_88 = arith.constant 160 : i32
    %add3A_89 = arith.addi %mul3A_2, %add3A_88 : i32
    %dma_start3A_90 = arith.constant 4 : i32
    %dma_start3A_91 = arith.constant 0 : i32
    %dma_start3A_92 = tpu.memref_slice %arg8[%dma_start3A_90, %dma_start3A_91] : memref<6x40xi32, #tpu.memory_space<vmem>> -> memref<1x40xi32, #tpu.memory_space<vmem>>
    %dma_start3A_93 = tpu.memref_squeeze %dma_start3A_92 : memref<1x40xi32, #tpu.memory_space<vmem>> -> memref<40xi32, #tpu.memory_space<vmem>>
    %dma_start3A_94 = tpu.memref_slice %arg4[%add3A_89] : memref<320000xi32, #tpu.memory_space<hbm>> -> memref<40xi32, #tpu.memory_space<hbm>>
    %dma_start3A_95 = arith.constant 0 : i32
    %dma_start3A_96 = tpu.memref_slice %arg8[%dma_start3A_90, %dma_start3A_95] : memref<6x40xi32, #tpu.memory_space<vmem>> -> memref<1x40xi32, #tpu.memory_space<vmem>>
    %dma_start3A_97 = tpu.memref_squeeze %dma_start3A_96 : memref<1x40xi32, #tpu.memory_space<vmem>> -> memref<40xi32, #tpu.memory_space<vmem>>
    %dma_start3A_98 = tpu.memref_slice %arg4[%add3A_89] : memref<320000xi32, #tpu.memory_space<hbm>> -> memref<40xi32, #tpu.memory_space<hbm>>
    tpu.enqueue_dma source(%dma_start3A_98 : memref<40xi32, #tpu.memory_space<hbm>>) target(%dma_start3A_97 : memref<40xi32, #tpu.memory_space<vmem>>) target_semaphore(%arg21 : memref<!tpu.dma_semaphore, #tpu.memory_space<semaphore_mem>>)
    %dma_start3A_99 = arith.constant 4 : i32
    %dma_start3A_100 = arith.constant 0 : i32
    %dma_start3A_101 = arith.constant 0 : i32
    %dma_start3A_102 = tpu.memref_slice %arg9[%dma_start3A_99, %dma_start3A_100, %dma_start3A_101] : memref<6x40x128xf32, #tpu.memory_space<vmem>> -> memref<1x40x128xf32, #tpu.memory_space<vmem>>
    %dma_start3A_103 = tpu.memref_squeeze %dma_start3A_102 : memref<1x40x128xf32, #tpu.memory_space<vmem>> -> memref<40x128xf32, #tpu.memory_space<vmem>>
    %dma_start3A_104 = arith.constant 160 : i32
    %dma_start3A_105 = tpu.memref_slice %arg7[%dma_start3A_104] : memref<10000xi32, #tpu.memory_space<vmem>> -> memref<40xi32, #tpu.memory_space<vmem>>
    %dma_start3A_106 = arith.constant 0 : i32
    %dma_start3A_107 = arith.constant 0 : i32
    %dma_start3A_108 = tpu.memref_slice %arg2[%dma_start3A_106, %dma_start3A_107] : memref<10000x128xf32, #tpu.memory_space<hbm>> -> memref<10000x128xf32, #tpu.memory_space<hbm>>
    tpu.enqueue_indirect_dma source(%dma_start3A_108 : memref<10000x128xf32, #tpu.memory_space<hbm>>) target(%dma_start3A_103 : memref<40x128xf32, #tpu.memory_space<vmem>>) offsets(%dma_start3A_105 : memref<40xi32, #tpu.memory_space<vmem>>) semaphore(%arg15 : memref<!tpu.dma_semaphore, #tpu.memory_space<semaphore_mem>>)
    %add3A_109 = arith.constant 200 : i32
    %add3A_110 = arith.addi %mul3A_2, %add3A_109 : i32
    %dma_start3A_111 = arith.constant 5 : i32
    %dma_start3A_112 = arith.constant 0 : i32
    %dma_start3A_113 = tpu.memref_slice %arg8[%dma_start3A_111, %dma_start3A_112] : memref<6x40xi32, #tpu.memory_space<vmem>> -> memref<1x40xi32, #tpu.memory_space<vmem>>
    %dma_start3A_114 = tpu.memref_squeeze %dma_start3A_113 : memref<1x40xi32, #tpu.memory_space<vmem>> -> memref<40xi32, #tpu.memory_space<vmem>>
    %dma_start3A_115 = tpu.memref_slice %arg4[%add3A_110] : memref<320000xi32, #tpu.memory_space<hbm>> -> memref<40xi32, #tpu.memory_space<hbm>>
    %dma_start3A_116 = arith.constant 0 : i32
    %dma_start3A_117 = tpu.memref_slice %arg8[%dma_start3A_111, %dma_start3A_116] : memref<6x40xi32, #tpu.memory_space<vmem>> -> memref<1x40xi32, #tpu.memory_space<vmem>>
    %dma_start3A_118 = tpu.memref_squeeze %dma_start3A_117 : memref<1x40xi32, #tpu.memory_space<vmem>> -> memref<40xi32, #tpu.memory_space<vmem>>
    %dma_start3A_119 = tpu.memref_slice %arg4[%add3A_110] : memref<320000xi32, #tpu.memory_space<hbm>> -> memref<40xi32, #tpu.memory_space<hbm>>
    tpu.enqueue_dma source(%dma_start3A_119 : memref<40xi32, #tpu.memory_space<hbm>>) target(%dma_start3A_118 : memref<40xi32, #tpu.memory_space<vmem>>) target_semaphore(%arg22 : memref<!tpu.dma_semaphore, #tpu.memory_space<semaphore_mem>>)
    %dma_start3A_120 = arith.constant 5 : i32
    %dma_start3A_121 = arith.constant 0 : i32
    %dma_start3A_122 = arith.constant 0 : i32
    %dma_start3A_123 = tpu.memref_slice %arg9[%dma_start3A_120, %dma_start3A_121, %dma_start3A_122] : memref<6x40x128xf32, #tpu.memory_space<vmem>> -> memref<1x40x128xf32, #tpu.memory_space<vmem>>
    %dma_start3A_124 = tpu.memref_squeeze %dma_start3A_123 : memref<1x40x128xf32, #tpu.memory_space<vmem>> -> memref<40x128xf32, #tpu.memory_space<vmem>>
    %dma_start3A_125 = arith.constant 200 : i32
    %dma_start3A_126 = tpu.memref_slice %arg7[%dma_start3A_125] : memref<10000xi32, #tpu.memory_space<vmem>> -> memref<40xi32, #tpu.memory_space<vmem>>
    %dma_start3A_127 = arith.constant 0 : i32
    %dma_start3A_128 = arith.constant 0 : i32
    %dma_start3A_129 = tpu.memref_slice %arg2[%dma_start3A_127, %dma_start3A_128] : memref<10000x128xf32, #tpu.memory_space<hbm>> -> memref<10000x128xf32, #tpu.memory_space<hbm>>
    tpu.enqueue_indirect_dma source(%dma_start3A_129 : memref<10000x128xf32, #tpu.memory_space<hbm>>) target(%dma_start3A_124 : memref<40x128xf32, #tpu.memory_space<vmem>>) offsets(%dma_start3A_126 : memref<40xi32, #tpu.memory_space<vmem>>) semaphore(%arg16 : memref<!tpu.dma_semaphore, #tpu.memory_space<semaphore_mem>>)
    %scan3A = arith.constant 0 : i32
    %scan3A_130 = arith.constant 0 : i32
    %scan3A_131 = arith.constant 40 : i32
    %scan3A_132 = arith.addi %scan3A_130, %scan3A_131 : i32
    %scan3A_133 = arith.constant 1 : i32
    scf.for %scan3A_452 = %scan3A_130 to %scan3A_132 step %scan3A_133  : i32 {
      %mul3A_453 = arith.constant 6 : i32
      %mul3A_454 = arith.muli %mul3A_453, %scan3A_452 : i32
      %add3A_455 = arith.constant 0 : i32
      %add3A_456 = arith.addi %mul3A_454, %add3A_455 : i32
      %mul3A_457 = arith.constant 40 : i32
      %mul3A_458 = arith.muli %add3A_456, %mul3A_457 : i32
      %add3A_459 = arith.addi %mul3A_2, %mul3A_458 : i32
      %dma_wait3A_460 = arith.constant 0 : i32
      %dma_wait3A_461 = arith.constant 0 : i32
      %dma_wait3A_462 = tpu.memref_slice %arg8[%dma_wait3A_460, %dma_wait3A_461] : memref<6x40xi32, #tpu.memory_space<vmem>> -> memref<1x40xi32, #tpu.memory_space<vmem>>
      %dma_wait3A_463 = tpu.memref_squeeze %dma_wait3A_462 : memref<1x40xi32, #tpu.memory_space<vmem>> -> memref<40xi32, #tpu.memory_space<vmem>>
      %dma_wait3A_464 = tpu.memref_slice %arg4[%add3A_459] : memref<320000xi32, #tpu.memory_space<hbm>> -> memref<40xi32, #tpu.memory_space<hbm>>
      %dma_wait3A_465 = arith.constant 0 : i32
      %dma_wait3A_466 = tpu.memref_slice %arg8[%dma_wait3A_460, %dma_wait3A_465] : memref<6x40xi32, #tpu.memory_space<vmem>> -> memref<1x40xi32, #tpu.memory_space<vmem>>
      %dma_wait3A_467 = tpu.memref_squeeze %dma_wait3A_466 : memref<1x40xi32, #tpu.memory_space<vmem>> -> memref<40xi32, #tpu.memory_space<vmem>>
      %dma_wait3A_468 = tpu.memref_slice %arg4[%add3A_459] : memref<320000xi32, #tpu.memory_space<hbm>> -> memref<40xi32, #tpu.memory_space<hbm>>
      tpu.wait_dma2 semaphore(%arg17 : memref<!tpu.dma_semaphore, #tpu.memory_space<semaphore_mem>>) src(%dma_wait3A_468 : memref<40xi32, #tpu.memory_space<hbm>>) dst(%dma_wait3A_467 : memref<40xi32, #tpu.memory_space<vmem>>)
      %mul3A_469 = arith.constant 40 : i32
      %mul3A_470 = arith.muli %add3A_456, %mul3A_469 : i32
      %dma_wait3A_471 = arith.constant 0 : i32
      %dma_wait3A_472 = arith.constant 0 : i32
      %dma_wait3A_473 = arith.constant 0 : i32
      %dma_wait3A_474 = tpu.memref_slice %arg9[%dma_wait3A_471, %dma_wait3A_472, %dma_wait3A_473] : memref<6x40x128xf32, #tpu.memory_space<vmem>> -> memref<1x40x128xf32, #tpu.memory_space<vmem>>
      %dma_wait3A_475 = tpu.memref_squeeze %dma_wait3A_474 : memref<1x40x128xf32, #tpu.memory_space<vmem>> -> memref<40x128xf32, #tpu.memory_space<vmem>>
      %dma_wait3A_476 = tpu.memref_slice %arg7[%mul3A_470] : memref<10000xi32, #tpu.memory_space<vmem>> -> memref<40xi32, #tpu.memory_space<vmem>>
      %dma_wait3A_477 = arith.constant 0 : i32
      %dma_wait3A_478 = arith.constant 0 : i32
      %dma_wait3A_479 = tpu.memref_slice %arg2[%dma_wait3A_477, %dma_wait3A_478] : memref<10000x128xf32, #tpu.memory_space<hbm>> -> memref<10000x128xf32, #tpu.memory_space<hbm>>
      tpu.wait_indirect_dma semaphore(%arg11 : memref<!tpu.dma_semaphore, #tpu.memory_space<semaphore_mem>>) src(%dma_wait3A_479 : memref<10000x128xf32, #tpu.memory_space<hbm>>) dst(%dma_wait3A_475 : memref<40x128xf32, #tpu.memory_space<vmem>>)
      %run_scoped3A_480 = arith.constant 0 : i32
      %run_scoped3A_481 = arith.constant 0 : i32
      "tpu.region"() ({
        %run_scoped3A_777 = tpu.sem_alloc : memref<!tpu.dma_semaphore, #tpu.memory_space<semaphore_mem>>
        %dma_start3A_778 = arith.constant 0 : i32
        %dma_start3A_779 = arith.constant 0 : i32
        %dma_start3A_780 = tpu.memref_slice %arg9[%run_scoped3A_480, %dma_start3A_778, %dma_start3A_779] : memref<6x40x128xf32, #tpu.memory_space<vmem>> -> memref<1x40x128xf32, #tpu.memory_space<vmem>>
        %dma_start3A_781 = tpu.memref_squeeze %dma_start3A_780 : memref<1x40x128xf32, #tpu.memory_space<vmem>> -> memref<40x128xf32, #tpu.memory_space<vmem>>
        %dma_start3A_782 = arith.constant 0 : i32
        %dma_start3A_783 = tpu.memref_slice %arg8[%run_scoped3A_481, %dma_start3A_782] : memref<6x40xi32, #tpu.memory_space<vmem>> -> memref<1x40xi32, #tpu.memory_space<vmem>>
        %dma_start3A_784 = tpu.memref_squeeze %dma_start3A_783 : memref<1x40xi32, #tpu.memory_space<vmem>> -> memref<40xi32, #tpu.memory_space<vmem>>
        %dma_start3A_785 = arith.constant 0 : i32
        %dma_start3A_786 = arith.constant 0 : i32
        %dma_start3A_787 = tpu.memref_slice %arg10[%dma_start3A_785, %dma_start3A_786] : memref<10240x128xf32, #tpu.memory_space<vmem_shared>> -> memref<10240x128xf32, #tpu.memory_space<vmem_shared>>
        tpu.enqueue_indirect_dma source(%dma_start3A_781 : memref<40x128xf32, #tpu.memory_space<vmem>>) target(%dma_start3A_787 : memref<10240x128xf32, #tpu.memory_space<vmem_shared>>) offsets(%dma_start3A_784 : memref<40xi32, #tpu.memory_space<vmem>>) semaphore(%run_scoped3A_777 : memref<!tpu.dma_semaphore, #tpu.memory_space<semaphore_mem>>) {add = true}
        %dma_wait3A_788 = arith.constant 0 : i32
        %dma_wait3A_789 = arith.constant 0 : i32
        %dma_wait3A_790 = tpu.memref_slice %arg9[%run_scoped3A_480, %dma_wait3A_788, %dma_wait3A_789] : memref<6x40x128xf32, #tpu.memory_space<vmem>> -> memref<1x40x128xf32, #tpu.memory_space<vmem>>
        %dma_wait3A_791 = tpu.memref_squeeze %dma_wait3A_790 : memref<1x40x128xf32, #tpu.memory_space<vmem>> -> memref<40x128xf32, #tpu.memory_space<vmem>>
        %dma_wait3A_792 = arith.constant 0 : i32
        %dma_wait3A_793 = tpu.memref_slice %arg8[%run_scoped3A_481, %dma_wait3A_792] : memref<6x40xi32, #tpu.memory_space<vmem>> -> memref<1x40xi32, #tpu.memory_space<vmem>>
        %dma_wait3A_794 = tpu.memref_squeeze %dma_wait3A_793 : memref<1x40xi32, #tpu.memory_space<vmem>> -> memref<40xi32, #tpu.memory_space<vmem>>
        %dma_wait3A_795 = arith.constant 0 : i32
        %dma_wait3A_796 = arith.constant 0 : i32
        %dma_wait3A_797 = tpu.memref_slice %arg10[%dma_wait3A_795, %dma_wait3A_796] : memref<10240x128xf32, #tpu.memory_space<vmem_shared>> -> memref<10240x128xf32, #tpu.memory_space<vmem_shared>>
        tpu.wait_indirect_dma semaphore(%run_scoped3A_777 : memref<!tpu.dma_semaphore, #tpu.memory_space<semaphore_mem>>) src(%dma_wait3A_791 : memref<40x128xf32, #tpu.memory_space<vmem>>) dst(%dma_wait3A_797 : memref<10240x128xf32, #tpu.memory_space<vmem_shared>>)
        tpu.yield
      }) : () -> ()
      %add3A_482 = arith.constant 6 : i32
      %add3A_483 = arith.addi %add3A_456, %add3A_482 : i32
      %mul3A_484 = arith.constant 40 : i32
      %mul3A_485 = arith.muli %add3A_483, %mul3A_484 : i32
      %add3A_486 = arith.addi %mul3A_2, %mul3A_485 : i32
      %dma_start3A_487 = arith.constant 0 : i32
      %dma_start3A_488 = arith.constant 0 : i32
      %dma_start3A_489 = tpu.memref_slice %arg8[%dma_start3A_487, %dma_start3A_488] : memref<6x40xi32, #tpu.memory_space<vmem>> -> memref<1x40xi32, #tpu.memory_space<vmem>>
      %dma_start3A_490 = tpu.memref_squeeze %dma_start3A_489 : memref<1x40xi32, #tpu.memory_space<vmem>> -> memref<40xi32, #tpu.memory_space<vmem>>
      %dma_start3A_491 = tpu.memref_slice %arg4[%add3A_486] : memref<320000xi32, #tpu.memory_space<hbm>> -> memref<40xi32, #tpu.memory_space<hbm>>
      %dma_start3A_492 = arith.constant 0 : i32
      %dma_start3A_493 = tpu.memref_slice %arg8[%dma_start3A_487, %dma_start3A_492] : memref<6x40xi32, #tpu.memory_space<vmem>> -> memref<1x40xi32, #tpu.memory_space<vmem>>
      %dma_start3A_494 = tpu.memref_squeeze %dma_start3A_493 : memref<1x40xi32, #tpu.memory_space<vmem>> -> memref<40xi32, #tpu.memory_space<vmem>>
      %dma_start3A_495 = tpu.memref_slice %arg4[%add3A_486] : memref<320000xi32, #tpu.memory_space<hbm>> -> memref<40xi32, #tpu.memory_space<hbm>>
      tpu.enqueue_dma source(%dma_start3A_495 : memref<40xi32, #tpu.memory_space<hbm>>) target(%dma_start3A_494 : memref<40xi32, #tpu.memory_space<vmem>>) target_semaphore(%arg17 : memref<!tpu.dma_semaphore, #tpu.memory_space<semaphore_mem>>)
      %mul3A_496 = arith.constant 40 : i32
      %mul3A_497 = arith.muli %add3A_483, %mul3A_496 : i32
      %dma_start3A_498 = arith.constant 0 : i32
      %dma_start3A_499 = arith.constant 0 : i32
      %dma_start3A_500 = arith.constant 0 : i32
      %dma_start3A_501 = tpu.memref_slice %arg9[%dma_start3A_498, %dma_start3A_499, %dma_start3A_500] : memref<6x40x128xf32, #tpu.memory_space<vmem>> -> memref<1x40x128xf32, #tpu.memory_space<vmem>>
      %dma_start3A_502 = tpu.memref_squeeze %dma_start3A_501 : memref<1x40x128xf32, #tpu.memory_space<vmem>> -> memref<40x128xf32, #tpu.memory_space<vmem>>
      %dma_start3A_503 = tpu.memref_slice %arg7[%mul3A_497] : memref<10000xi32, #tpu.memory_space<vmem>> -> memref<40xi32, #tpu.memory_space<vmem>>
      %dma_start3A_504 = arith.constant 0 : i32
      %dma_start3A_505 = arith.constant 0 : i32
      %dma_start3A_506 = tpu.memref_slice %arg2[%dma_start3A_504, %dma_start3A_505] : memref<10000x128xf32, #tpu.memory_space<hbm>> -> memref<10000x128xf32, #tpu.memory_space<hbm>>
      tpu.enqueue_indirect_dma source(%dma_start3A_506 : memref<10000x128xf32, #tpu.memory_space<hbm>>) target(%dma_start3A_502 : memref<40x128xf32, #tpu.memory_space<vmem>>) offsets(%dma_start3A_503 : memref<40xi32, #tpu.memory_space<vmem>>) semaphore(%arg11 : memref<!tpu.dma_semaphore, #tpu.memory_space<semaphore_mem>>)
      %mul3A_507 = arith.constant 6 : i32
      %mul3A_508 = arith.muli %mul3A_507, %scan3A_452 : i32
      %add3A_509 = arith.constant 1 : i32
      %add3A_510 = arith.addi %mul3A_508, %add3A_509 : i32
      %mul3A_511 = arith.constant 40 : i32
      %mul3A_512 = arith.muli %add3A_510, %mul3A_511 : i32
      %add3A_513 = arith.addi %mul3A_2, %mul3A_512 : i32
      %dma_wait3A_514 = arith.constant 1 : i32
      %dma_wait3A_515 = arith.constant 0 : i32
      %dma_wait3A_516 = tpu.memref_slice %arg8[%dma_wait3A_514, %dma_wait3A_515] : memref<6x40xi32, #tpu.memory_space<vmem>> -> memref<1x40xi32, #tpu.memory_space<vmem>>
      %dma_wait3A_517 = tpu.memref_squeeze %dma_wait3A_516 : memref<1x40xi32, #tpu.memory_space<vmem>> -> memref<40xi32, #tpu.memory_space<vmem>>
      %dma_wait3A_518 = tpu.memref_slice %arg4[%add3A_513] : memref<320000xi32, #tpu.memory_space<hbm>> -> memref<40xi32, #tpu.memory_space<hbm>>
      %dma_wait3A_519 = arith.constant 0 : i32
      %dma_wait3A_520 = tpu.memref_slice %arg8[%dma_wait3A_514, %dma_wait3A_519] : memref<6x40xi32, #tpu.memory_space<vmem>> -> memref<1x40xi32, #tpu.memory_space<vmem>>
      %dma_wait3A_521 = tpu.memref_squeeze %dma_wait3A_520 : memref<1x40xi32, #tpu.memory_space<vmem>> -> memref<40xi32, #tpu.memory_space<vmem>>
      %dma_wait3A_522 = tpu.memref_slice %arg4[%add3A_513] : memref<320000xi32, #tpu.memory_space<hbm>> -> memref<40xi32, #tpu.memory_space<hbm>>
      tpu.wait_dma2 semaphore(%arg18 : memref<!tpu.dma_semaphore, #tpu.memory_space<semaphore_mem>>) src(%dma_wait3A_522 : memref<40xi32, #tpu.memory_space<hbm>>) dst(%dma_wait3A_521 : memref<40xi32, #tpu.memory_space<vmem>>)
      %mul3A_523 = arith.constant 40 : i32
      %mul3A_524 = arith.muli %add3A_510, %mul3A_523 : i32
      %dma_wait3A_525 = arith.constant 1 : i32
      %dma_wait3A_526 = arith.constant 0 : i32
      %dma_wait3A_527 = arith.constant 0 : i32
      %dma_wait3A_528 = tpu.memref_slice %arg9[%dma_wait3A_525, %dma_wait3A_526, %dma_wait3A_527] : memref<6x40x128xf32, #tpu.memory_space<vmem>> -> memref<1x40x128xf32, #tpu.memory_space<vmem>>
      %dma_wait3A_529 = tpu.memref_squeeze %dma_wait3A_528 : memref<1x40x128xf32, #tpu.memory_space<vmem>> -> memref<40x128xf32, #tpu.memory_space<vmem>>
      %dma_wait3A_530 = tpu.memref_slice %arg7[%mul3A_524] : memref<10000xi32, #tpu.memory_space<vmem>> -> memref<40xi32, #tpu.memory_space<vmem>>
      %dma_wait3A_531 = arith.constant 0 : i32
      %dma_wait3A_532 = arith.constant 0 : i32
      %dma_wait3A_533 = tpu.memref_slice %arg2[%dma_wait3A_531, %dma_wait3A_532] : memref<10000x128xf32, #tpu.memory_space<hbm>> -> memref<10000x128xf32, #tpu.memory_space<hbm>>
      tpu.wait_indirect_dma semaphore(%arg12 : memref<!tpu.dma_semaphore, #tpu.memory_space<semaphore_mem>>) src(%dma_wait3A_533 : memref<10000x128xf32, #tpu.memory_space<hbm>>) dst(%dma_wait3A_529 : memref<40x128xf32, #tpu.memory_space<vmem>>)
      %run_scoped3A_534 = arith.constant 1 : i32
      %run_scoped3A_535 = arith.constant 1 : i32
      "tpu.region"() ({
        %run_scoped3A_777 = tpu.sem_alloc : memref<!tpu.dma_semaphore, #tpu.memory_space<semaphore_mem>>
        %dma_start3A_778 = arith.constant 0 : i32
        %dma_start3A_779 = arith.constant 0 : i32
        %dma_start3A_780 = tpu.memref_slice %arg9[%run_scoped3A_534, %dma_start3A_778, %dma_start3A_779] : memref<6x40x128xf32, #tpu.memory_space<vmem>> -> memref<1x40x128xf32, #tpu.memory_space<vmem>>
        %dma_start3A_781 = tpu.memref_squeeze %dma_start3A_780 : memref<1x40x128xf32, #tpu.memory_space<vmem>> -> memref<40x128xf32, #tpu.memory_space<vmem>>
        %dma_start3A_782 = arith.constant 0 : i32
        %dma_start3A_783 = tpu.memref_slice %arg8[%run_scoped3A_535, %dma_start3A_782] : memref<6x40xi32, #tpu.memory_space<vmem>> -> memref<1x40xi32, #tpu.memory_space<vmem>>
        %dma_start3A_784 = tpu.memref_squeeze %dma_start3A_783 : memref<1x40xi32, #tpu.memory_space<vmem>> -> memref<40xi32, #tpu.memory_space<vmem>>
        %dma_start3A_785 = arith.constant 0 : i32
        %dma_start3A_786 = arith.constant 0 : i32
        %dma_start3A_787 = tpu.memref_slice %arg10[%dma_start3A_785, %dma_start3A_786] : memref<10240x128xf32, #tpu.memory_space<vmem_shared>> -> memref<10240x128xf32, #tpu.memory_space<vmem_shared>>
        tpu.enqueue_indirect_dma source(%dma_start3A_781 : memref<40x128xf32, #tpu.memory_space<vmem>>) target(%dma_start3A_787 : memref<10240x128xf32, #tpu.memory_space<vmem_shared>>) offsets(%dma_start3A_784 : memref<40xi32, #tpu.memory_space<vmem>>) semaphore(%run_scoped3A_777 : memref<!tpu.dma_semaphore, #tpu.memory_space<semaphore_mem>>) {add = true}
        %dma_wait3A_788 = arith.constant 0 : i32
        %dma_wait3A_789 = arith.constant 0 : i32
        %dma_wait3A_790 = tpu.memref_slice %arg9[%run_scoped3A_534, %dma_wait3A_788, %dma_wait3A_789] : memref<6x40x128xf32, #tpu.memory_space<vmem>> -> memref<1x40x128xf32, #tpu.memory_space<vmem>>
        %dma_wait3A_791 = tpu.memref_squeeze %dma_wait3A_790 : memref<1x40x128xf32, #tpu.memory_space<vmem>> -> memref<40x128xf32, #tpu.memory_space<vmem>>
        %dma_wait3A_792 = arith.constant 0 : i32
        %dma_wait3A_793 = tpu.memref_slice %arg8[%run_scoped3A_535, %dma_wait3A_792] : memref<6x40xi32, #tpu.memory_space<vmem>> -> memref<1x40xi32, #tpu.memory_space<vmem>>
        %dma_wait3A_794 = tpu.memref_squeeze %dma_wait3A_793 : memref<1x40xi32, #tpu.memory_space<vmem>> -> memref<40xi32, #tpu.memory_space<vmem>>
        %dma_wait3A_795 = arith.constant 0 : i32
        %dma_wait3A_796 = arith.constant 0 : i32
        %dma_wait3A_797 = tpu.memref_slice %arg10[%dma_wait3A_795, %dma_wait3A_796] : memref<10240x128xf32, #tpu.memory_space<vmem_shared>> -> memref<10240x128xf32, #tpu.memory_space<vmem_shared>>
        tpu.wait_indirect_dma semaphore(%run_scoped3A_777 : memref<!tpu.dma_semaphore, #tpu.memory_space<semaphore_mem>>) src(%dma_wait3A_791 : memref<40x128xf32, #tpu.memory_space<vmem>>) dst(%dma_wait3A_797 : memref<10240x128xf32, #tpu.memory_space<vmem_shared>>)
        tpu.yield
      }) : () -> ()
      %add3A_536 = arith.constant 6 : i32
      %add3A_537 = arith.addi %add3A_510, %add3A_536 : i32
      %mul3A_538 = arith.constant 40 : i32
      %mul3A_539 = arith.muli %add3A_537, %mul3A_538 : i32
      %add3A_540 = arith.addi %mul3A_2, %mul3A_539 : i32
      %dma_start3A_541 = arith.constant 1 : i32
      %dma_start3A_542 = arith.constant 0 : i32
      %dma_start3A_543 = tpu.memref_slice %arg8[%dma_start3A_541, %dma_start3A_542] : memref<6x40xi32, #tpu.memory_space<vmem>> -> memref<1x40xi32, #tpu.memory_space<vmem>>
      %dma_start3A_544 = tpu.memref_squeeze %dma_start3A_543 : memref<1x40xi32, #tpu.memory_space<vmem>> -> memref<40xi32, #tpu.memory_space<vmem>>
      %dma_start3A_545 = tpu.memref_slice %arg4[%add3A_540] : memref<320000xi32, #tpu.memory_space<hbm>> -> memref<40xi32, #tpu.memory_space<hbm>>
      %dma_start3A_546 = arith.constant 0 : i32
      %dma_start3A_547 = tpu.memref_slice %arg8[%dma_start3A_541, %dma_start3A_546] : memref<6x40xi32, #tpu.memory_space<vmem>> -> memref<1x40xi32, #tpu.memory_space<vmem>>
      %dma_start3A_548 = tpu.memref_squeeze %dma_start3A_547 : memref<1x40xi32, #tpu.memory_space<vmem>> -> memref<40xi32, #tpu.memory_space<vmem>>
      %dma_start3A_549 = tpu.memref_slice %arg4[%add3A_540] : memref<320000xi32, #tpu.memory_space<hbm>> -> memref<40xi32, #tpu.memory_space<hbm>>
      tpu.enqueue_dma source(%dma_start3A_549 : memref<40xi32, #tpu.memory_space<hbm>>) target(%dma_start3A_548 : memref<40xi32, #tpu.memory_space<vmem>>) target_semaphore(%arg18 : memref<!tpu.dma_semaphore, #tpu.memory_space<semaphore_mem>>)
      %mul3A_550 = arith.constant 40 : i32
      %mul3A_551 = arith.muli %add3A_537, %mul3A_550 : i32
      %dma_start3A_552 = arith.constant 1 : i32
      %dma_start3A_553 = arith.constant 0 : i32
      %dma_start3A_554 = arith.constant 0 : i32
      %dma_start3A_555 = tpu.memref_slice %arg9[%dma_start3A_552, %dma_start3A_553, %dma_start3A_554] : memref<6x40x128xf32, #tpu.memory_space<vmem>> -> memref<1x40x128xf32, #tpu.memory_space<vmem>>
      %dma_start3A_556 = tpu.memref_squeeze %dma_start3A_555 : memref<1x40x128xf32, #tpu.memory_space<vmem>> -> memref<40x128xf32, #tpu.memory_space<vmem>>
      %dma_start3A_557 = tpu.memref_slice %arg7[%mul3A_551] : memref<10000xi32, #tpu.memory_space<vmem>> -> memref<40xi32, #tpu.memory_space<vmem>>
      %dma_start3A_558 = arith.constant 0 : i32
      %dma_start3A_559 = arith.constant 0 : i32
      %dma_start3A_560 = tpu.memref_slice %arg2[%dma_start3A_558, %dma_start3A_559] : memref<10000x128xf32, #tpu.memory_space<hbm>> -> memref<10000x128xf32, #tpu.memory_space<hbm>>
      tpu.enqueue_indirect_dma source(%dma_start3A_560 : memref<10000x128xf32, #tpu.memory_space<hbm>>) target(%dma_start3A_556 : memref<40x128xf32, #tpu.memory_space<vmem>>) offsets(%dma_start3A_557 : memref<40xi32, #tpu.memory_space<vmem>>) semaphore(%arg12 : memref<!tpu.dma_semaphore, #tpu.memory_space<semaphore_mem>>)
      %mul3A_561 = arith.constant 6 : i32
      %mul3A_562 = arith.muli %mul3A_561, %scan3A_452 : i32
      %add3A_563 = arith.constant 2 : i32
      %add3A_564 = arith.addi %mul3A_562, %add3A_563 : i32
      %mul3A_565 = arith.constant 40 : i32
      %mul3A_566 = arith.muli %add3A_564, %mul3A_565 : i32
      %add3A_567 = arith.addi %mul3A_2, %mul3A_566 : i32
      %dma_wait3A_568 = arith.constant 2 : i32
      %dma_wait3A_569 = arith.constant 0 : i32
      %dma_wait3A_570 = tpu.memref_slice %arg8[%dma_wait3A_568, %dma_wait3A_569] : memref<6x40xi32, #tpu.memory_space<vmem>> -> memref<1x40xi32, #tpu.memory_space<vmem>>
      %dma_wait3A_571 = tpu.memref_squeeze %dma_wait3A_570 : memref<1x40xi32, #tpu.memory_space<vmem>> -> memref<40xi32, #tpu.memory_space<vmem>>
      %dma_wait3A_572 = tpu.memref_slice %arg4[%add3A_567] : memref<320000xi32, #tpu.memory_space<hbm>> -> memref<40xi32, #tpu.memory_space<hbm>>
      %dma_wait3A_573 = arith.constant 0 : i32
      %dma_wait3A_574 = tpu.memref_slice %arg8[%dma_wait3A_568, %dma_wait3A_573] : memref<6x40xi32, #tpu.memory_space<vmem>> -> memref<1x40xi32, #tpu.memory_space<vmem>>
      %dma_wait3A_575 = tpu.memref_squeeze %dma_wait3A_574 : memref<1x40xi32, #tpu.memory_space<vmem>> -> memref<40xi32, #tpu.memory_space<vmem>>
      %dma_wait3A_576 = tpu.memref_slice %arg4[%add3A_567] : memref<320000xi32, #tpu.memory_space<hbm>> -> memref<40xi32, #tpu.memory_space<hbm>>
      tpu.wait_dma2 semaphore(%arg19 : memref<!tpu.dma_semaphore, #tpu.memory_space<semaphore_mem>>) src(%dma_wait3A_576 : memref<40xi32, #tpu.memory_space<hbm>>) dst(%dma_wait3A_575 : memref<40xi32, #tpu.memory_space<vmem>>)
      %mul3A_577 = arith.constant 40 : i32
      %mul3A_578 = arith.muli %add3A_564, %mul3A_577 : i32
      %dma_wait3A_579 = arith.constant 2 : i32
      %dma_wait3A_580 = arith.constant 0 : i32
      %dma_wait3A_581 = arith.constant 0 : i32
      %dma_wait3A_582 = tpu.memref_slice %arg9[%dma_wait3A_579, %dma_wait3A_580, %dma_wait3A_581] : memref<6x40x128xf32, #tpu.memory_space<vmem>> -> memref<1x40x128xf32, #tpu.memory_space<vmem>>
      %dma_wait3A_583 = tpu.memref_squeeze %dma_wait3A_582 : memref<1x40x128xf32, #tpu.memory_space<vmem>> -> memref<40x128xf32, #tpu.memory_space<vmem>>
      %dma_wait3A_584 = tpu.memref_slice %arg7[%mul3A_578] : memref<10000xi32, #tpu.memory_space<vmem>> -> memref<40xi32, #tpu.memory_space<vmem>>
      %dma_wait3A_585 = arith.constant 0 : i32
      %dma_wait3A_586 = arith.constant 0 : i32
      %dma_wait3A_587 = tpu.memref_slice %arg2[%dma_wait3A_585, %dma_wait3A_586] : memref<10000x128xf32, #tpu.memory_space<hbm>> -> memref<10000x128xf32, #tpu.memory_space<hbm>>
      tpu.wait_indirect_dma semaphore(%arg13 : memref<!tpu.dma_semaphore, #tpu.memory_space<semaphore_mem>>) src(%dma_wait3A_587 : memref<10000x128xf32, #tpu.memory_space<hbm>>) dst(%dma_wait3A_583 : memref<40x128xf32, #tpu.memory_space<vmem>>)
      %run_scoped3A_588 = arith.constant 2 : i32
      %run_scoped3A_589 = arith.constant 2 : i32
      "tpu.region"() ({
        %run_scoped3A_777 = tpu.sem_alloc : memref<!tpu.dma_semaphore, #tpu.memory_space<semaphore_mem>>
        %dma_start3A_778 = arith.constant 0 : i32
        %dma_start3A_779 = arith.constant 0 : i32
        %dma_start3A_780 = tpu.memref_slice %arg9[%run_scoped3A_588, %dma_start3A_778, %dma_start3A_779] : memref<6x40x128xf32, #tpu.memory_space<vmem>> -> memref<1x40x128xf32, #tpu.memory_space<vmem>>
        %dma_start3A_781 = tpu.memref_squeeze %dma_start3A_780 : memref<1x40x128xf32, #tpu.memory_space<vmem>> -> memref<40x128xf32, #tpu.memory_space<vmem>>
        %dma_start3A_782 = arith.constant 0 : i32
        %dma_start3A_783 = tpu.memref_slice %arg8[%run_scoped3A_589, %dma_start3A_782] : memref<6x40xi32, #tpu.memory_space<vmem>> -> memref<1x40xi32, #tpu.memory_space<vmem>>
        %dma_start3A_784 = tpu.memref_squeeze %dma_start3A_783 : memref<1x40xi32, #tpu.memory_space<vmem>> -> memref<40xi32, #tpu.memory_space<vmem>>
        %dma_start3A_785 = arith.constant 0 : i32
        %dma_start3A_786 = arith.constant 0 : i32
        %dma_start3A_787 = tpu.memref_slice %arg10[%dma_start3A_785, %dma_start3A_786] : memref<10240x128xf32, #tpu.memory_space<vmem_shared>> -> memref<10240x128xf32, #tpu.memory_space<vmem_shared>>
        tpu.enqueue_indirect_dma source(%dma_start3A_781 : memref<40x128xf32, #tpu.memory_space<vmem>>) target(%dma_start3A_787 : memref<10240x128xf32, #tpu.memory_space<vmem_shared>>) offsets(%dma_start3A_784 : memref<40xi32, #tpu.memory_space<vmem>>) semaphore(%run_scoped3A_777 : memref<!tpu.dma_semaphore, #tpu.memory_space<semaphore_mem>>) {add = true}
        %dma_wait3A_788 = arith.constant 0 : i32
        %dma_wait3A_789 = arith.constant 0 : i32
        %dma_wait3A_790 = tpu.memref_slice %arg9[%run_scoped3A_588, %dma_wait3A_788, %dma_wait3A_789] : memref<6x40x128xf32, #tpu.memory_space<vmem>> -> memref<1x40x128xf32, #tpu.memory_space<vmem>>
        %dma_wait3A_791 = tpu.memref_squeeze %dma_wait3A_790 : memref<1x40x128xf32, #tpu.memory_space<vmem>> -> memref<40x128xf32, #tpu.memory_space<vmem>>
        %dma_wait3A_792 = arith.constant 0 : i32
        %dma_wait3A_793 = tpu.memref_slice %arg8[%run_scoped3A_589, %dma_wait3A_792] : memref<6x40xi32, #tpu.memory_space<vmem>> -> memref<1x40xi32, #tpu.memory_space<vmem>>
        %dma_wait3A_794 = tpu.memref_squeeze %dma_wait3A_793 : memref<1x40xi32, #tpu.memory_space<vmem>> -> memref<40xi32, #tpu.memory_space<vmem>>
        %dma_wait3A_795 = arith.constant 0 : i32
        %dma_wait3A_796 = arith.constant 0 : i32
        %dma_wait3A_797 = tpu.memref_slice %arg10[%dma_wait3A_795, %dma_wait3A_796] : memref<10240x128xf32, #tpu.memory_space<vmem_shared>> -> memref<10240x128xf32, #tpu.memory_space<vmem_shared>>
        tpu.wait_indirect_dma semaphore(%run_scoped3A_777 : memref<!tpu.dma_semaphore, #tpu.memory_space<semaphore_mem>>) src(%dma_wait3A_791 : memref<40x128xf32, #tpu.memory_space<vmem>>) dst(%dma_wait3A_797 : memref<10240x128xf32, #tpu.memory_space<vmem_shared>>)
        tpu.yield
      }) : () -> ()
      %add3A_590 = arith.constant 6 : i32
      %add3A_591 = arith.addi %add3A_564, %add3A_590 : i32
      %mul3A_592 = arith.constant 40 : i32
      %mul3A_593 = arith.muli %add3A_591, %mul3A_592 : i32
      %add3A_594 = arith.addi %mul3A_2, %mul3A_593 : i32
      %dma_start3A_595 = arith.constant 2 : i32
      %dma_start3A_596 = arith.constant 0 : i32
      %dma_start3A_597 = tpu.memref_slice %arg8[%dma_start3A_595, %dma_start3A_596] : memref<6x40xi32, #tpu.memory_space<vmem>> -> memref<1x40xi32, #tpu.memory_space<vmem>>
      %dma_start3A_598 = tpu.memref_squeeze %dma_start3A_597 : memref<1x40xi32, #tpu.memory_space<vmem>> -> memref<40xi32, #tpu.memory_space<vmem>>
      %dma_start3A_599 = tpu.memref_slice %arg4[%add3A_594] : memref<320000xi32, #tpu.memory_space<hbm>> -> memref<40xi32, #tpu.memory_space<hbm>>
      %dma_start3A_600 = arith.constant 0 : i32
      %dma_start3A_601 = tpu.memref_slice %arg8[%dma_start3A_595, %dma_start3A_600] : memref<6x40xi32, #tpu.memory_space<vmem>> -> memref<1x40xi32, #tpu.memory_space<vmem>>
      %dma_start3A_602 = tpu.memref_squeeze %dma_start3A_601 : memref<1x40xi32, #tpu.memory_space<vmem>> -> memref<40xi32, #tpu.memory_space<vmem>>
      %dma_start3A_603 = tpu.memref_slice %arg4[%add3A_594] : memref<320000xi32, #tpu.memory_space<hbm>> -> memref<40xi32, #tpu.memory_space<hbm>>
      tpu.enqueue_dma source(%dma_start3A_603 : memref<40xi32, #tpu.memory_space<hbm>>) target(%dma_start3A_602 : memref<40xi32, #tpu.memory_space<vmem>>) target_semaphore(%arg19 : memref<!tpu.dma_semaphore, #tpu.memory_space<semaphore_mem>>)
      %mul3A_604 = arith.constant 40 : i32
      %mul3A_605 = arith.muli %add3A_591, %mul3A_604 : i32
      %dma_start3A_606 = arith.constant 2 : i32
      %dma_start3A_607 = arith.constant 0 : i32
      %dma_start3A_608 = arith.constant 0 : i32
      %dma_start3A_609 = tpu.memref_slice %arg9[%dma_start3A_606, %dma_start3A_607, %dma_start3A_608] : memref<6x40x128xf32, #tpu.memory_space<vmem>> -> memref<1x40x128xf32, #tpu.memory_space<vmem>>
      %dma_start3A_610 = tpu.memref_squeeze %dma_start3A_609 : memref<1x40x128xf32, #tpu.memory_space<vmem>> -> memref<40x128xf32, #tpu.memory_space<vmem>>
      %dma_start3A_611 = tpu.memref_slice %arg7[%mul3A_605] : memref<10000xi32, #tpu.memory_space<vmem>> -> memref<40xi32, #tpu.memory_space<vmem>>
      %dma_start3A_612 = arith.constant 0 : i32
      %dma_start3A_613 = arith.constant 0 : i32
      %dma_start3A_614 = tpu.memref_slice %arg2[%dma_start3A_612, %dma_start3A_613] : memref<10000x128xf32, #tpu.memory_space<hbm>> -> memref<10000x128xf32, #tpu.memory_space<hbm>>
      tpu.enqueue_indirect_dma source(%dma_start3A_614 : memref<10000x128xf32, #tpu.memory_space<hbm>>) target(%dma_start3A_610 : memref<40x128xf32, #tpu.memory_space<vmem>>) offsets(%dma_start3A_611 : memref<40xi32, #tpu.memory_space<vmem>>) semaphore(%arg13 : memref<!tpu.dma_semaphore, #tpu.memory_space<semaphore_mem>>)
      %mul3A_615 = arith.constant 6 : i32
      %mul3A_616 = arith.muli %mul3A_615, %scan3A_452 : i32
      %add3A_617 = arith.constant 3 : i32
      %add3A_618 = arith.addi %mul3A_616, %add3A_617 : i32
      %mul3A_619 = arith.constant 40 : i32
      %mul3A_620 = arith.muli %add3A_618, %mul3A_619 : i32
      %add3A_621 = arith.addi %mul3A_2, %mul3A_620 : i32
      %dma_wait3A_622 = arith.constant 3 : i32
      %dma_wait3A_623 = arith.constant 0 : i32
      %dma_wait3A_624 = tpu.memref_slice %arg8[%dma_wait3A_622, %dma_wait3A_623] : memref<6x40xi32, #tpu.memory_space<vmem>> -> memref<1x40xi32, #tpu.memory_space<vmem>>
      %dma_wait3A_625 = tpu.memref_squeeze %dma_wait3A_624 : memref<1x40xi32, #tpu.memory_space<vmem>> -> memref<40xi32, #tpu.memory_space<vmem>>
      %dma_wait3A_626 = tpu.memref_slice %arg4[%add3A_621] : memref<320000xi32, #tpu.memory_space<hbm>> -> memref<40xi32, #tpu.memory_space<hbm>>
      %dma_wait3A_627 = arith.constant 0 : i32
      %dma_wait3A_628 = tpu.memref_slice %arg8[%dma_wait3A_622, %dma_wait3A_627] : memref<6x40xi32, #tpu.memory_space<vmem>> -> memref<1x40xi32, #tpu.memory_space<vmem>>
      %dma_wait3A_629 = tpu.memref_squeeze %dma_wait3A_628 : memref<1x40xi32, #tpu.memory_space<vmem>> -> memref<40xi32, #tpu.memory_space<vmem>>
      %dma_wait3A_630 = tpu.memref_slice %arg4[%add3A_621] : memref<320000xi32, #tpu.memory_space<hbm>> -> memref<40xi32, #tpu.memory_space<hbm>>
      tpu.wait_dma2 semaphore(%arg20 : memref<!tpu.dma_semaphore, #tpu.memory_space<semaphore_mem>>) src(%dma_wait3A_630 : memref<40xi32, #tpu.memory_space<hbm>>) dst(%dma_wait3A_629 : memref<40xi32, #tpu.memory_space<vmem>>)
      %mul3A_631 = arith.constant 40 : i32
      %mul3A_632 = arith.muli %add3A_618, %mul3A_631 : i32
      %dma_wait3A_633 = arith.constant 3 : i32
      %dma_wait3A_634 = arith.constant 0 : i32
      %dma_wait3A_635 = arith.constant 0 : i32
      %dma_wait3A_636 = tpu.memref_slice %arg9[%dma_wait3A_633, %dma_wait3A_634, %dma_wait3A_635] : memref<6x40x128xf32, #tpu.memory_space<vmem>> -> memref<1x40x128xf32, #tpu.memory_space<vmem>>
      %dma_wait3A_637 = tpu.memref_squeeze %dma_wait3A_636 : memref<1x40x128xf32, #tpu.memory_space<vmem>> -> memref<40x128xf32, #tpu.memory_space<vmem>>
      %dma_wait3A_638 = tpu.memref_slice %arg7[%mul3A_632] : memref<10000xi32, #tpu.memory_space<vmem>> -> memref<40xi32, #tpu.memory_space<vmem>>
      %dma_wait3A_639 = arith.constant 0 : i32
      %dma_wait3A_640 = arith.constant 0 : i32
      %dma_wait3A_641 = tpu.memref_slice %arg2[%dma_wait3A_639, %dma_wait3A_640] : memref<10000x128xf32, #tpu.memory_space<hbm>> -> memref<10000x128xf32, #tpu.memory_space<hbm>>
      tpu.wait_indirect_dma semaphore(%arg14 : memref<!tpu.dma_semaphore, #tpu.memory_space<semaphore_mem>>) src(%dma_wait3A_641 : memref<10000x128xf32, #tpu.memory_space<hbm>>) dst(%dma_wait3A_637 : memref<40x128xf32, #tpu.memory_space<vmem>>)
      %run_scoped3A_642 = arith.constant 3 : i32
      %run_scoped3A_643 = arith.constant 3 : i32
      "tpu.region"() ({
        %run_scoped3A_777 = tpu.sem_alloc : memref<!tpu.dma_semaphore, #tpu.memory_space<semaphore_mem>>
        %dma_start3A_778 = arith.constant 0 : i32
        %dma_start3A_779 = arith.constant 0 : i32
        %dma_start3A_780 = tpu.memref_slice %arg9[%run_scoped3A_642, %dma_start3A_778, %dma_start3A_779] : memref<6x40x128xf32, #tpu.memory_space<vmem>> -> memref<1x40x128xf32, #tpu.memory_space<vmem>>
        %dma_start3A_781 = tpu.memref_squeeze %dma_start3A_780 : memref<1x40x128xf32, #tpu.memory_space<vmem>> -> memref<40x128xf32, #tpu.memory_space<vmem>>
        %dma_start3A_782 = arith.constant 0 : i32
        %dma_start3A_783 = tpu.memref_slice %arg8[%run_scoped3A_643, %dma_start3A_782] : memref<6x40xi32, #tpu.memory_space<vmem>> -> memref<1x40xi32, #tpu.memory_space<vmem>>
        %dma_start3A_784 = tpu.memref_squeeze %dma_start3A_783 : memref<1x40xi32, #tpu.memory_space<vmem>> -> memref<40xi32, #tpu.memory_space<vmem>>
        %dma_start3A_785 = arith.constant 0 : i32
        %dma_start3A_786 = arith.constant 0 : i32
        %dma_start3A_787 = tpu.memref_slice %arg10[%dma_start3A_785, %dma_start3A_786] : memref<10240x128xf32, #tpu.memory_space<vmem_shared>> -> memref<10240x128xf32, #tpu.memory_space<vmem_shared>>
        tpu.enqueue_indirect_dma source(%dma_start3A_781 : memref<40x128xf32, #tpu.memory_space<vmem>>) target(%dma_start3A_787 : memref<10240x128xf32, #tpu.memory_space<vmem_shared>>) offsets(%dma_start3A_784 : memref<40xi32, #tpu.memory_space<vmem>>) semaphore(%run_scoped3A_777 : memref<!tpu.dma_semaphore, #tpu.memory_space<semaphore_mem>>) {add = true}
        %dma_wait3A_788 = arith.constant 0 : i32
        %dma_wait3A_789 = arith.constant 0 : i32
        %dma_wait3A_790 = tpu.memref_slice %arg9[%run_scoped3A_642, %dma_wait3A_788, %dma_wait3A_789] : memref<6x40x128xf32, #tpu.memory_space<vmem>> -> memref<1x40x128xf32, #tpu.memory_space<vmem>>
        %dma_wait3A_791 = tpu.memref_squeeze %dma_wait3A_790 : memref<1x40x128xf32, #tpu.memory_space<vmem>> -> memref<40x128xf32, #tpu.memory_space<vmem>>
        %dma_wait3A_792 = arith.constant 0 : i32
        %dma_wait3A_793 = tpu.memref_slice %arg8[%run_scoped3A_643, %dma_wait3A_792] : memref<6x40xi32, #tpu.memory_space<vmem>> -> memref<1x40xi32, #tpu.memory_space<vmem>>
        %dma_wait3A_794 = tpu.memref_squeeze %dma_wait3A_793 : memref<1x40xi32, #tpu.memory_space<vmem>> -> memref<40xi32, #tpu.memory_space<vmem>>
        %dma_wait3A_795 = arith.constant 0 : i32
        %dma_wait3A_796 = arith.constant 0 : i32
        %dma_wait3A_797 = tpu.memref_slice %arg10[%dma_wait3A_795, %dma_wait3A_796] : memref<10240x128xf32, #tpu.memory_space<vmem_shared>> -> memref<10240x128xf32, #tpu.memory_space<vmem_shared>>
        tpu.wait_indirect_dma semaphore(%run_scoped3A_777 : memref<!tpu.dma_semaphore, #tpu.memory_space<semaphore_mem>>) src(%dma_wait3A_791 : memref<40x128xf32, #tpu.memory_space<vmem>>) dst(%dma_wait3A_797 : memref<10240x128xf32, #tpu.memory_space<vmem_shared>>)
        tpu.yield
      }) : () -> ()
      %add3A_644 = arith.constant 6 : i32
      %add3A_645 = arith.addi %add3A_618, %add3A_644 : i32
      %mul3A_646 = arith.constant 40 : i32
      %mul3A_647 = arith.muli %add3A_645, %mul3A_646 : i32
      %add3A_648 = arith.addi %mul3A_2, %mul3A_647 : i32
      %dma_start3A_649 = arith.constant 3 : i32
      %dma_start3A_650 = arith.constant 0 : i32
      %dma_start3A_651 = tpu.memref_slice %arg8[%dma_start3A_649, %dma_start3A_650] : memref<6x40xi32, #tpu.memory_space<vmem>> -> memref<1x40xi32, #tpu.memory_space<vmem>>
      %dma_start3A_652 = tpu.memref_squeeze %dma_start3A_651 : memref<1x40xi32, #tpu.memory_space<vmem>> -> memref<40xi32, #tpu.memory_space<vmem>>
      %dma_start3A_653 = tpu.memref_slice %arg4[%add3A_648] : memref<320000xi32, #tpu.memory_space<hbm>> -> memref<40xi32, #tpu.memory_space<hbm>>
      %dma_start3A_654 = arith.constant 0 : i32
      %dma_start3A_655 = tpu.memref_slice %arg8[%dma_start3A_649, %dma_start3A_654] : memref<6x40xi32, #tpu.memory_space<vmem>> -> memref<1x40xi32, #tpu.memory_space<vmem>>
      %dma_start3A_656 = tpu.memref_squeeze %dma_start3A_655 : memref<1x40xi32, #tpu.memory_space<vmem>> -> memref<40xi32, #tpu.memory_space<vmem>>
      %dma_start3A_657 = tpu.memref_slice %arg4[%add3A_648] : memref<320000xi32, #tpu.memory_space<hbm>> -> memref<40xi32, #tpu.memory_space<hbm>>
      tpu.enqueue_dma source(%dma_start3A_657 : memref<40xi32, #tpu.memory_space<hbm>>) target(%dma_start3A_656 : memref<40xi32, #tpu.memory_space<vmem>>) target_semaphore(%arg20 : memref<!tpu.dma_semaphore, #tpu.memory_space<semaphore_mem>>)
      %mul3A_658 = arith.constant 40 : i32
      %mul3A_659 = arith.muli %add3A_645, %mul3A_658 : i32
      %dma_start3A_660 = arith.constant 3 : i32
      %dma_start3A_661 = arith.constant 0 : i32
      %dma_start3A_662 = arith.constant 0 : i32
      %dma_start3A_663 = tpu.memref_slice %arg9[%dma_start3A_660, %dma_start3A_661, %dma_start3A_662] : memref<6x40x128xf32, #tpu.memory_space<vmem>> -> memref<1x40x128xf32, #tpu.memory_space<vmem>>
      %dma_start3A_664 = tpu.memref_squeeze %dma_start3A_663 : memref<1x40x128xf32, #tpu.memory_space<vmem>> -> memref<40x128xf32, #tpu.memory_space<vmem>>
      %dma_start3A_665 = tpu.memref_slice %arg7[%mul3A_659] : memref<10000xi32, #tpu.memory_space<vmem>> -> memref<40xi32, #tpu.memory_space<vmem>>
      %dma_start3A_666 = arith.constant 0 : i32
      %dma_start3A_667 = arith.constant 0 : i32
      %dma_start3A_668 = tpu.memref_slice %arg2[%dma_start3A_666, %dma_start3A_667] : memref<10000x128xf32, #tpu.memory_space<hbm>> -> memref<10000x128xf32, #tpu.memory_space<hbm>>
      tpu.enqueue_indirect_dma source(%dma_start3A_668 : memref<10000x128xf32, #tpu.memory_space<hbm>>) target(%dma_start3A_664 : memref<40x128xf32, #tpu.memory_space<vmem>>) offsets(%dma_start3A_665 : memref<40xi32, #tpu.memory_space<vmem>>) semaphore(%arg14 : memref<!tpu.dma_semaphore, #tpu.memory_space<semaphore_mem>>)
      %mul3A_669 = arith.constant 6 : i32
      %mul3A_670 = arith.muli %mul3A_669, %scan3A_452 : i32
      %add3A_671 = arith.constant 4 : i32
      %add3A_672 = arith.addi %mul3A_670, %add3A_671 : i32
      %mul3A_673 = arith.constant 40 : i32
      %mul3A_674 = arith.muli %add3A_672, %mul3A_673 : i32
      %add3A_675 = arith.addi %mul3A_2, %mul3A_674 : i32
      %dma_wait3A_676 = arith.constant 4 : i32
      %dma_wait3A_677 = arith.constant 0 : i32
      %dma_wait3A_678 = tpu.memref_slice %arg8[%dma_wait3A_676, %dma_wait3A_677] : memref<6x40xi32, #tpu.memory_space<vmem>> -> memref<1x40xi32, #tpu.memory_space<vmem>>
      %dma_wait3A_679 = tpu.memref_squeeze %dma_wait3A_678 : memref<1x40xi32, #tpu.memory_space<vmem>> -> memref<40xi32, #tpu.memory_space<vmem>>
      %dma_wait3A_680 = tpu.memref_slice %arg4[%add3A_675] : memref<320000xi32, #tpu.memory_space<hbm>> -> memref<40xi32, #tpu.memory_space<hbm>>
      %dma_wait3A_681 = arith.constant 0 : i32
      %dma_wait3A_682 = tpu.memref_slice %arg8[%dma_wait3A_676, %dma_wait3A_681] : memref<6x40xi32, #tpu.memory_space<vmem>> -> memref<1x40xi32, #tpu.memory_space<vmem>>
      %dma_wait3A_683 = tpu.memref_squeeze %dma_wait3A_682 : memref<1x40xi32, #tpu.memory_space<vmem>> -> memref<40xi32, #tpu.memory_space<vmem>>
      %dma_wait3A_684 = tpu.memref_slice %arg4[%add3A_675] : memref<320000xi32, #tpu.memory_space<hbm>> -> memref<40xi32, #tpu.memory_space<hbm>>
      tpu.wait_dma2 semaphore(%arg21 : memref<!tpu.dma_semaphore, #tpu.memory_space<semaphore_mem>>) src(%dma_wait3A_684 : memref<40xi32, #tpu.memory_space<hbm>>) dst(%dma_wait3A_683 : memref<40xi32, #tpu.memory_space<vmem>>)
      %mul3A_685 = arith.constant 40 : i32
      %mul3A_686 = arith.muli %add3A_672, %mul3A_685 : i32
      %dma_wait3A_687 = arith.constant 4 : i32
      %dma_wait3A_688 = arith.constant 0 : i32
      %dma_wait3A_689 = arith.constant 0 : i32
      %dma_wait3A_690 = tpu.memref_slice %arg9[%dma_wait3A_687, %dma_wait3A_688, %dma_wait3A_689] : memref<6x40x128xf32, #tpu.memory_space<vmem>> -> memref<1x40x128xf32, #tpu.memory_space<vmem>>
      %dma_wait3A_691 = tpu.memref_squeeze %dma_wait3A_690 : memref<1x40x128xf32, #tpu.memory_space<vmem>> -> memref<40x128xf32, #tpu.memory_space<vmem>>
      %dma_wait3A_692 = tpu.memref_slice %arg7[%mul3A_686] : memref<10000xi32, #tpu.memory_space<vmem>> -> memref<40xi32, #tpu.memory_space<vmem>>
      %dma_wait3A_693 = arith.constant 0 : i32
      %dma_wait3A_694 = arith.constant 0 : i32
      %dma_wait3A_695 = tpu.memref_slice %arg2[%dma_wait3A_693, %dma_wait3A_694] : memref<10000x128xf32, #tpu.memory_space<hbm>> -> memref<10000x128xf32, #tpu.memory_space<hbm>>
      tpu.wait_indirect_dma semaphore(%arg15 : memref<!tpu.dma_semaphore, #tpu.memory_space<semaphore_mem>>) src(%dma_wait3A_695 : memref<10000x128xf32, #tpu.memory_space<hbm>>) dst(%dma_wait3A_691 : memref<40x128xf32, #tpu.memory_space<vmem>>)
      %run_scoped3A_696 = arith.constant 4 : i32
      %run_scoped3A_697 = arith.constant 4 : i32
      "tpu.region"() ({
        %run_scoped3A_777 = tpu.sem_alloc : memref<!tpu.dma_semaphore, #tpu.memory_space<semaphore_mem>>
        %dma_start3A_778 = arith.constant 0 : i32
        %dma_start3A_779 = arith.constant 0 : i32
        %dma_start3A_780 = tpu.memref_slice %arg9[%run_scoped3A_696, %dma_start3A_778, %dma_start3A_779] : memref<6x40x128xf32, #tpu.memory_space<vmem>> -> memref<1x40x128xf32, #tpu.memory_space<vmem>>
        %dma_start3A_781 = tpu.memref_squeeze %dma_start3A_780 : memref<1x40x128xf32, #tpu.memory_space<vmem>> -> memref<40x128xf32, #tpu.memory_space<vmem>>
        %dma_start3A_782 = arith.constant 0 : i32
        %dma_start3A_783 = tpu.memref_slice %arg8[%run_scoped3A_697, %dma_start3A_782] : memref<6x40xi32, #tpu.memory_space<vmem>> -> memref<1x40xi32, #tpu.memory_space<vmem>>
        %dma_start3A_784 = tpu.memref_squeeze %dma_start3A_783 : memref<1x40xi32, #tpu.memory_space<vmem>> -> memref<40xi32, #tpu.memory_space<vmem>>
        %dma_start3A_785 = arith.constant 0 : i32
        %dma_start3A_786 = arith.constant 0 : i32
        %dma_start3A_787 = tpu.memref_slice %arg10[%dma_start3A_785, %dma_start3A_786] : memref<10240x128xf32, #tpu.memory_space<vmem_shared>> -> memref<10240x128xf32, #tpu.memory_space<vmem_shared>>
        tpu.enqueue_indirect_dma source(%dma_start3A_781 : memref<40x128xf32, #tpu.memory_space<vmem>>) target(%dma_start3A_787 : memref<10240x128xf32, #tpu.memory_space<vmem_shared>>) offsets(%dma_start3A_784 : memref<40xi32, #tpu.memory_space<vmem>>) semaphore(%run_scoped3A_777 : memref<!tpu.dma_semaphore, #tpu.memory_space<semaphore_mem>>) {add = true}
        %dma_wait3A_788 = arith.constant 0 : i32
        %dma_wait3A_789 = arith.constant 0 : i32
        %dma_wait3A_790 = tpu.memref_slice %arg9[%run_scoped3A_696, %dma_wait3A_788, %dma_wait3A_789] : memref<6x40x128xf32, #tpu.memory_space<vmem>> -> memref<1x40x128xf32, #tpu.memory_space<vmem>>
        %dma_wait3A_791 = tpu.memref_squeeze %dma_wait3A_790 : memref<1x40x128xf32, #tpu.memory_space<vmem>> -> memref<40x128xf32, #tpu.memory_space<vmem>>
        %dma_wait3A_792 = arith.constant 0 : i32
        %dma_wait3A_793 = tpu.memref_slice %arg8[%run_scoped3A_697, %dma_wait3A_792] : memref<6x40xi32, #tpu.memory_space<vmem>> -> memref<1x40xi32, #tpu.memory_space<vmem>>
        %dma_wait3A_794 = tpu.memref_squeeze %dma_wait3A_793 : memref<1x40xi32, #tpu.memory_space<vmem>> -> memref<40xi32, #tpu.memory_space<vmem>>
        %dma_wait3A_795 = arith.constant 0 : i32
        %dma_wait3A_796 = arith.constant 0 : i32
        %dma_wait3A_797 = tpu.memref_slice %arg10[%dma_wait3A_795, %dma_wait3A_796] : memref<10240x128xf32, #tpu.memory_space<vmem_shared>> -> memref<10240x128xf32, #tpu.memory_space<vmem_shared>>
        tpu.wait_indirect_dma semaphore(%run_scoped3A_777 : memref<!tpu.dma_semaphore, #tpu.memory_space<semaphore_mem>>) src(%dma_wait3A_791 : memref<40x128xf32, #tpu.memory_space<vmem>>) dst(%dma_wait3A_797 : memref<10240x128xf32, #tpu.memory_space<vmem_shared>>)
        tpu.yield
      }) : () -> ()
      %add3A_698 = arith.constant 6 : i32
      %add3A_699 = arith.addi %add3A_672, %add3A_698 : i32
      %mul3A_700 = arith.constant 40 : i32
      %mul3A_701 = arith.muli %add3A_699, %mul3A_700 : i32
      %add3A_702 = arith.addi %mul3A_2, %mul3A_701 : i32
      %dma_start3A_703 = arith.constant 4 : i32
      %dma_start3A_704 = arith.constant 0 : i32
      %dma_start3A_705 = tpu.memref_slice %arg8[%dma_start3A_703, %dma_start3A_704] : memref<6x40xi32, #tpu.memory_space<vmem>> -> memref<1x40xi32, #tpu.memory_space<vmem>>
      %dma_start3A_706 = tpu.memref_squeeze %dma_start3A_705 : memref<1x40xi32, #tpu.memory_space<vmem>> -> memref<40xi32, #tpu.memory_space<vmem>>
      %dma_start3A_707 = tpu.memref_slice %arg4[%add3A_702] : memref<320000xi32, #tpu.memory_space<hbm>> -> memref<40xi32, #tpu.memory_space<hbm>>
      %dma_start3A_708 = arith.constant 0 : i32
      %dma_start3A_709 = tpu.memref_slice %arg8[%dma_start3A_703, %dma_start3A_708] : memref<6x40xi32, #tpu.memory_space<vmem>> -> memref<1x40xi32, #tpu.memory_space<vmem>>
      %dma_start3A_710 = tpu.memref_squeeze %dma_start3A_709 : memref<1x40xi32, #tpu.memory_space<vmem>> -> memref<40xi32, #tpu.memory_space<vmem>>
      %dma_start3A_711 = tpu.memref_slice %arg4[%add3A_702] : memref<320000xi32, #tpu.memory_space<hbm>> -> memref<40xi32, #tpu.memory_space<hbm>>
      tpu.enqueue_dma source(%dma_start3A_711 : memref<40xi32, #tpu.memory_space<hbm>>) target(%dma_start3A_710 : memref<40xi32, #tpu.memory_space<vmem>>) target_semaphore(%arg21 : memref<!tpu.dma_semaphore, #tpu.memory_space<semaphore_mem>>)
      %mul3A_712 = arith.constant 40 : i32
      %mul3A_713 = arith.muli %add3A_699, %mul3A_712 : i32
      %dma_start3A_714 = arith.constant 4 : i32
      %dma_start3A_715 = arith.constant 0 : i32
      %dma_start3A_716 = arith.constant 0 : i32
      %dma_start3A_717 = tpu.memref_slice %arg9[%dma_start3A_714, %dma_start3A_715, %dma_start3A_716] : memref<6x40x128xf32, #tpu.memory_space<vmem>> -> memref<1x40x128xf32, #tpu.memory_space<vmem>>
      %dma_start3A_718 = tpu.memref_squeeze %dma_start3A_717 : memref<1x40x128xf32, #tpu.memory_space<vmem>> -> memref<40x128xf32, #tpu.memory_space<vmem>>
      %dma_start3A_719 = tpu.memref_slice %arg7[%mul3A_713] : memref<10000xi32, #tpu.memory_space<vmem>> -> memref<40xi32, #tpu.memory_space<vmem>>
      %dma_start3A_720 = arith.constant 0 : i32
      %dma_start3A_721 = arith.constant 0 : i32
      %dma_start3A_722 = tpu.memref_slice %arg2[%dma_start3A_720, %dma_start3A_721] : memref<10000x128xf32, #tpu.memory_space<hbm>> -> memref<10000x128xf32, #tpu.memory_space<hbm>>
      tpu.enqueue_indirect_dma source(%dma_start3A_722 : memref<10000x128xf32, #tpu.memory_space<hbm>>) target(%dma_start3A_718 : memref<40x128xf32, #tpu.memory_space<vmem>>) offsets(%dma_start3A_719 : memref<40xi32, #tpu.memory_space<vmem>>) semaphore(%arg15 : memref<!tpu.dma_semaphore, #tpu.memory_space<semaphore_mem>>)
      %mul3A_723 = arith.constant 6 : i32
      %mul3A_724 = arith.muli %mul3A_723, %scan3A_452 : i32
      %add3A_725 = arith.constant 5 : i32
      %add3A_726 = arith.addi %mul3A_724, %add3A_725 : i32
      %mul3A_727 = arith.constant 40 : i32
      %mul3A_728 = arith.muli %add3A_726, %mul3A_727 : i32
      %add3A_729 = arith.addi %mul3A_2, %mul3A_728 : i32
      %dma_wait3A_730 = arith.constant 5 : i32
      %dma_wait3A_731 = arith.constant 0 : i32
      %dma_wait3A_732 = tpu.memref_slice %arg8[%dma_wait3A_730, %dma_wait3A_731] : memref<6x40xi32, #tpu.memory_space<vmem>> -> memref<1x40xi32, #tpu.memory_space<vmem>>
      %dma_wait3A_733 = tpu.memref_squeeze %dma_wait3A_732 : memref<1x40xi32, #tpu.memory_space<vmem>> -> memref<40xi32, #tpu.memory_space<vmem>>
      %dma_wait3A_734 = tpu.memref_slice %arg4[%add3A_729] : memref<320000xi32, #tpu.memory_space<hbm>> -> memref<40xi32, #tpu.memory_space<hbm>>
      %dma_wait3A_735 = arith.constant 0 : i32
      %dma_wait3A_736 = tpu.memref_slice %arg8[%dma_wait3A_730, %dma_wait3A_735] : memref<6x40xi32, #tpu.memory_space<vmem>> -> memref<1x40xi32, #tpu.memory_space<vmem>>
      %dma_wait3A_737 = tpu.memref_squeeze %dma_wait3A_736 : memref<1x40xi32, #tpu.memory_space<vmem>> -> memref<40xi32, #tpu.memory_space<vmem>>
      %dma_wait3A_738 = tpu.memref_slice %arg4[%add3A_729] : memref<320000xi32, #tpu.memory_space<hbm>> -> memref<40xi32, #tpu.memory_space<hbm>>
      tpu.wait_dma2 semaphore(%arg22 : memref<!tpu.dma_semaphore, #tpu.memory_space<semaphore_mem>>) src(%dma_wait3A_738 : memref<40xi32, #tpu.memory_space<hbm>>) dst(%dma_wait3A_737 : memref<40xi32, #tpu.memory_space<vmem>>)
      %mul3A_739 = arith.constant 40 : i32
      %mul3A_740 = arith.muli %add3A_726, %mul3A_739 : i32
      %dma_wait3A_741 = arith.constant 5 : i32
      %dma_wait3A_742 = arith.constant 0 : i32
      %dma_wait3A_743 = arith.constant 0 : i32
      %dma_wait3A_744 = tpu.memref_slice %arg9[%dma_wait3A_741, %dma_wait3A_742, %dma_wait3A_743] : memref<6x40x128xf32, #tpu.memory_space<vmem>> -> memref<1x40x128xf32, #tpu.memory_space<vmem>>
      %dma_wait3A_745 = tpu.memref_squeeze %dma_wait3A_744 : memref<1x40x128xf32, #tpu.memory_space<vmem>> -> memref<40x128xf32, #tpu.memory_space<vmem>>
      %dma_wait3A_746 = tpu.memref_slice %arg7[%mul3A_740] : memref<10000xi32, #tpu.memory_space<vmem>> -> memref<40xi32, #tpu.memory_space<vmem>>
      %dma_wait3A_747 = arith.constant 0 : i32
      %dma_wait3A_748 = arith.constant 0 : i32
      %dma_wait3A_749 = tpu.memref_slice %arg2[%dma_wait3A_747, %dma_wait3A_748] : memref<10000x128xf32, #tpu.memory_space<hbm>> -> memref<10000x128xf32, #tpu.memory_space<hbm>>
      tpu.wait_indirect_dma semaphore(%arg16 : memref<!tpu.dma_semaphore, #tpu.memory_space<semaphore_mem>>) src(%dma_wait3A_749 : memref<10000x128xf32, #tpu.memory_space<hbm>>) dst(%dma_wait3A_745 : memref<40x128xf32, #tpu.memory_space<vmem>>)
      %run_scoped3A_750 = arith.constant 5 : i32
      %run_scoped3A_751 = arith.constant 5 : i32
      "tpu.region"() ({
        %run_scoped3A_777 = tpu.sem_alloc : memref<!tpu.dma_semaphore, #tpu.memory_space<semaphore_mem>>
        %dma_start3A_778 = arith.constant 0 : i32
        %dma_start3A_779 = arith.constant 0 : i32
        %dma_start3A_780 = tpu.memref_slice %arg9[%run_scoped3A_750, %dma_start3A_778, %dma_start3A_779] : memref<6x40x128xf32, #tpu.memory_space<vmem>> -> memref<1x40x128xf32, #tpu.memory_space<vmem>>
        %dma_start3A_781 = tpu.memref_squeeze %dma_start3A_780 : memref<1x40x128xf32, #tpu.memory_space<vmem>> -> memref<40x128xf32, #tpu.memory_space<vmem>>
        %dma_start3A_782 = arith.constant 0 : i32
        %dma_start3A_783 = tpu.memref_slice %arg8[%run_scoped3A_751, %dma_start3A_782] : memref<6x40xi32, #tpu.memory_space<vmem>> -> memref<1x40xi32, #tpu.memory_space<vmem>>
        %dma_start3A_784 = tpu.memref_squeeze %dma_start3A_783 : memref<1x40xi32, #tpu.memory_space<vmem>> -> memref<40xi32, #tpu.memory_space<vmem>>
        %dma_start3A_785 = arith.constant 0 : i32
        %dma_start3A_786 = arith.constant 0 : i32
        %dma_start3A_787 = tpu.memref_slice %arg10[%dma_start3A_785, %dma_start3A_786] : memref<10240x128xf32, #tpu.memory_space<vmem_shared>> -> memref<10240x128xf32, #tpu.memory_space<vmem_shared>>
        tpu.enqueue_indirect_dma source(%dma_start3A_781 : memref<40x128xf32, #tpu.memory_space<vmem>>) target(%dma_start3A_787 : memref<10240x128xf32, #tpu.memory_space<vmem_shared>>) offsets(%dma_start3A_784 : memref<40xi32, #tpu.memory_space<vmem>>) semaphore(%run_scoped3A_777 : memref<!tpu.dma_semaphore, #tpu.memory_space<semaphore_mem>>) {add = true}
        %dma_wait3A_788 = arith.constant 0 : i32
        %dma_wait3A_789 = arith.constant 0 : i32
        %dma_wait3A_790 = tpu.memref_slice %arg9[%run_scoped3A_750, %dma_wait3A_788, %dma_wait3A_789] : memref<6x40x128xf32, #tpu.memory_space<vmem>> -> memref<1x40x128xf32, #tpu.memory_space<vmem>>
        %dma_wait3A_791 = tpu.memref_squeeze %dma_wait3A_790 : memref<1x40x128xf32, #tpu.memory_space<vmem>> -> memref<40x128xf32, #tpu.memory_space<vmem>>
        %dma_wait3A_792 = arith.constant 0 : i32
        %dma_wait3A_793 = tpu.memref_slice %arg8[%run_scoped3A_751, %dma_wait3A_792] : memref<6x40xi32, #tpu.memory_space<vmem>> -> memref<1x40xi32, #tpu.memory_space<vmem>>
        %dma_wait3A_794 = tpu.memref_squeeze %dma_wait3A_793 : memref<1x40xi32, #tpu.memory_space<vmem>> -> memref<40xi32, #tpu.memory_space<vmem>>
        %dma_wait3A_795 = arith.constant 0 : i32
        %dma_wait3A_796 = arith.constant 0 : i32
        %dma_wait3A_797 = tpu.memref_slice %arg10[%dma_wait3A_795, %dma_wait3A_796] : memref<10240x128xf32, #tpu.memory_space<vmem_shared>> -> memref<10240x128xf32, #tpu.memory_space<vmem_shared>>
        tpu.wait_indirect_dma semaphore(%run_scoped3A_777 : memref<!tpu.dma_semaphore, #tpu.memory_space<semaphore_mem>>) src(%dma_wait3A_791 : memref<40x128xf32, #tpu.memory_space<vmem>>) dst(%dma_wait3A_797 : memref<10240x128xf32, #tpu.memory_space<vmem_shared>>)
        tpu.yield
      }) : () -> ()
      %add3A_752 = arith.constant 6 : i32
      %add3A_753 = arith.addi %add3A_726, %add3A_752 : i32
      %mul3A_754 = arith.constant 40 : i32
      %mul3A_755 = arith.muli %add3A_753, %mul3A_754 : i32
      %add3A_756 = arith.addi %mul3A_2, %mul3A_755 : i32
      %dma_start3A_757 = arith.constant 5 : i32
      %dma_start3A_758 = arith.constant 0 : i32
      %dma_start3A_759 = tpu.memref_slice %arg8[%dma_start3A_757, %dma_start3A_758] : memref<6x40xi32, #tpu.memory_space<vmem>> -> memref<1x40xi32, #tpu.memory_space<vmem>>
      %dma_start3A_760 = tpu.memref_squeeze %dma_start3A_759 : memref<1x40xi32, #tpu.memory_space<vmem>> -> memref<40xi32, #tpu.memory_space<vmem>>
      %dma_start3A_761 = tpu.memref_slice %arg4[%add3A_756] : memref<320000xi32, #tpu.memory_space<hbm>> -> memref<40xi32, #tpu.memory_space<hbm>>
      %dma_start3A_762 = arith.constant 0 : i32
      %dma_start3A_763 = tpu.memref_slice %arg8[%dma_start3A_757, %dma_start3A_762] : memref<6x40xi32, #tpu.memory_space<vmem>> -> memref<1x40xi32, #tpu.memory_space<vmem>>
      %dma_start3A_764 = tpu.memref_squeeze %dma_start3A_763 : memref<1x40xi32, #tpu.memory_space<vmem>> -> memref<40xi32, #tpu.memory_space<vmem>>
      %dma_start3A_765 = tpu.memref_slice %arg4[%add3A_756] : memref<320000xi32, #tpu.memory_space<hbm>> -> memref<40xi32, #tpu.memory_space<hbm>>
      tpu.enqueue_dma source(%dma_start3A_765 : memref<40xi32, #tpu.memory_space<hbm>>) target(%dma_start3A_764 : memref<40xi32, #tpu.memory_space<vmem>>) target_semaphore(%arg22 : memref<!tpu.dma_semaphore, #tpu.memory_space<semaphore_mem>>)
      %mul3A_766 = arith.constant 40 : i32
      %mul3A_767 = arith.muli %add3A_753, %mul3A_766 : i32
      %dma_start3A_768 = arith.constant 5 : i32
      %dma_start3A_769 = arith.constant 0 : i32
      %dma_start3A_770 = arith.constant 0 : i32
      %dma_start3A_771 = tpu.memref_slice %arg9[%dma_start3A_768, %dma_start3A_769, %dma_start3A_770] : memref<6x40x128xf32, #tpu.memory_space<vmem>> -> memref<1x40x128xf32, #tpu.memory_space<vmem>>
      %dma_start3A_772 = tpu.memref_squeeze %dma_start3A_771 : memref<1x40x128xf32, #tpu.memory_space<vmem>> -> memref<40x128xf32, #tpu.memory_space<vmem>>
      %dma_start3A_773 = tpu.memref_slice %arg7[%mul3A_767] : memref<10000xi32, #tpu.memory_space<vmem>> -> memref<40xi32, #tpu.memory_space<vmem>>
      %dma_start3A_774 = arith.constant 0 : i32
      %dma_start3A_775 = arith.constant 0 : i32
      %dma_start3A_776 = tpu.memref_slice %arg2[%dma_start3A_774, %dma_start3A_775] : memref<10000x128xf32, #tpu.memory_space<hbm>> -> memref<10000x128xf32, #tpu.memory_space<hbm>>
      tpu.enqueue_indirect_dma source(%dma_start3A_776 : memref<10000x128xf32, #tpu.memory_space<hbm>>) target(%dma_start3A_772 : memref<40x128xf32, #tpu.memory_space<vmem>>) offsets(%dma_start3A_773 : memref<40xi32, #tpu.memory_space<vmem>>) semaphore(%arg16 : memref<!tpu.dma_semaphore, #tpu.memory_space<semaphore_mem>>)
    }
    %scan3A_134 = arith.constant 40 : i32
    %add3A_135 = arith.constant 9600 : i32
    %add3A_136 = arith.addi %mul3A_2, %add3A_135 : i32
    %dma_wait3A = arith.constant 0 : i32
    %dma_wait3A_137 = arith.constant 0 : i32
    %dma_wait3A_138 = tpu.memref_slice %arg8[%dma_wait3A, %dma_wait3A_137] : memref<6x40xi32, #tpu.memory_space<vmem>> -> memref<1x40xi32, #tpu.memory_space<vmem>>
    %dma_wait3A_139 = tpu.memref_squeeze %dma_wait3A_138 : memref<1x40xi32, #tpu.memory_space<vmem>> -> memref<40xi32, #tpu.memory_space<vmem>>
    %dma_wait3A_140 = tpu.memref_slice %arg4[%add3A_136] : memref<320000xi32, #tpu.memory_space<hbm>> -> memref<40xi32, #tpu.memory_space<hbm>>
    %dma_wait3A_141 = arith.constant 0 : i32
    %dma_wait3A_142 = tpu.memref_slice %arg8[%dma_wait3A, %dma_wait3A_141] : memref<6x40xi32, #tpu.memory_space<vmem>> -> memref<1x40xi32, #tpu.memory_space<vmem>>
    %dma_wait3A_143 = tpu.memref_squeeze %dma_wait3A_142 : memref<1x40xi32, #tpu.memory_space<vmem>> -> memref<40xi32, #tpu.memory_space<vmem>>
    %dma_wait3A_144 = tpu.memref_slice %arg4[%add3A_136] : memref<320000xi32, #tpu.memory_space<hbm>> -> memref<40xi32, #tpu.memory_space<hbm>>
    tpu.wait_dma2 semaphore(%arg17 : memref<!tpu.dma_semaphore, #tpu.memory_space<semaphore_mem>>) src(%dma_wait3A_144 : memref<40xi32, #tpu.memory_space<hbm>>) dst(%dma_wait3A_143 : memref<40xi32, #tpu.memory_space<vmem>>)
    %dma_wait3A_145 = arith.constant 0 : i32
    %dma_wait3A_146 = arith.constant 0 : i32
    %dma_wait3A_147 = arith.constant 0 : i32
    %dma_wait3A_148 = tpu.memref_slice %arg9[%dma_wait3A_145, %dma_wait3A_146, %dma_wait3A_147] : memref<6x40x128xf32, #tpu.memory_space<vmem>> -> memref<1x40x128xf32, #tpu.memory_space<vmem>>
    %dma_wait3A_149 = tpu.memref_squeeze %dma_wait3A_148 : memref<1x40x128xf32, #tpu.memory_space<vmem>> -> memref<40x128xf32, #tpu.memory_space<vmem>>
    %dma_wait3A_150 = arith.constant 9600 : i32
    %dma_wait3A_151 = tpu.memref_slice %arg7[%dma_wait3A_150] : memref<10000xi32, #tpu.memory_space<vmem>> -> memref<40xi32, #tpu.memory_space<vmem>>
    %dma_wait3A_152 = arith.constant 0 : i32
    %dma_wait3A_153 = arith.constant 0 : i32
    %dma_wait3A_154 = tpu.memref_slice %arg2[%dma_wait3A_152, %dma_wait3A_153] : memref<10000x128xf32, #tpu.memory_space<hbm>> -> memref<10000x128xf32, #tpu.memory_space<hbm>>
    tpu.wait_indirect_dma semaphore(%arg11 : memref<!tpu.dma_semaphore, #tpu.memory_space<semaphore_mem>>) src(%dma_wait3A_154 : memref<10000x128xf32, #tpu.memory_space<hbm>>) dst(%dma_wait3A_149 : memref<40x128xf32, #tpu.memory_space<vmem>>)
    %run_scoped3A = arith.constant 0 : i32
    %run_scoped3A_155 = arith.constant 0 : i32
    "tpu.region"() ({
      %run_scoped3A_452 = tpu.sem_alloc : memref<!tpu.dma_semaphore, #tpu.memory_space<semaphore_mem>>
      %dma_start3A_453 = arith.constant 0 : i32
      %dma_start3A_454 = arith.constant 0 : i32
      %dma_start3A_455 = tpu.memref_slice %arg9[%run_scoped3A, %dma_start3A_453, %dma_start3A_454] : memref<6x40x128xf32, #tpu.memory_space<vmem>> -> memref<1x40x128xf32, #tpu.memory_space<vmem>>
      %dma_start3A_456 = tpu.memref_squeeze %dma_start3A_455 : memref<1x40x128xf32, #tpu.memory_space<vmem>> -> memref<40x128xf32, #tpu.memory_space<vmem>>
      %dma_start3A_457 = arith.constant 0 : i32
      %dma_start3A_458 = tpu.memref_slice %arg8[%run_scoped3A_155, %dma_start3A_457] : memref<6x40xi32, #tpu.memory_space<vmem>> -> memref<1x40xi32, #tpu.memory_space<vmem>>
      %dma_start3A_459 = tpu.memref_squeeze %dma_start3A_458 : memref<1x40xi32, #tpu.memory_space<vmem>> -> memref<40xi32, #tpu.memory_space<vmem>>
      %dma_start3A_460 = arith.constant 0 : i32
      %dma_start3A_461 = arith.constant 0 : i32
      %dma_start3A_462 = tpu.memref_slice %arg10[%dma_start3A_460, %dma_start3A_461] : memref<10240x128xf32, #tpu.memory_space<vmem_shared>> -> memref<10240x128xf32, #tpu.memory_space<vmem_shared>>
      tpu.enqueue_indirect_dma source(%dma_start3A_456 : memref<40x128xf32, #tpu.memory_space<vmem>>) target(%dma_start3A_462 : memref<10240x128xf32, #tpu.memory_space<vmem_shared>>) offsets(%dma_start3A_459 : memref<40xi32, #tpu.memory_space<vmem>>) semaphore(%run_scoped3A_452 : memref<!tpu.dma_semaphore, #tpu.memory_space<semaphore_mem>>) {add = true}
      %dma_wait3A_463 = arith.constant 0 : i32
      %dma_wait3A_464 = arith.constant 0 : i32
      %dma_wait3A_465 = tpu.memref_slice %arg9[%run_scoped3A, %dma_wait3A_463, %dma_wait3A_464] : memref<6x40x128xf32, #tpu.memory_space<vmem>> -> memref<1x40x128xf32, #tpu.memory_space<vmem>>
      %dma_wait3A_466 = tpu.memref_squeeze %dma_wait3A_465 : memref<1x40x128xf32, #tpu.memory_space<vmem>> -> memref<40x128xf32, #tpu.memory_space<vmem>>
      %dma_wait3A_467 = arith.constant 0 : i32
      %dma_wait3A_468 = tpu.memref_slice %arg8[%run_scoped3A_155, %dma_wait3A_467] : memref<6x40xi32, #tpu.memory_space<vmem>> -> memref<1x40xi32, #tpu.memory_space<vmem>>
      %dma_wait3A_469 = tpu.memref_squeeze %dma_wait3A_468 : memref<1x40xi32, #tpu.memory_space<vmem>> -> memref<40xi32, #tpu.memory_space<vmem>>
      %dma_wait3A_470 = arith.constant 0 : i32
      %dma_wait3A_471 = arith.constant 0 : i32
      %dma_wait3A_472 = tpu.memref_slice %arg10[%dma_wait3A_470, %dma_wait3A_471] : memref<10240x128xf32, #tpu.memory_space<vmem_shared>> -> memref<10240x128xf32, #tpu.memory_space<vmem_shared>>
      tpu.wait_indirect_dma semaphore(%run_scoped3A_452 : memref<!tpu.dma_semaphore, #tpu.memory_space<semaphore_mem>>) src(%dma_wait3A_466 : memref<40x128xf32, #tpu.memory_space<vmem>>) dst(%dma_wait3A_472 : memref<10240x128xf32, #tpu.memory_space<vmem_shared>>)
      tpu.yield
    }) : () -> ()
    %add3A_156 = arith.constant 9840 : i32
    %add3A_157 = arith.addi %mul3A_2, %add3A_156 : i32
    %dma_start3A_158 = arith.constant 0 : i32
    %dma_start3A_159 = arith.constant 0 : i32
    %dma_start3A_160 = tpu.memref_slice %arg8[%dma_start3A_158, %dma_start3A_159] : memref<6x40xi32, #tpu.memory_space<vmem>> -> memref<1x40xi32, #tpu.memory_space<vmem>>
    %dma_start3A_161 = tpu.memref_squeeze %dma_start3A_160 : memref<1x40xi32, #tpu.memory_space<vmem>> -> memref<40xi32, #tpu.memory_space<vmem>>
    %dma_start3A_162 = tpu.memref_slice %arg4[%add3A_157] : memref<320000xi32, #tpu.memory_space<hbm>> -> memref<40xi32, #tpu.memory_space<hbm>>
    %dma_start3A_163 = arith.constant 0 : i32
    %dma_start3A_164 = tpu.memref_slice %arg8[%dma_start3A_158, %dma_start3A_163] : memref<6x40xi32, #tpu.memory_space<vmem>> -> memref<1x40xi32, #tpu.memory_space<vmem>>
    %dma_start3A_165 = tpu.memref_squeeze %dma_start3A_164 : memref<1x40xi32, #tpu.memory_space<vmem>> -> memref<40xi32, #tpu.memory_space<vmem>>
    %dma_start3A_166 = tpu.memref_slice %arg4[%add3A_157] : memref<320000xi32, #tpu.memory_space<hbm>> -> memref<40xi32, #tpu.memory_space<hbm>>
    tpu.enqueue_dma source(%dma_start3A_166 : memref<40xi32, #tpu.memory_space<hbm>>) target(%dma_start3A_165 : memref<40xi32, #tpu.memory_space<vmem>>) target_semaphore(%arg17 : memref<!tpu.dma_semaphore, #tpu.memory_space<semaphore_mem>>)
    %dma_start3A_167 = arith.constant 0 : i32
    %dma_start3A_168 = arith.constant 0 : i32
    %dma_start3A_169 = arith.constant 0 : i32
    %dma_start3A_170 = tpu.memref_slice %arg9[%dma_start3A_167, %dma_start3A_168, %dma_start3A_169] : memref<6x40x128xf32, #tpu.memory_space<vmem>> -> memref<1x40x128xf32, #tpu.memory_space<vmem>>
    %dma_start3A_171 = tpu.memref_squeeze %dma_start3A_170 : memref<1x40x128xf32, #tpu.memory_space<vmem>> -> memref<40x128xf32, #tpu.memory_space<vmem>>
    %dma_start3A_172 = arith.constant 9840 : i32
    %dma_start3A_173 = tpu.memref_slice %arg7[%dma_start3A_172] : memref<10000xi32, #tpu.memory_space<vmem>> -> memref<40xi32, #tpu.memory_space<vmem>>
    %dma_start3A_174 = arith.constant 0 : i32
    %dma_start3A_175 = arith.constant 0 : i32
    %dma_start3A_176 = tpu.memref_slice %arg2[%dma_start3A_174, %dma_start3A_175] : memref<10000x128xf32, #tpu.memory_space<hbm>> -> memref<10000x128xf32, #tpu.memory_space<hbm>>
    tpu.enqueue_indirect_dma source(%dma_start3A_176 : memref<10000x128xf32, #tpu.memory_space<hbm>>) target(%dma_start3A_171 : memref<40x128xf32, #tpu.memory_space<vmem>>) offsets(%dma_start3A_173 : memref<40xi32, #tpu.memory_space<vmem>>) semaphore(%arg11 : memref<!tpu.dma_semaphore, #tpu.memory_space<semaphore_mem>>)
    %add3A_177 = arith.constant 9640 : i32
    %add3A_178 = arith.addi %mul3A_2, %add3A_177 : i32
    %dma_wait3A_179 = arith.constant 1 : i32
    %dma_wait3A_180 = arith.constant 0 : i32
    %dma_wait3A_181 = tpu.memref_slice %arg8[%dma_wait3A_179, %dma_wait3A_180] : memref<6x40xi32, #tpu.memory_space<vmem>> -> memref<1x40xi32, #tpu.memory_space<vmem>>
    %dma_wait3A_182 = tpu.memref_squeeze %dma_wait3A_181 : memref<1x40xi32, #tpu.memory_space<vmem>> -> memref<40xi32, #tpu.memory_space<vmem>>
    %dma_wait3A_183 = tpu.memref_slice %arg4[%add3A_178] : memref<320000xi32, #tpu.memory_space<hbm>> -> memref<40xi32, #tpu.memory_space<hbm>>
    %dma_wait3A_184 = arith.constant 0 : i32
    %dma_wait3A_185 = tpu.memref_slice %arg8[%dma_wait3A_179, %dma_wait3A_184] : memref<6x40xi32, #tpu.memory_space<vmem>> -> memref<1x40xi32, #tpu.memory_space<vmem>>
    %dma_wait3A_186 = tpu.memref_squeeze %dma_wait3A_185 : memref<1x40xi32, #tpu.memory_space<vmem>> -> memref<40xi32, #tpu.memory_space<vmem>>
    %dma_wait3A_187 = tpu.memref_slice %arg4[%add3A_178] : memref<320000xi32, #tpu.memory_space<hbm>> -> memref<40xi32, #tpu.memory_space<hbm>>
    tpu.wait_dma2 semaphore(%arg18 : memref<!tpu.dma_semaphore, #tpu.memory_space<semaphore_mem>>) src(%dma_wait3A_187 : memref<40xi32, #tpu.memory_space<hbm>>) dst(%dma_wait3A_186 : memref<40xi32, #tpu.memory_space<vmem>>)
    %dma_wait3A_188 = arith.constant 1 : i32
    %dma_wait3A_189 = arith.constant 0 : i32
    %dma_wait3A_190 = arith.constant 0 : i32
    %dma_wait3A_191 = tpu.memref_slice %arg9[%dma_wait3A_188, %dma_wait3A_189, %dma_wait3A_190] : memref<6x40x128xf32, #tpu.memory_space<vmem>> -> memref<1x40x128xf32, #tpu.memory_space<vmem>>
    %dma_wait3A_192 = tpu.memref_squeeze %dma_wait3A_191 : memref<1x40x128xf32, #tpu.memory_space<vmem>> -> memref<40x128xf32, #tpu.memory_space<vmem>>
    %dma_wait3A_193 = arith.constant 9640 : i32
    %dma_wait3A_194 = tpu.memref_slice %arg7[%dma_wait3A_193] : memref<10000xi32, #tpu.memory_space<vmem>> -> memref<40xi32, #tpu.memory_space<vmem>>
    %dma_wait3A_195 = arith.constant 0 : i32
    %dma_wait3A_196 = arith.constant 0 : i32
    %dma_wait3A_197 = tpu.memref_slice %arg2[%dma_wait3A_195, %dma_wait3A_196] : memref<10000x128xf32, #tpu.memory_space<hbm>> -> memref<10000x128xf32, #tpu.memory_space<hbm>>
    tpu.wait_indirect_dma semaphore(%arg12 : memref<!tpu.dma_semaphore, #tpu.memory_space<semaphore_mem>>) src(%dma_wait3A_197 : memref<10000x128xf32, #tpu.memory_space<hbm>>) dst(%dma_wait3A_192 : memref<40x128xf32, #tpu.memory_space<vmem>>)
    %run_scoped3A_198 = arith.constant 1 : i32
    %run_scoped3A_199 = arith.constant 1 : i32
    "tpu.region"() ({
      %run_scoped3A_452 = tpu.sem_alloc : memref<!tpu.dma_semaphore, #tpu.memory_space<semaphore_mem>>
      %dma_start3A_453 = arith.constant 0 : i32
      %dma_start3A_454 = arith.constant 0 : i32
      %dma_start3A_455 = tpu.memref_slice %arg9[%run_scoped3A_198, %dma_start3A_453, %dma_start3A_454] : memref<6x40x128xf32, #tpu.memory_space<vmem>> -> memref<1x40x128xf32, #tpu.memory_space<vmem>>
      %dma_start3A_456 = tpu.memref_squeeze %dma_start3A_455 : memref<1x40x128xf32, #tpu.memory_space<vmem>> -> memref<40x128xf32, #tpu.memory_space<vmem>>
      %dma_start3A_457 = arith.constant 0 : i32
      %dma_start3A_458 = tpu.memref_slice %arg8[%run_scoped3A_199, %dma_start3A_457] : memref<6x40xi32, #tpu.memory_space<vmem>> -> memref<1x40xi32, #tpu.memory_space<vmem>>
      %dma_start3A_459 = tpu.memref_squeeze %dma_start3A_458 : memref<1x40xi32, #tpu.memory_space<vmem>> -> memref<40xi32, #tpu.memory_space<vmem>>
      %dma_start3A_460 = arith.constant 0 : i32
      %dma_start3A_461 = arith.constant 0 : i32
      %dma_start3A_462 = tpu.memref_slice %arg10[%dma_start3A_460, %dma_start3A_461] : memref<10240x128xf32, #tpu.memory_space<vmem_shared>> -> memref<10240x128xf32, #tpu.memory_space<vmem_shared>>
      tpu.enqueue_indirect_dma source(%dma_start3A_456 : memref<40x128xf32, #tpu.memory_space<vmem>>) target(%dma_start3A_462 : memref<10240x128xf32, #tpu.memory_space<vmem_shared>>) offsets(%dma_start3A_459 : memref<40xi32, #tpu.memory_space<vmem>>) semaphore(%run_scoped3A_452 : memref<!tpu.dma_semaphore, #tpu.memory_space<semaphore_mem>>) {add = true}
      %dma_wait3A_463 = arith.constant 0 : i32
      %dma_wait3A_464 = arith.constant 0 : i32
      %dma_wait3A_465 = tpu.memref_slice %arg9[%run_scoped3A_198, %dma_wait3A_463, %dma_wait3A_464] : memref<6x40x128xf32, #tpu.memory_space<vmem>> -> memref<1x40x128xf32, #tpu.memory_space<vmem>>
      %dma_wait3A_466 = tpu.memref_squeeze %dma_wait3A_465 : memref<1x40x128xf32, #tpu.memory_space<vmem>> -> memref<40x128xf32, #tpu.memory_space<vmem>>
      %dma_wait3A_467 = arith.constant 0 : i32
      %dma_wait3A_468 = tpu.memref_slice %arg8[%run_scoped3A_199, %dma_wait3A_467] : memref<6x40xi32, #tpu.memory_space<vmem>> -> memref<1x40xi32, #tpu.memory_space<vmem>>
      %dma_wait3A_469 = tpu.memref_squeeze %dma_wait3A_468 : memref<1x40xi32, #tpu.memory_space<vmem>> -> memref<40xi32, #tpu.memory_space<vmem>>
      %dma_wait3A_470 = arith.constant 0 : i32
      %dma_wait3A_471 = arith.constant 0 : i32
      %dma_wait3A_472 = tpu.memref_slice %arg10[%dma_wait3A_470, %dma_wait3A_471] : memref<10240x128xf32, #tpu.memory_space<vmem_shared>> -> memref<10240x128xf32, #tpu.memory_space<vmem_shared>>
      tpu.wait_indirect_dma semaphore(%run_scoped3A_452 : memref<!tpu.dma_semaphore, #tpu.memory_space<semaphore_mem>>) src(%dma_wait3A_466 : memref<40x128xf32, #tpu.memory_space<vmem>>) dst(%dma_wait3A_472 : memref<10240x128xf32, #tpu.memory_space<vmem_shared>>)
      tpu.yield
    }) : () -> ()
    %add3A_200 = arith.constant 9880 : i32
    %add3A_201 = arith.addi %mul3A_2, %add3A_200 : i32
    %dma_start3A_202 = arith.constant 1 : i32
    %dma_start3A_203 = arith.constant 0 : i32
    %dma_start3A_204 = tpu.memref_slice %arg8[%dma_start3A_202, %dma_start3A_203] : memref<6x40xi32, #tpu.memory_space<vmem>> -> memref<1x40xi32, #tpu.memory_space<vmem>>
    %dma_start3A_205 = tpu.memref_squeeze %dma_start3A_204 : memref<1x40xi32, #tpu.memory_space<vmem>> -> memref<40xi32, #tpu.memory_space<vmem>>
    %dma_start3A_206 = tpu.memref_slice %arg4[%add3A_201] : memref<320000xi32, #tpu.memory_space<hbm>> -> memref<40xi32, #tpu.memory_space<hbm>>
    %dma_start3A_207 = arith.constant 0 : i32
    %dma_start3A_208 = tpu.memref_slice %arg8[%dma_start3A_202, %dma_start3A_207] : memref<6x40xi32, #tpu.memory_space<vmem>> -> memref<1x40xi32, #tpu.memory_space<vmem>>
    %dma_start3A_209 = tpu.memref_squeeze %dma_start3A_208 : memref<1x40xi32, #tpu.memory_space<vmem>> -> memref<40xi32, #tpu.memory_space<vmem>>
    %dma_start3A_210 = tpu.memref_slice %arg4[%add3A_201] : memref<320000xi32, #tpu.memory_space<hbm>> -> memref<40xi32, #tpu.memory_space<hbm>>
    tpu.enqueue_dma source(%dma_start3A_210 : memref<40xi32, #tpu.memory_space<hbm>>) target(%dma_start3A_209 : memref<40xi32, #tpu.memory_space<vmem>>) target_semaphore(%arg18 : memref<!tpu.dma_semaphore, #tpu.memory_space<semaphore_mem>>)
    %dma_start3A_211 = arith.constant 1 : i32
    %dma_start3A_212 = arith.constant 0 : i32
    %dma_start3A_213 = arith.constant 0 : i32
    %dma_start3A_214 = tpu.memref_slice %arg9[%dma_start3A_211, %dma_start3A_212, %dma_start3A_213] : memref<6x40x128xf32, #tpu.memory_space<vmem>> -> memref<1x40x128xf32, #tpu.memory_space<vmem>>
    %dma_start3A_215 = tpu.memref_squeeze %dma_start3A_214 : memref<1x40x128xf32, #tpu.memory_space<vmem>> -> memref<40x128xf32, #tpu.memory_space<vmem>>
    %dma_start3A_216 = arith.constant 9880 : i32
    %dma_start3A_217 = tpu.memref_slice %arg7[%dma_start3A_216] : memref<10000xi32, #tpu.memory_space<vmem>> -> memref<40xi32, #tpu.memory_space<vmem>>
    %dma_start3A_218 = arith.constant 0 : i32
    %dma_start3A_219 = arith.constant 0 : i32
    %dma_start3A_220 = tpu.memref_slice %arg2[%dma_start3A_218, %dma_start3A_219] : memref<10000x128xf32, #tpu.memory_space<hbm>> -> memref<10000x128xf32, #tpu.memory_space<hbm>>
    tpu.enqueue_indirect_dma source(%dma_start3A_220 : memref<10000x128xf32, #tpu.memory_space<hbm>>) target(%dma_start3A_215 : memref<40x128xf32, #tpu.memory_space<vmem>>) offsets(%dma_start3A_217 : memref<40xi32, #tpu.memory_space<vmem>>) semaphore(%arg12 : memref<!tpu.dma_semaphore, #tpu.memory_space<semaphore_mem>>)
    %add3A_221 = arith.constant 9680 : i32
    %add3A_222 = arith.addi %mul3A_2, %add3A_221 : i32
    %dma_wait3A_223 = arith.constant 2 : i32
    %dma_wait3A_224 = arith.constant 0 : i32
    %dma_wait3A_225 = tpu.memref_slice %arg8[%dma_wait3A_223, %dma_wait3A_224] : memref<6x40xi32, #tpu.memory_space<vmem>> -> memref<1x40xi32, #tpu.memory_space<vmem>>
    %dma_wait3A_226 = tpu.memref_squeeze %dma_wait3A_225 : memref<1x40xi32, #tpu.memory_space<vmem>> -> memref<40xi32, #tpu.memory_space<vmem>>
    %dma_wait3A_227 = tpu.memref_slice %arg4[%add3A_222] : memref<320000xi32, #tpu.memory_space<hbm>> -> memref<40xi32, #tpu.memory_space<hbm>>
    %dma_wait3A_228 = arith.constant 0 : i32
    %dma_wait3A_229 = tpu.memref_slice %arg8[%dma_wait3A_223, %dma_wait3A_228] : memref<6x40xi32, #tpu.memory_space<vmem>> -> memref<1x40xi32, #tpu.memory_space<vmem>>
    %dma_wait3A_230 = tpu.memref_squeeze %dma_wait3A_229 : memref<1x40xi32, #tpu.memory_space<vmem>> -> memref<40xi32, #tpu.memory_space<vmem>>
    %dma_wait3A_231 = tpu.memref_slice %arg4[%add3A_222] : memref<320000xi32, #tpu.memory_space<hbm>> -> memref<40xi32, #tpu.memory_space<hbm>>
    tpu.wait_dma2 semaphore(%arg19 : memref<!tpu.dma_semaphore, #tpu.memory_space<semaphore_mem>>) src(%dma_wait3A_231 : memref<40xi32, #tpu.memory_space<hbm>>) dst(%dma_wait3A_230 : memref<40xi32, #tpu.memory_space<vmem>>)
    %dma_wait3A_232 = arith.constant 2 : i32
    %dma_wait3A_233 = arith.constant 0 : i32
    %dma_wait3A_234 = arith.constant 0 : i32
    %dma_wait3A_235 = tpu.memref_slice %arg9[%dma_wait3A_232, %dma_wait3A_233, %dma_wait3A_234] : memref<6x40x128xf32, #tpu.memory_space<vmem>> -> memref<1x40x128xf32, #tpu.memory_space<vmem>>
    %dma_wait3A_236 = tpu.memref_squeeze %dma_wait3A_235 : memref<1x40x128xf32, #tpu.memory_space<vmem>> -> memref<40x128xf32, #tpu.memory_space<vmem>>
    %dma_wait3A_237 = arith.constant 9680 : i32
    %dma_wait3A_238 = tpu.memref_slice %arg7[%dma_wait3A_237] : memref<10000xi32, #tpu.memory_space<vmem>> -> memref<40xi32, #tpu.memory_space<vmem>>
    %dma_wait3A_239 = arith.constant 0 : i32
    %dma_wait3A_240 = arith.constant 0 : i32
    %dma_wait3A_241 = tpu.memref_slice %arg2[%dma_wait3A_239, %dma_wait3A_240] : memref<10000x128xf32, #tpu.memory_space<hbm>> -> memref<10000x128xf32, #tpu.memory_space<hbm>>
    tpu.wait_indirect_dma semaphore(%arg13 : memref<!tpu.dma_semaphore, #tpu.memory_space<semaphore_mem>>) src(%dma_wait3A_241 : memref<10000x128xf32, #tpu.memory_space<hbm>>) dst(%dma_wait3A_236 : memref<40x128xf32, #tpu.memory_space<vmem>>)
    %run_scoped3A_242 = arith.constant 2 : i32
    %run_scoped3A_243 = arith.constant 2 : i32
    "tpu.region"() ({
      %run_scoped3A_452 = tpu.sem_alloc : memref<!tpu.dma_semaphore, #tpu.memory_space<semaphore_mem>>
      %dma_start3A_453 = arith.constant 0 : i32
      %dma_start3A_454 = arith.constant 0 : i32
      %dma_start3A_455 = tpu.memref_slice %arg9[%run_scoped3A_242, %dma_start3A_453, %dma_start3A_454] : memref<6x40x128xf32, #tpu.memory_space<vmem>> -> memref<1x40x128xf32, #tpu.memory_space<vmem>>
      %dma_start3A_456 = tpu.memref_squeeze %dma_start3A_455 : memref<1x40x128xf32, #tpu.memory_space<vmem>> -> memref<40x128xf32, #tpu.memory_space<vmem>>
      %dma_start3A_457 = arith.constant 0 : i32
      %dma_start3A_458 = tpu.memref_slice %arg8[%run_scoped3A_243, %dma_start3A_457] : memref<6x40xi32, #tpu.memory_space<vmem>> -> memref<1x40xi32, #tpu.memory_space<vmem>>
      %dma_start3A_459 = tpu.memref_squeeze %dma_start3A_458 : memref<1x40xi32, #tpu.memory_space<vmem>> -> memref<40xi32, #tpu.memory_space<vmem>>
      %dma_start3A_460 = arith.constant 0 : i32
      %dma_start3A_461 = arith.constant 0 : i32
      %dma_start3A_462 = tpu.memref_slice %arg10[%dma_start3A_460, %dma_start3A_461] : memref<10240x128xf32, #tpu.memory_space<vmem_shared>> -> memref<10240x128xf32, #tpu.memory_space<vmem_shared>>
      tpu.enqueue_indirect_dma source(%dma_start3A_456 : memref<40x128xf32, #tpu.memory_space<vmem>>) target(%dma_start3A_462 : memref<10240x128xf32, #tpu.memory_space<vmem_shared>>) offsets(%dma_start3A_459 : memref<40xi32, #tpu.memory_space<vmem>>) semaphore(%run_scoped3A_452 : memref<!tpu.dma_semaphore, #tpu.memory_space<semaphore_mem>>) {add = true}
      %dma_wait3A_463 = arith.constant 0 : i32
      %dma_wait3A_464 = arith.constant 0 : i32
      %dma_wait3A_465 = tpu.memref_slice %arg9[%run_scoped3A_242, %dma_wait3A_463, %dma_wait3A_464] : memref<6x40x128xf32, #tpu.memory_space<vmem>> -> memref<1x40x128xf32, #tpu.memory_space<vmem>>
      %dma_wait3A_466 = tpu.memref_squeeze %dma_wait3A_465 : memref<1x40x128xf32, #tpu.memory_space<vmem>> -> memref<40x128xf32, #tpu.memory_space<vmem>>
      %dma_wait3A_467 = arith.constant 0 : i32
      %dma_wait3A_468 = tpu.memref_slice %arg8[%run_scoped3A_243, %dma_wait3A_467] : memref<6x40xi32, #tpu.memory_space<vmem>> -> memref<1x40xi32, #tpu.memory_space<vmem>>
      %dma_wait3A_469 = tpu.memref_squeeze %dma_wait3A_468 : memref<1x40xi32, #tpu.memory_space<vmem>> -> memref<40xi32, #tpu.memory_space<vmem>>
      %dma_wait3A_470 = arith.constant 0 : i32
      %dma_wait3A_471 = arith.constant 0 : i32
      %dma_wait3A_472 = tpu.memref_slice %arg10[%dma_wait3A_470, %dma_wait3A_471] : memref<10240x128xf32, #tpu.memory_space<vmem_shared>> -> memref<10240x128xf32, #tpu.memory_space<vmem_shared>>
      tpu.wait_indirect_dma semaphore(%run_scoped3A_452 : memref<!tpu.dma_semaphore, #tpu.memory_space<semaphore_mem>>) src(%dma_wait3A_466 : memref<40x128xf32, #tpu.memory_space<vmem>>) dst(%dma_wait3A_472 : memref<10240x128xf32, #tpu.memory_space<vmem_shared>>)
      tpu.yield
    }) : () -> ()
    %add3A_244 = arith.constant 9920 : i32
    %add3A_245 = arith.addi %mul3A_2, %add3A_244 : i32
    %dma_start3A_246 = arith.constant 2 : i32
    %dma_start3A_247 = arith.constant 0 : i32
    %dma_start3A_248 = tpu.memref_slice %arg8[%dma_start3A_246, %dma_start3A_247] : memref<6x40xi32, #tpu.memory_space<vmem>> -> memref<1x40xi32, #tpu.memory_space<vmem>>
    %dma_start3A_249 = tpu.memref_squeeze %dma_start3A_248 : memref<1x40xi32, #tpu.memory_space<vmem>> -> memref<40xi32, #tpu.memory_space<vmem>>
    %dma_start3A_250 = tpu.memref_slice %arg4[%add3A_245] : memref<320000xi32, #tpu.memory_space<hbm>> -> memref<40xi32, #tpu.memory_space<hbm>>
    %dma_start3A_251 = arith.constant 0 : i32
    %dma_start3A_252 = tpu.memref_slice %arg8[%dma_start3A_246, %dma_start3A_251] : memref<6x40xi32, #tpu.memory_space<vmem>> -> memref<1x40xi32, #tpu.memory_space<vmem>>
    %dma_start3A_253 = tpu.memref_squeeze %dma_start3A_252 : memref<1x40xi32, #tpu.memory_space<vmem>> -> memref<40xi32, #tpu.memory_space<vmem>>
    %dma_start3A_254 = tpu.memref_slice %arg4[%add3A_245] : memref<320000xi32, #tpu.memory_space<hbm>> -> memref<40xi32, #tpu.memory_space<hbm>>
    tpu.enqueue_dma source(%dma_start3A_254 : memref<40xi32, #tpu.memory_space<hbm>>) target(%dma_start3A_253 : memref<40xi32, #tpu.memory_space<vmem>>) target_semaphore(%arg19 : memref<!tpu.dma_semaphore, #tpu.memory_space<semaphore_mem>>)
    %dma_start3A_255 = arith.constant 2 : i32
    %dma_start3A_256 = arith.constant 0 : i32
    %dma_start3A_257 = arith.constant 0 : i32
    %dma_start3A_258 = tpu.memref_slice %arg9[%dma_start3A_255, %dma_start3A_256, %dma_start3A_257] : memref<6x40x128xf32, #tpu.memory_space<vmem>> -> memref<1x40x128xf32, #tpu.memory_space<vmem>>
    %dma_start3A_259 = tpu.memref_squeeze %dma_start3A_258 : memref<1x40x128xf32, #tpu.memory_space<vmem>> -> memref<40x128xf32, #tpu.memory_space<vmem>>
    %dma_start3A_260 = arith.constant 9920 : i32
    %dma_start3A_261 = tpu.memref_slice %arg7[%dma_start3A_260] : memref<10000xi32, #tpu.memory_space<vmem>> -> memref<40xi32, #tpu.memory_space<vmem>>
    %dma_start3A_262 = arith.constant 0 : i32
    %dma_start3A_263 = arith.constant 0 : i32
    %dma_start3A_264 = tpu.memref_slice %arg2[%dma_start3A_262, %dma_start3A_263] : memref<10000x128xf32, #tpu.memory_space<hbm>> -> memref<10000x128xf32, #tpu.memory_space<hbm>>
    tpu.enqueue_indirect_dma source(%dma_start3A_264 : memref<10000x128xf32, #tpu.memory_space<hbm>>) target(%dma_start3A_259 : memref<40x128xf32, #tpu.memory_space<vmem>>) offsets(%dma_start3A_261 : memref<40xi32, #tpu.memory_space<vmem>>) semaphore(%arg13 : memref<!tpu.dma_semaphore, #tpu.memory_space<semaphore_mem>>)
    %add3A_265 = arith.constant 9720 : i32
    %add3A_266 = arith.addi %mul3A_2, %add3A_265 : i32
    %dma_wait3A_267 = arith.constant 3 : i32
    %dma_wait3A_268 = arith.constant 0 : i32
    %dma_wait3A_269 = tpu.memref_slice %arg8[%dma_wait3A_267, %dma_wait3A_268] : memref<6x40xi32, #tpu.memory_space<vmem>> -> memref<1x40xi32, #tpu.memory_space<vmem>>
    %dma_wait3A_270 = tpu.memref_squeeze %dma_wait3A_269 : memref<1x40xi32, #tpu.memory_space<vmem>> -> memref<40xi32, #tpu.memory_space<vmem>>
    %dma_wait3A_271 = tpu.memref_slice %arg4[%add3A_266] : memref<320000xi32, #tpu.memory_space<hbm>> -> memref<40xi32, #tpu.memory_space<hbm>>
    %dma_wait3A_272 = arith.constant 0 : i32
    %dma_wait3A_273 = tpu.memref_slice %arg8[%dma_wait3A_267, %dma_wait3A_272] : memref<6x40xi32, #tpu.memory_space<vmem>> -> memref<1x40xi32, #tpu.memory_space<vmem>>
    %dma_wait3A_274 = tpu.memref_squeeze %dma_wait3A_273 : memref<1x40xi32, #tpu.memory_space<vmem>> -> memref<40xi32, #tpu.memory_space<vmem>>
    %dma_wait3A_275 = tpu.memref_slice %arg4[%add3A_266] : memref<320000xi32, #tpu.memory_space<hbm>> -> memref<40xi32, #tpu.memory_space<hbm>>
    tpu.wait_dma2 semaphore(%arg20 : memref<!tpu.dma_semaphore, #tpu.memory_space<semaphore_mem>>) src(%dma_wait3A_275 : memref<40xi32, #tpu.memory_space<hbm>>) dst(%dma_wait3A_274 : memref<40xi32, #tpu.memory_space<vmem>>)
    %dma_wait3A_276 = arith.constant 3 : i32
    %dma_wait3A_277 = arith.constant 0 : i32
    %dma_wait3A_278 = arith.constant 0 : i32
    %dma_wait3A_279 = tpu.memref_slice %arg9[%dma_wait3A_276, %dma_wait3A_277, %dma_wait3A_278] : memref<6x40x128xf32, #tpu.memory_space<vmem>> -> memref<1x40x128xf32, #tpu.memory_space<vmem>>
    %dma_wait3A_280 = tpu.memref_squeeze %dma_wait3A_279 : memref<1x40x128xf32, #tpu.memory_space<vmem>> -> memref<40x128xf32, #tpu.memory_space<vmem>>
    %dma_wait3A_281 = arith.constant 9720 : i32
    %dma_wait3A_282 = tpu.memref_slice %arg7[%dma_wait3A_281] : memref<10000xi32, #tpu.memory_space<vmem>> -> memref<40xi32, #tpu.memory_space<vmem>>
    %dma_wait3A_283 = arith.constant 0 : i32
    %dma_wait3A_284 = arith.constant 0 : i32
    %dma_wait3A_285 = tpu.memref_slice %arg2[%dma_wait3A_283, %dma_wait3A_284] : memref<10000x128xf32, #tpu.memory_space<hbm>> -> memref<10000x128xf32, #tpu.memory_space<hbm>>
    tpu.wait_indirect_dma semaphore(%arg14 : memref<!tpu.dma_semaphore, #tpu.memory_space<semaphore_mem>>) src(%dma_wait3A_285 : memref<10000x128xf32, #tpu.memory_space<hbm>>) dst(%dma_wait3A_280 : memref<40x128xf32, #tpu.memory_space<vmem>>)
    %run_scoped3A_286 = arith.constant 3 : i32
    %run_scoped3A_287 = arith.constant 3 : i32
    "tpu.region"() ({
      %run_scoped3A_452 = tpu.sem_alloc : memref<!tpu.dma_semaphore, #tpu.memory_space<semaphore_mem>>
      %dma_start3A_453 = arith.constant 0 : i32
      %dma_start3A_454 = arith.constant 0 : i32
      %dma_start3A_455 = tpu.memref_slice %arg9[%run_scoped3A_286, %dma_start3A_453, %dma_start3A_454] : memref<6x40x128xf32, #tpu.memory_space<vmem>> -> memref<1x40x128xf32, #tpu.memory_space<vmem>>
      %dma_start3A_456 = tpu.memref_squeeze %dma_start3A_455 : memref<1x40x128xf32, #tpu.memory_space<vmem>> -> memref<40x128xf32, #tpu.memory_space<vmem>>
      %dma_start3A_457 = arith.constant 0 : i32
      %dma_start3A_458 = tpu.memref_slice %arg8[%run_scoped3A_287, %dma_start3A_457] : memref<6x40xi32, #tpu.memory_space<vmem>> -> memref<1x40xi32, #tpu.memory_space<vmem>>
      %dma_start3A_459 = tpu.memref_squeeze %dma_start3A_458 : memref<1x40xi32, #tpu.memory_space<vmem>> -> memref<40xi32, #tpu.memory_space<vmem>>
      %dma_start3A_460 = arith.constant 0 : i32
      %dma_start3A_461 = arith.constant 0 : i32
      %dma_start3A_462 = tpu.memref_slice %arg10[%dma_start3A_460, %dma_start3A_461] : memref<10240x128xf32, #tpu.memory_space<vmem_shared>> -> memref<10240x128xf32, #tpu.memory_space<vmem_shared>>
      tpu.enqueue_indirect_dma source(%dma_start3A_456 : memref<40x128xf32, #tpu.memory_space<vmem>>) target(%dma_start3A_462 : memref<10240x128xf32, #tpu.memory_space<vmem_shared>>) offsets(%dma_start3A_459 : memref<40xi32, #tpu.memory_space<vmem>>) semaphore(%run_scoped3A_452 : memref<!tpu.dma_semaphore, #tpu.memory_space<semaphore_mem>>) {add = true}
      %dma_wait3A_463 = arith.constant 0 : i32
      %dma_wait3A_464 = arith.constant 0 : i32
      %dma_wait3A_465 = tpu.memref_slice %arg9[%run_scoped3A_286, %dma_wait3A_463, %dma_wait3A_464] : memref<6x40x128xf32, #tpu.memory_space<vmem>> -> memref<1x40x128xf32, #tpu.memory_space<vmem>>
      %dma_wait3A_466 = tpu.memref_squeeze %dma_wait3A_465 : memref<1x40x128xf32, #tpu.memory_space<vmem>> -> memref<40x128xf32, #tpu.memory_space<vmem>>
      %dma_wait3A_467 = arith.constant 0 : i32
      %dma_wait3A_468 = tpu.memref_slice %arg8[%run_scoped3A_287, %dma_wait3A_467] : memref<6x40xi32, #tpu.memory_space<vmem>> -> memref<1x40xi32, #tpu.memory_space<vmem>>
      %dma_wait3A_469 = tpu.memref_squeeze %dma_wait3A_468 : memref<1x40xi32, #tpu.memory_space<vmem>> -> memref<40xi32, #tpu.memory_space<vmem>>
      %dma_wait3A_470 = arith.constant 0 : i32
      %dma_wait3A_471 = arith.constant 0 : i32
      %dma_wait3A_472 = tpu.memref_slice %arg10[%dma_wait3A_470, %dma_wait3A_471] : memref<10240x128xf32, #tpu.memory_space<vmem_shared>> -> memref<10240x128xf32, #tpu.memory_space<vmem_shared>>
      tpu.wait_indirect_dma semaphore(%run_scoped3A_452 : memref<!tpu.dma_semaphore, #tpu.memory_space<semaphore_mem>>) src(%dma_wait3A_466 : memref<40x128xf32, #tpu.memory_space<vmem>>) dst(%dma_wait3A_472 : memref<10240x128xf32, #tpu.memory_space<vmem_shared>>)
      tpu.yield
    }) : () -> ()
    %add3A_288 = arith.constant 9960 : i32
    %add3A_289 = arith.addi %mul3A_2, %add3A_288 : i32
    %dma_start3A_290 = arith.constant 3 : i32
    %dma_start3A_291 = arith.constant 0 : i32
    %dma_start3A_292 = tpu.memref_slice %arg8[%dma_start3A_290, %dma_start3A_291] : memref<6x40xi32, #tpu.memory_space<vmem>> -> memref<1x40xi32, #tpu.memory_space<vmem>>
    %dma_start3A_293 = tpu.memref_squeeze %dma_start3A_292 : memref<1x40xi32, #tpu.memory_space<vmem>> -> memref<40xi32, #tpu.memory_space<vmem>>
    %dma_start3A_294 = tpu.memref_slice %arg4[%add3A_289] : memref<320000xi32, #tpu.memory_space<hbm>> -> memref<40xi32, #tpu.memory_space<hbm>>
    %dma_start3A_295 = arith.constant 0 : i32
    %dma_start3A_296 = tpu.memref_slice %arg8[%dma_start3A_290, %dma_start3A_295] : memref<6x40xi32, #tpu.memory_space<vmem>> -> memref<1x40xi32, #tpu.memory_space<vmem>>
    %dma_start3A_297 = tpu.memref_squeeze %dma_start3A_296 : memref<1x40xi32, #tpu.memory_space<vmem>> -> memref<40xi32, #tpu.memory_space<vmem>>
    %dma_start3A_298 = tpu.memref_slice %arg4[%add3A_289] : memref<320000xi32, #tpu.memory_space<hbm>> -> memref<40xi32, #tpu.memory_space<hbm>>
    tpu.enqueue_dma source(%dma_start3A_298 : memref<40xi32, #tpu.memory_space<hbm>>) target(%dma_start3A_297 : memref<40xi32, #tpu.memory_space<vmem>>) target_semaphore(%arg20 : memref<!tpu.dma_semaphore, #tpu.memory_space<semaphore_mem>>)
    %dma_start3A_299 = arith.constant 3 : i32
    %dma_start3A_300 = arith.constant 0 : i32
    %dma_start3A_301 = arith.constant 0 : i32
    %dma_start3A_302 = tpu.memref_slice %arg9[%dma_start3A_299, %dma_start3A_300, %dma_start3A_301] : memref<6x40x128xf32, #tpu.memory_space<vmem>> -> memref<1x40x128xf32, #tpu.memory_space<vmem>>
    %dma_start3A_303 = tpu.memref_squeeze %dma_start3A_302 : memref<1x40x128xf32, #tpu.memory_space<vmem>> -> memref<40x128xf32, #tpu.memory_space<vmem>>
    %dma_start3A_304 = arith.constant 9960 : i32
    %dma_start3A_305 = tpu.memref_slice %arg7[%dma_start3A_304] : memref<10000xi32, #tpu.memory_space<vmem>> -> memref<40xi32, #tpu.memory_space<vmem>>
    %dma_start3A_306 = arith.constant 0 : i32
    %dma_start3A_307 = arith.constant 0 : i32
    %dma_start3A_308 = tpu.memref_slice %arg2[%dma_start3A_306, %dma_start3A_307] : memref<10000x128xf32, #tpu.memory_space<hbm>> -> memref<10000x128xf32, #tpu.memory_space<hbm>>
    tpu.enqueue_indirect_dma source(%dma_start3A_308 : memref<10000x128xf32, #tpu.memory_space<hbm>>) target(%dma_start3A_303 : memref<40x128xf32, #tpu.memory_space<vmem>>) offsets(%dma_start3A_305 : memref<40xi32, #tpu.memory_space<vmem>>) semaphore(%arg14 : memref<!tpu.dma_semaphore, #tpu.memory_space<semaphore_mem>>)
    %add3A_309 = arith.constant 9760 : i32
    %add3A_310 = arith.addi %mul3A_2, %add3A_309 : i32
    %dma_wait3A_311 = arith.constant 4 : i32
    %dma_wait3A_312 = arith.constant 0 : i32
    %dma_wait3A_313 = tpu.memref_slice %arg8[%dma_wait3A_311, %dma_wait3A_312] : memref<6x40xi32, #tpu.memory_space<vmem>> -> memref<1x40xi32, #tpu.memory_space<vmem>>
    %dma_wait3A_314 = tpu.memref_squeeze %dma_wait3A_313 : memref<1x40xi32, #tpu.memory_space<vmem>> -> memref<40xi32, #tpu.memory_space<vmem>>
    %dma_wait3A_315 = tpu.memref_slice %arg4[%add3A_310] : memref<320000xi32, #tpu.memory_space<hbm>> -> memref<40xi32, #tpu.memory_space<hbm>>
    %dma_wait3A_316 = arith.constant 0 : i32
    %dma_wait3A_317 = tpu.memref_slice %arg8[%dma_wait3A_311, %dma_wait3A_316] : memref<6x40xi32, #tpu.memory_space<vmem>> -> memref<1x40xi32, #tpu.memory_space<vmem>>
    %dma_wait3A_318 = tpu.memref_squeeze %dma_wait3A_317 : memref<1x40xi32, #tpu.memory_space<vmem>> -> memref<40xi32, #tpu.memory_space<vmem>>
    %dma_wait3A_319 = tpu.memref_slice %arg4[%add3A_310] : memref<320000xi32, #tpu.memory_space<hbm>> -> memref<40xi32, #tpu.memory_space<hbm>>
    tpu.wait_dma2 semaphore(%arg21 : memref<!tpu.dma_semaphore, #tpu.memory_space<semaphore_mem>>) src(%dma_wait3A_319 : memref<40xi32, #tpu.memory_space<hbm>>) dst(%dma_wait3A_318 : memref<40xi32, #tpu.memory_space<vmem>>)
    %dma_wait3A_320 = arith.constant 4 : i32
    %dma_wait3A_321 = arith.constant 0 : i32
    %dma_wait3A_322 = arith.constant 0 : i32
    %dma_wait3A_323 = tpu.memref_slice %arg9[%dma_wait3A_320, %dma_wait3A_321, %dma_wait3A_322] : memref<6x40x128xf32, #tpu.memory_space<vmem>> -> memref<1x40x128xf32, #tpu.memory_space<vmem>>
    %dma_wait3A_324 = tpu.memref_squeeze %dma_wait3A_323 : memref<1x40x128xf32, #tpu.memory_space<vmem>> -> memref<40x128xf32, #tpu.memory_space<vmem>>
    %dma_wait3A_325 = arith.constant 9760 : i32
    %dma_wait3A_326 = tpu.memref_slice %arg7[%dma_wait3A_325] : memref<10000xi32, #tpu.memory_space<vmem>> -> memref<40xi32, #tpu.memory_space<vmem>>
    %dma_wait3A_327 = arith.constant 0 : i32
    %dma_wait3A_328 = arith.constant 0 : i32
    %dma_wait3A_329 = tpu.memref_slice %arg2[%dma_wait3A_327, %dma_wait3A_328] : memref<10000x128xf32, #tpu.memory_space<hbm>> -> memref<10000x128xf32, #tpu.memory_space<hbm>>
    tpu.wait_indirect_dma semaphore(%arg15 : memref<!tpu.dma_semaphore, #tpu.memory_space<semaphore_mem>>) src(%dma_wait3A_329 : memref<10000x128xf32, #tpu.memory_space<hbm>>) dst(%dma_wait3A_324 : memref<40x128xf32, #tpu.memory_space<vmem>>)
    %run_scoped3A_330 = arith.constant 4 : i32
    %run_scoped3A_331 = arith.constant 4 : i32
    "tpu.region"() ({
      %run_scoped3A_452 = tpu.sem_alloc : memref<!tpu.dma_semaphore, #tpu.memory_space<semaphore_mem>>
      %dma_start3A_453 = arith.constant 0 : i32
      %dma_start3A_454 = arith.constant 0 : i32
      %dma_start3A_455 = tpu.memref_slice %arg9[%run_scoped3A_330, %dma_start3A_453, %dma_start3A_454] : memref<6x40x128xf32, #tpu.memory_space<vmem>> -> memref<1x40x128xf32, #tpu.memory_space<vmem>>
      %dma_start3A_456 = tpu.memref_squeeze %dma_start3A_455 : memref<1x40x128xf32, #tpu.memory_space<vmem>> -> memref<40x128xf32, #tpu.memory_space<vmem>>
      %dma_start3A_457 = arith.constant 0 : i32
      %dma_start3A_458 = tpu.memref_slice %arg8[%run_scoped3A_331, %dma_start3A_457] : memref<6x40xi32, #tpu.memory_space<vmem>> -> memref<1x40xi32, #tpu.memory_space<vmem>>
      %dma_start3A_459 = tpu.memref_squeeze %dma_start3A_458 : memref<1x40xi32, #tpu.memory_space<vmem>> -> memref<40xi32, #tpu.memory_space<vmem>>
      %dma_start3A_460 = arith.constant 0 : i32
      %dma_start3A_461 = arith.constant 0 : i32
      %dma_start3A_462 = tpu.memref_slice %arg10[%dma_start3A_460, %dma_start3A_461] : memref<10240x128xf32, #tpu.memory_space<vmem_shared>> -> memref<10240x128xf32, #tpu.memory_space<vmem_shared>>
      tpu.enqueue_indirect_dma source(%dma_start3A_456 : memref<40x128xf32, #tpu.memory_space<vmem>>) target(%dma_start3A_462 : memref<10240x128xf32, #tpu.memory_space<vmem_shared>>) offsets(%dma_start3A_459 : memref<40xi32, #tpu.memory_space<vmem>>) semaphore(%run_scoped3A_452 : memref<!tpu.dma_semaphore, #tpu.memory_space<semaphore_mem>>) {add = true}
      %dma_wait3A_463 = arith.constant 0 : i32
      %dma_wait3A_464 = arith.constant 0 : i32
      %dma_wait3A_465 = tpu.memref_slice %arg9[%run_scoped3A_330, %dma_wait3A_463, %dma_wait3A_464] : memref<6x40x128xf32, #tpu.memory_space<vmem>> -> memref<1x40x128xf32, #tpu.memory_space<vmem>>
      %dma_wait3A_466 = tpu.memref_squeeze %dma_wait3A_465 : memref<1x40x128xf32, #tpu.memory_space<vmem>> -> memref<40x128xf32, #tpu.memory_space<vmem>>
      %dma_wait3A_467 = arith.constant 0 : i32
      %dma_wait3A_468 = tpu.memref_slice %arg8[%run_scoped3A_331, %dma_wait3A_467] : memref<6x40xi32, #tpu.memory_space<vmem>> -> memref<1x40xi32, #tpu.memory_space<vmem>>
      %dma_wait3A_469 = tpu.memref_squeeze %dma_wait3A_468 : memref<1x40xi32, #tpu.memory_space<vmem>> -> memref<40xi32, #tpu.memory_space<vmem>>
      %dma_wait3A_470 = arith.constant 0 : i32
      %dma_wait3A_471 = arith.constant 0 : i32
      %dma_wait3A_472 = tpu.memref_slice %arg10[%dma_wait3A_470, %dma_wait3A_471] : memref<10240x128xf32, #tpu.memory_space<vmem_shared>> -> memref<10240x128xf32, #tpu.memory_space<vmem_shared>>
      tpu.wait_indirect_dma semaphore(%run_scoped3A_452 : memref<!tpu.dma_semaphore, #tpu.memory_space<semaphore_mem>>) src(%dma_wait3A_466 : memref<40x128xf32, #tpu.memory_space<vmem>>) dst(%dma_wait3A_472 : memref<10240x128xf32, #tpu.memory_space<vmem_shared>>)
      tpu.yield
    }) : () -> ()
    %add3A_332 = arith.constant 9800 : i32
    %add3A_333 = arith.addi %mul3A_2, %add3A_332 : i32
    %dma_wait3A_334 = arith.constant 5 : i32
    %dma_wait3A_335 = arith.constant 0 : i32
    %dma_wait3A_336 = tpu.memref_slice %arg8[%dma_wait3A_334, %dma_wait3A_335] : memref<6x40xi32, #tpu.memory_space<vmem>> -> memref<1x40xi32, #tpu.memory_space<vmem>>
    %dma_wait3A_337 = tpu.memref_squeeze %dma_wait3A_336 : memref<1x40xi32, #tpu.memory_space<vmem>> -> memref<40xi32, #tpu.memory_space<vmem>>
    %dma_wait3A_338 = tpu.memref_slice %arg4[%add3A_333] : memref<320000xi32, #tpu.memory_space<hbm>> -> memref<40xi32, #tpu.memory_space<hbm>>
    %dma_wait3A_339 = arith.constant 0 : i32
    %dma_wait3A_340 = tpu.memref_slice %arg8[%dma_wait3A_334, %dma_wait3A_339] : memref<6x40xi32, #tpu.memory_space<vmem>> -> memref<1x40xi32, #tpu.memory_space<vmem>>
    %dma_wait3A_341 = tpu.memref_squeeze %dma_wait3A_340 : memref<1x40xi32, #tpu.memory_space<vmem>> -> memref<40xi32, #tpu.memory_space<vmem>>
    %dma_wait3A_342 = tpu.memref_slice %arg4[%add3A_333] : memref<320000xi32, #tpu.memory_space<hbm>> -> memref<40xi32, #tpu.memory_space<hbm>>
    tpu.wait_dma2 semaphore(%arg22 : memref<!tpu.dma_semaphore, #tpu.memory_space<semaphore_mem>>) src(%dma_wait3A_342 : memref<40xi32, #tpu.memory_space<hbm>>) dst(%dma_wait3A_341 : memref<40xi32, #tpu.memory_space<vmem>>)
    %dma_wait3A_343 = arith.constant 5 : i32
    %dma_wait3A_344 = arith.constant 0 : i32
    %dma_wait3A_345 = arith.constant 0 : i32
    %dma_wait3A_346 = tpu.memref_slice %arg9[%dma_wait3A_343, %dma_wait3A_344, %dma_wait3A_345] : memref<6x40x128xf32, #tpu.memory_space<vmem>> -> memref<1x40x128xf32, #tpu.memory_space<vmem>>
    %dma_wait3A_347 = tpu.memref_squeeze %dma_wait3A_346 : memref<1x40x128xf32, #tpu.memory_space<vmem>> -> memref<40x128xf32, #tpu.memory_space<vmem>>
    %dma_wait3A_348 = arith.constant 9800 : i32
    %dma_wait3A_349 = tpu.memref_slice %arg7[%dma_wait3A_348] : memref<10000xi32, #tpu.memory_space<vmem>> -> memref<40xi32, #tpu.memory_space<vmem>>
    %dma_wait3A_350 = arith.constant 0 : i32
    %dma_wait3A_351 = arith.constant 0 : i32
    %dma_wait3A_352 = tpu.memref_slice %arg2[%dma_wait3A_350, %dma_wait3A_351] : memref<10000x128xf32, #tpu.memory_space<hbm>> -> memref<10000x128xf32, #tpu.memory_space<hbm>>
    tpu.wait_indirect_dma semaphore(%arg16 : memref<!tpu.dma_semaphore, #tpu.memory_space<semaphore_mem>>) src(%dma_wait3A_352 : memref<10000x128xf32, #tpu.memory_space<hbm>>) dst(%dma_wait3A_347 : memref<40x128xf32, #tpu.memory_space<vmem>>)
    %run_scoped3A_353 = arith.constant 5 : i32
    %run_scoped3A_354 = arith.constant 5 : i32
    "tpu.region"() ({
      %run_scoped3A_452 = tpu.sem_alloc : memref<!tpu.dma_semaphore, #tpu.memory_space<semaphore_mem>>
      %dma_start3A_453 = arith.constant 0 : i32
      %dma_start3A_454 = arith.constant 0 : i32
      %dma_start3A_455 = tpu.memref_slice %arg9[%run_scoped3A_353, %dma_start3A_453, %dma_start3A_454] : memref<6x40x128xf32, #tpu.memory_space<vmem>> -> memref<1x40x128xf32, #tpu.memory_space<vmem>>
      %dma_start3A_456 = tpu.memref_squeeze %dma_start3A_455 : memref<1x40x128xf32, #tpu.memory_space<vmem>> -> memref<40x128xf32, #tpu.memory_space<vmem>>
      %dma_start3A_457 = arith.constant 0 : i32
      %dma_start3A_458 = tpu.memref_slice %arg8[%run_scoped3A_354, %dma_start3A_457] : memref<6x40xi32, #tpu.memory_space<vmem>> -> memref<1x40xi32, #tpu.memory_space<vmem>>
      %dma_start3A_459 = tpu.memref_squeeze %dma_start3A_458 : memref<1x40xi32, #tpu.memory_space<vmem>> -> memref<40xi32, #tpu.memory_space<vmem>>
      %dma_start3A_460 = arith.constant 0 : i32
      %dma_start3A_461 = arith.constant 0 : i32
      %dma_start3A_462 = tpu.memref_slice %arg10[%dma_start3A_460, %dma_start3A_461] : memref<10240x128xf32, #tpu.memory_space<vmem_shared>> -> memref<10240x128xf32, #tpu.memory_space<vmem_shared>>
      tpu.enqueue_indirect_dma source(%dma_start3A_456 : memref<40x128xf32, #tpu.memory_space<vmem>>) target(%dma_start3A_462 : memref<10240x128xf32, #tpu.memory_space<vmem_shared>>) offsets(%dma_start3A_459 : memref<40xi32, #tpu.memory_space<vmem>>) semaphore(%run_scoped3A_452 : memref<!tpu.dma_semaphore, #tpu.memory_space<semaphore_mem>>) {add = true}
      %dma_wait3A_463 = arith.constant 0 : i32
      %dma_wait3A_464 = arith.constant 0 : i32
      %dma_wait3A_465 = tpu.memref_slice %arg9[%run_scoped3A_353, %dma_wait3A_463, %dma_wait3A_464] : memref<6x40x128xf32, #tpu.memory_space<vmem>> -> memref<1x40x128xf32, #tpu.memory_space<vmem>>
      %dma_wait3A_466 = tpu.memref_squeeze %dma_wait3A_465 : memref<1x40x128xf32, #tpu.memory_space<vmem>> -> memref<40x128xf32, #tpu.memory_space<vmem>>
      %dma_wait3A_467 = arith.constant 0 : i32
      %dma_wait3A_468 = tpu.memref_slice %arg8[%run_scoped3A_354, %dma_wait3A_467] : memref<6x40xi32, #tpu.memory_space<vmem>> -> memref<1x40xi32, #tpu.memory_space<vmem>>
      %dma_wait3A_469 = tpu.memref_squeeze %dma_wait3A_468 : memref<1x40xi32, #tpu.memory_space<vmem>> -> memref<40xi32, #tpu.memory_space<vmem>>
      %dma_wait3A_470 = arith.constant 0 : i32
      %dma_wait3A_471 = arith.constant 0 : i32
      %dma_wait3A_472 = tpu.memref_slice %arg10[%dma_wait3A_470, %dma_wait3A_471] : memref<10240x128xf32, #tpu.memory_space<vmem_shared>> -> memref<10240x128xf32, #tpu.memory_space<vmem_shared>>
      tpu.wait_indirect_dma semaphore(%run_scoped3A_452 : memref<!tpu.dma_semaphore, #tpu.memory_space<semaphore_mem>>) src(%dma_wait3A_466 : memref<40x128xf32, #tpu.memory_space<vmem>>) dst(%dma_wait3A_472 : memref<10240x128xf32, #tpu.memory_space<vmem_shared>>)
      tpu.yield
    }) : () -> ()
    %add3A_355 = arith.constant 9840 : i32
    %add3A_356 = arith.addi %mul3A_2, %add3A_355 : i32
    %dma_wait3A_357 = arith.constant 0 : i32
    %dma_wait3A_358 = arith.constant 0 : i32
    %dma_wait3A_359 = tpu.memref_slice %arg8[%dma_wait3A_357, %dma_wait3A_358] : memref<6x40xi32, #tpu.memory_space<vmem>> -> memref<1x40xi32, #tpu.memory_space<vmem>>
    %dma_wait3A_360 = tpu.memref_squeeze %dma_wait3A_359 : memref<1x40xi32, #tpu.memory_space<vmem>> -> memref<40xi32, #tpu.memory_space<vmem>>
    %dma_wait3A_361 = tpu.memref_slice %arg4[%add3A_356] : memref<320000xi32, #tpu.memory_space<hbm>> -> memref<40xi32, #tpu.memory_space<hbm>>
    %dma_wait3A_362 = arith.constant 0 : i32
    %dma_wait3A_363 = tpu.memref_slice %arg8[%dma_wait3A_357, %dma_wait3A_362] : memref<6x40xi32, #tpu.memory_space<vmem>> -> memref<1x40xi32, #tpu.memory_space<vmem>>
    %dma_wait3A_364 = tpu.memref_squeeze %dma_wait3A_363 : memref<1x40xi32, #tpu.memory_space<vmem>> -> memref<40xi32, #tpu.memory_space<vmem>>
    %dma_wait3A_365 = tpu.memref_slice %arg4[%add3A_356] : memref<320000xi32, #tpu.memory_space<hbm>> -> memref<40xi32, #tpu.memory_space<hbm>>
    tpu.wait_dma2 semaphore(%arg17 : memref<!tpu.dma_semaphore, #tpu.memory_space<semaphore_mem>>) src(%dma_wait3A_365 : memref<40xi32, #tpu.memory_space<hbm>>) dst(%dma_wait3A_364 : memref<40xi32, #tpu.memory_space<vmem>>)
    %dma_wait3A_366 = arith.constant 0 : i32
    %dma_wait3A_367 = arith.constant 0 : i32
    %dma_wait3A_368 = arith.constant 0 : i32
    %dma_wait3A_369 = tpu.memref_slice %arg9[%dma_wait3A_366, %dma_wait3A_367, %dma_wait3A_368] : memref<6x40x128xf32, #tpu.memory_space<vmem>> -> memref<1x40x128xf32, #tpu.memory_space<vmem>>
    %dma_wait3A_370 = tpu.memref_squeeze %dma_wait3A_369 : memref<1x40x128xf32, #tpu.memory_space<vmem>> -> memref<40x128xf32, #tpu.memory_space<vmem>>
    %dma_wait3A_371 = arith.constant 9840 : i32
    %dma_wait3A_372 = tpu.memref_slice %arg7[%dma_wait3A_371] : memref<10000xi32, #tpu.memory_space<vmem>> -> memref<40xi32, #tpu.memory_space<vmem>>
    %dma_wait3A_373 = arith.constant 0 : i32
    %dma_wait3A_374 = arith.constant 0 : i32
    %dma_wait3A_375 = tpu.memref_slice %arg2[%dma_wait3A_373, %dma_wait3A_374] : memref<10000x128xf32, #tpu.memory_space<hbm>> -> memref<10000x128xf32, #tpu.memory_space<hbm>>
    tpu.wait_indirect_dma semaphore(%arg11 : memref<!tpu.dma_semaphore, #tpu.memory_space<semaphore_mem>>) src(%dma_wait3A_375 : memref<10000x128xf32, #tpu.memory_space<hbm>>) dst(%dma_wait3A_370 : memref<40x128xf32, #tpu.memory_space<vmem>>)
    %run_scoped3A_376 = arith.constant 0 : i32
    %run_scoped3A_377 = arith.constant 0 : i32
    "tpu.region"() ({
      %run_scoped3A_452 = tpu.sem_alloc : memref<!tpu.dma_semaphore, #tpu.memory_space<semaphore_mem>>
      %dma_start3A_453 = arith.constant 0 : i32
      %dma_start3A_454 = arith.constant 0 : i32
      %dma_start3A_455 = tpu.memref_slice %arg9[%run_scoped3A_376, %dma_start3A_453, %dma_start3A_454] : memref<6x40x128xf32, #tpu.memory_space<vmem>> -> memref<1x40x128xf32, #tpu.memory_space<vmem>>
      %dma_start3A_456 = tpu.memref_squeeze %dma_start3A_455 : memref<1x40x128xf32, #tpu.memory_space<vmem>> -> memref<40x128xf32, #tpu.memory_space<vmem>>
      %dma_start3A_457 = arith.constant 0 : i32
      %dma_start3A_458 = tpu.memref_slice %arg8[%run_scoped3A_377, %dma_start3A_457] : memref<6x40xi32, #tpu.memory_space<vmem>> -> memref<1x40xi32, #tpu.memory_space<vmem>>
      %dma_start3A_459 = tpu.memref_squeeze %dma_start3A_458 : memref<1x40xi32, #tpu.memory_space<vmem>> -> memref<40xi32, #tpu.memory_space<vmem>>
      %dma_start3A_460 = arith.constant 0 : i32
      %dma_start3A_461 = arith.constant 0 : i32
      %dma_start3A_462 = tpu.memref_slice %arg10[%dma_start3A_460, %dma_start3A_461] : memref<10240x128xf32, #tpu.memory_space<vmem_shared>> -> memref<10240x128xf32, #tpu.memory_space<vmem_shared>>
      tpu.enqueue_indirect_dma source(%dma_start3A_456 : memref<40x128xf32, #tpu.memory_space<vmem>>) target(%dma_start3A_462 : memref<10240x128xf32, #tpu.memory_space<vmem_shared>>) offsets(%dma_start3A_459 : memref<40xi32, #tpu.memory_space<vmem>>) semaphore(%run_scoped3A_452 : memref<!tpu.dma_semaphore, #tpu.memory_space<semaphore_mem>>) {add = true}
      %dma_wait3A_463 = arith.constant 0 : i32
      %dma_wait3A_464 = arith.constant 0 : i32
      %dma_wait3A_465 = tpu.memref_slice %arg9[%run_scoped3A_376, %dma_wait3A_463, %dma_wait3A_464] : memref<6x40x128xf32, #tpu.memory_space<vmem>> -> memref<1x40x128xf32, #tpu.memory_space<vmem>>
      %dma_wait3A_466 = tpu.memref_squeeze %dma_wait3A_465 : memref<1x40x128xf32, #tpu.memory_space<vmem>> -> memref<40x128xf32, #tpu.memory_space<vmem>>
      %dma_wait3A_467 = arith.constant 0 : i32
      %dma_wait3A_468 = tpu.memref_slice %arg8[%run_scoped3A_377, %dma_wait3A_467] : memref<6x40xi32, #tpu.memory_space<vmem>> -> memref<1x40xi32, #tpu.memory_space<vmem>>
      %dma_wait3A_469 = tpu.memref_squeeze %dma_wait3A_468 : memref<1x40xi32, #tpu.memory_space<vmem>> -> memref<40xi32, #tpu.memory_space<vmem>>
      %dma_wait3A_470 = arith.constant 0 : i32
      %dma_wait3A_471 = arith.constant 0 : i32
      %dma_wait3A_472 = tpu.memref_slice %arg10[%dma_wait3A_470, %dma_wait3A_471] : memref<10240x128xf32, #tpu.memory_space<vmem_shared>> -> memref<10240x128xf32, #tpu.memory_space<vmem_shared>>
      tpu.wait_indirect_dma semaphore(%run_scoped3A_452 : memref<!tpu.dma_semaphore, #tpu.memory_space<semaphore_mem>>) src(%dma_wait3A_466 : memref<40x128xf32, #tpu.memory_space<vmem>>) dst(%dma_wait3A_472 : memref<10240x128xf32, #tpu.memory_space<vmem_shared>>)
      tpu.yield
    }) : () -> ()
    %add3A_378 = arith.constant 9880 : i32
    %add3A_379 = arith.addi %mul3A_2, %add3A_378 : i32
    %dma_wait3A_380 = arith.constant 1 : i32
    %dma_wait3A_381 = arith.constant 0 : i32
    %dma_wait3A_382 = tpu.memref_slice %arg8[%dma_wait3A_380, %dma_wait3A_381] : memref<6x40xi32, #tpu.memory_space<vmem>> -> memref<1x40xi32, #tpu.memory_space<vmem>>
    %dma_wait3A_383 = tpu.memref_squeeze %dma_wait3A_382 : memref<1x40xi32, #tpu.memory_space<vmem>> -> memref<40xi32, #tpu.memory_space<vmem>>
    %dma_wait3A_384 = tpu.memref_slice %arg4[%add3A_379] : memref<320000xi32, #tpu.memory_space<hbm>> -> memref<40xi32, #tpu.memory_space<hbm>>
    %dma_wait3A_385 = arith.constant 0 : i32
    %dma_wait3A_386 = tpu.memref_slice %arg8[%dma_wait3A_380, %dma_wait3A_385] : memref<6x40xi32, #tpu.memory_space<vmem>> -> memref<1x40xi32, #tpu.memory_space<vmem>>
    %dma_wait3A_387 = tpu.memref_squeeze %dma_wait3A_386 : memref<1x40xi32, #tpu.memory_space<vmem>> -> memref<40xi32, #tpu.memory_space<vmem>>
    %dma_wait3A_388 = tpu.memref_slice %arg4[%add3A_379] : memref<320000xi32, #tpu.memory_space<hbm>> -> memref<40xi32, #tpu.memory_space<hbm>>
    tpu.wait_dma2 semaphore(%arg18 : memref<!tpu.dma_semaphore, #tpu.memory_space<semaphore_mem>>) src(%dma_wait3A_388 : memref<40xi32, #tpu.memory_space<hbm>>) dst(%dma_wait3A_387 : memref<40xi32, #tpu.memory_space<vmem>>)
    %dma_wait3A_389 = arith.constant 1 : i32
    %dma_wait3A_390 = arith.constant 0 : i32
    %dma_wait3A_391 = arith.constant 0 : i32
    %dma_wait3A_392 = tpu.memref_slice %arg9[%dma_wait3A_389, %dma_wait3A_390, %dma_wait3A_391] : memref<6x40x128xf32, #tpu.memory_space<vmem>> -> memref<1x40x128xf32, #tpu.memory_space<vmem>>
    %dma_wait3A_393 = tpu.memref_squeeze %dma_wait3A_392 : memref<1x40x128xf32, #tpu.memory_space<vmem>> -> memref<40x128xf32, #tpu.memory_space<vmem>>
    %dma_wait3A_394 = arith.constant 9880 : i32
    %dma_wait3A_395 = tpu.memref_slice %arg7[%dma_wait3A_394] : memref<10000xi32, #tpu.memory_space<vmem>> -> memref<40xi32, #tpu.memory_space<vmem>>
    %dma_wait3A_396 = arith.constant 0 : i32
    %dma_wait3A_397 = arith.constant 0 : i32
    %dma_wait3A_398 = tpu.memref_slice %arg2[%dma_wait3A_396, %dma_wait3A_397] : memref<10000x128xf32, #tpu.memory_space<hbm>> -> memref<10000x128xf32, #tpu.memory_space<hbm>>
    tpu.wait_indirect_dma semaphore(%arg12 : memref<!tpu.dma_semaphore, #tpu.memory_space<semaphore_mem>>) src(%dma_wait3A_398 : memref<10000x128xf32, #tpu.memory_space<hbm>>) dst(%dma_wait3A_393 : memref<40x128xf32, #tpu.memory_space<vmem>>)
    %run_scoped3A_399 = arith.constant 1 : i32
    %run_scoped3A_400 = arith.constant 1 : i32
    "tpu.region"() ({
      %run_scoped3A_452 = tpu.sem_alloc : memref<!tpu.dma_semaphore, #tpu.memory_space<semaphore_mem>>
      %dma_start3A_453 = arith.constant 0 : i32
      %dma_start3A_454 = arith.constant 0 : i32
      %dma_start3A_455 = tpu.memref_slice %arg9[%run_scoped3A_399, %dma_start3A_453, %dma_start3A_454] : memref<6x40x128xf32, #tpu.memory_space<vmem>> -> memref<1x40x128xf32, #tpu.memory_space<vmem>>
      %dma_start3A_456 = tpu.memref_squeeze %dma_start3A_455 : memref<1x40x128xf32, #tpu.memory_space<vmem>> -> memref<40x128xf32, #tpu.memory_space<vmem>>
      %dma_start3A_457 = arith.constant 0 : i32
      %dma_start3A_458 = tpu.memref_slice %arg8[%run_scoped3A_400, %dma_start3A_457] : memref<6x40xi32, #tpu.memory_space<vmem>> -> memref<1x40xi32, #tpu.memory_space<vmem>>
      %dma_start3A_459 = tpu.memref_squeeze %dma_start3A_458 : memref<1x40xi32, #tpu.memory_space<vmem>> -> memref<40xi32, #tpu.memory_space<vmem>>
      %dma_start3A_460 = arith.constant 0 : i32
      %dma_start3A_461 = arith.constant 0 : i32
      %dma_start3A_462 = tpu.memref_slice %arg10[%dma_start3A_460, %dma_start3A_461] : memref<10240x128xf32, #tpu.memory_space<vmem_shared>> -> memref<10240x128xf32, #tpu.memory_space<vmem_shared>>
      tpu.enqueue_indirect_dma source(%dma_start3A_456 : memref<40x128xf32, #tpu.memory_space<vmem>>) target(%dma_start3A_462 : memref<10240x128xf32, #tpu.memory_space<vmem_shared>>) offsets(%dma_start3A_459 : memref<40xi32, #tpu.memory_space<vmem>>) semaphore(%run_scoped3A_452 : memref<!tpu.dma_semaphore, #tpu.memory_space<semaphore_mem>>) {add = true}
      %dma_wait3A_463 = arith.constant 0 : i32
      %dma_wait3A_464 = arith.constant 0 : i32
      %dma_wait3A_465 = tpu.memref_slice %arg9[%run_scoped3A_399, %dma_wait3A_463, %dma_wait3A_464] : memref<6x40x128xf32, #tpu.memory_space<vmem>> -> memref<1x40x128xf32, #tpu.memory_space<vmem>>
      %dma_wait3A_466 = tpu.memref_squeeze %dma_wait3A_465 : memref<1x40x128xf32, #tpu.memory_space<vmem>> -> memref<40x128xf32, #tpu.memory_space<vmem>>
      %dma_wait3A_467 = arith.constant 0 : i32
      %dma_wait3A_468 = tpu.memref_slice %arg8[%run_scoped3A_400, %dma_wait3A_467] : memref<6x40xi32, #tpu.memory_space<vmem>> -> memref<1x40xi32, #tpu.memory_space<vmem>>
      %dma_wait3A_469 = tpu.memref_squeeze %dma_wait3A_468 : memref<1x40xi32, #tpu.memory_space<vmem>> -> memref<40xi32, #tpu.memory_space<vmem>>
      %dma_wait3A_470 = arith.constant 0 : i32
      %dma_wait3A_471 = arith.constant 0 : i32
      %dma_wait3A_472 = tpu.memref_slice %arg10[%dma_wait3A_470, %dma_wait3A_471] : memref<10240x128xf32, #tpu.memory_space<vmem_shared>> -> memref<10240x128xf32, #tpu.memory_space<vmem_shared>>
      tpu.wait_indirect_dma semaphore(%run_scoped3A_452 : memref<!tpu.dma_semaphore, #tpu.memory_space<semaphore_mem>>) src(%dma_wait3A_466 : memref<40x128xf32, #tpu.memory_space<vmem>>) dst(%dma_wait3A_472 : memref<10240x128xf32, #tpu.memory_space<vmem_shared>>)
      tpu.yield
    }) : () -> ()
    %add3A_401 = arith.constant 9920 : i32
    %add3A_402 = arith.addi %mul3A_2, %add3A_401 : i32
    %dma_wait3A_403 = arith.constant 2 : i32
    %dma_wait3A_404 = arith.constant 0 : i32
    %dma_wait3A_405 = tpu.memref_slice %arg8[%dma_wait3A_403, %dma_wait3A_404] : memref<6x40xi32, #tpu.memory_space<vmem>> -> memref<1x40xi32, #tpu.memory_space<vmem>>
    %dma_wait3A_406 = tpu.memref_squeeze %dma_wait3A_405 : memref<1x40xi32, #tpu.memory_space<vmem>> -> memref<40xi32, #tpu.memory_space<vmem>>
    %dma_wait3A_407 = tpu.memref_slice %arg4[%add3A_402] : memref<320000xi32, #tpu.memory_space<hbm>> -> memref<40xi32, #tpu.memory_space<hbm>>
    %dma_wait3A_408 = arith.constant 0 : i32
    %dma_wait3A_409 = tpu.memref_slice %arg8[%dma_wait3A_403, %dma_wait3A_408] : memref<6x40xi32, #tpu.memory_space<vmem>> -> memref<1x40xi32, #tpu.memory_space<vmem>>
    %dma_wait3A_410 = tpu.memref_squeeze %dma_wait3A_409 : memref<1x40xi32, #tpu.memory_space<vmem>> -> memref<40xi32, #tpu.memory_space<vmem>>
    %dma_wait3A_411 = tpu.memref_slice %arg4[%add3A_402] : memref<320000xi32, #tpu.memory_space<hbm>> -> memref<40xi32, #tpu.memory_space<hbm>>
    tpu.wait_dma2 semaphore(%arg19 : memref<!tpu.dma_semaphore, #tpu.memory_space<semaphore_mem>>) src(%dma_wait3A_411 : memref<40xi32, #tpu.memory_space<hbm>>) dst(%dma_wait3A_410 : memref<40xi32, #tpu.memory_space<vmem>>)
    %dma_wait3A_412 = arith.constant 2 : i32
    %dma_wait3A_413 = arith.constant 0 : i32
    %dma_wait3A_414 = arith.constant 0 : i32
    %dma_wait3A_415 = tpu.memref_slice %arg9[%dma_wait3A_412, %dma_wait3A_413, %dma_wait3A_414] : memref<6x40x128xf32, #tpu.memory_space<vmem>> -> memref<1x40x128xf32, #tpu.memory_space<vmem>>
    %dma_wait3A_416 = tpu.memref_squeeze %dma_wait3A_415 : memref<1x40x128xf32, #tpu.memory_space<vmem>> -> memref<40x128xf32, #tpu.memory_space<vmem>>
    %dma_wait3A_417 = arith.constant 9920 : i32
    %dma_wait3A_418 = tpu.memref_slice %arg7[%dma_wait3A_417] : memref<10000xi32, #tpu.memory_space<vmem>> -> memref<40xi32, #tpu.memory_space<vmem>>
    %dma_wait3A_419 = arith.constant 0 : i32
    %dma_wait3A_420 = arith.constant 0 : i32
    %dma_wait3A_421 = tpu.memref_slice %arg2[%dma_wait3A_419, %dma_wait3A_420] : memref<10000x128xf32, #tpu.memory_space<hbm>> -> memref<10000x128xf32, #tpu.memory_space<hbm>>
    tpu.wait_indirect_dma semaphore(%arg13 : memref<!tpu.dma_semaphore, #tpu.memory_space<semaphore_mem>>) src(%dma_wait3A_421 : memref<10000x128xf32, #tpu.memory_space<hbm>>) dst(%dma_wait3A_416 : memref<40x128xf32, #tpu.memory_space<vmem>>)
    %run_scoped3A_422 = arith.constant 2 : i32
    %run_scoped3A_423 = arith.constant 2 : i32
    "tpu.region"() ({
      %run_scoped3A_452 = tpu.sem_alloc : memref<!tpu.dma_semaphore, #tpu.memory_space<semaphore_mem>>
      %dma_start3A_453 = arith.constant 0 : i32
      %dma_start3A_454 = arith.constant 0 : i32
      %dma_start3A_455 = tpu.memref_slice %arg9[%run_scoped3A_422, %dma_start3A_453, %dma_start3A_454] : memref<6x40x128xf32, #tpu.memory_space<vmem>> -> memref<1x40x128xf32, #tpu.memory_space<vmem>>
      %dma_start3A_456 = tpu.memref_squeeze %dma_start3A_455 : memref<1x40x128xf32, #tpu.memory_space<vmem>> -> memref<40x128xf32, #tpu.memory_space<vmem>>
      %dma_start3A_457 = arith.constant 0 : i32
      %dma_start3A_458 = tpu.memref_slice %arg8[%run_scoped3A_423, %dma_start3A_457] : memref<6x40xi32, #tpu.memory_space<vmem>> -> memref<1x40xi32, #tpu.memory_space<vmem>>
      %dma_start3A_459 = tpu.memref_squeeze %dma_start3A_458 : memref<1x40xi32, #tpu.memory_space<vmem>> -> memref<40xi32, #tpu.memory_space<vmem>>
      %dma_start3A_460 = arith.constant 0 : i32
      %dma_start3A_461 = arith.constant 0 : i32
      %dma_start3A_462 = tpu.memref_slice %arg10[%dma_start3A_460, %dma_start3A_461] : memref<10240x128xf32, #tpu.memory_space<vmem_shared>> -> memref<10240x128xf32, #tpu.memory_space<vmem_shared>>
      tpu.enqueue_indirect_dma source(%dma_start3A_456 : memref<40x128xf32, #tpu.memory_space<vmem>>) target(%dma_start3A_462 : memref<10240x128xf32, #tpu.memory_space<vmem_shared>>) offsets(%dma_start3A_459 : memref<40xi32, #tpu.memory_space<vmem>>) semaphore(%run_scoped3A_452 : memref<!tpu.dma_semaphore, #tpu.memory_space<semaphore_mem>>) {add = true}
      %dma_wait3A_463 = arith.constant 0 : i32
      %dma_wait3A_464 = arith.constant 0 : i32
      %dma_wait3A_465 = tpu.memref_slice %arg9[%run_scoped3A_422, %dma_wait3A_463, %dma_wait3A_464] : memref<6x40x128xf32, #tpu.memory_space<vmem>> -> memref<1x40x128xf32, #tpu.memory_space<vmem>>
      %dma_wait3A_466 = tpu.memref_squeeze %dma_wait3A_465 : memref<1x40x128xf32, #tpu.memory_space<vmem>> -> memref<40x128xf32, #tpu.memory_space<vmem>>
      %dma_wait3A_467 = arith.constant 0 : i32
      %dma_wait3A_468 = tpu.memref_slice %arg8[%run_scoped3A_423, %dma_wait3A_467] : memref<6x40xi32, #tpu.memory_space<vmem>> -> memref<1x40xi32, #tpu.memory_space<vmem>>
      %dma_wait3A_469 = tpu.memref_squeeze %dma_wait3A_468 : memref<1x40xi32, #tpu.memory_space<vmem>> -> memref<40xi32, #tpu.memory_space<vmem>>
      %dma_wait3A_470 = arith.constant 0 : i32
      %dma_wait3A_471 = arith.constant 0 : i32
      %dma_wait3A_472 = tpu.memref_slice %arg10[%dma_wait3A_470, %dma_wait3A_471] : memref<10240x128xf32, #tpu.memory_space<vmem_shared>> -> memref<10240x128xf32, #tpu.memory_space<vmem_shared>>
      tpu.wait_indirect_dma semaphore(%run_scoped3A_452 : memref<!tpu.dma_semaphore, #tpu.memory_space<semaphore_mem>>) src(%dma_wait3A_466 : memref<40x128xf32, #tpu.memory_space<vmem>>) dst(%dma_wait3A_472 : memref<10240x128xf32, #tpu.memory_space<vmem_shared>>)
      tpu.yield
    }) : () -> ()
    %add3A_424 = arith.constant 9960 : i32
    %add3A_425 = arith.addi %mul3A_2, %add3A_424 : i32
    %dma_wait3A_426 = arith.constant 3 : i32
    %dma_wait3A_427 = arith.constant 0 : i32
    %dma_wait3A_428 = tpu.memref_slice %arg8[%dma_wait3A_426, %dma_wait3A_427] : memref<6x40xi32, #tpu.memory_space<vmem>> -> memref<1x40xi32, #tpu.memory_space<vmem>>
    %dma_wait3A_429 = tpu.memref_squeeze %dma_wait3A_428 : memref<1x40xi32, #tpu.memory_space<vmem>> -> memref<40xi32, #tpu.memory_space<vmem>>
    %dma_wait3A_430 = tpu.memref_slice %arg4[%add3A_425] : memref<320000xi32, #tpu.memory_space<hbm>> -> memref<40xi32, #tpu.memory_space<hbm>>
    %dma_wait3A_431 = arith.constant 0 : i32
    %dma_wait3A_432 = tpu.memref_slice %arg8[%dma_wait3A_426, %dma_wait3A_431] : memref<6x40xi32, #tpu.memory_space<vmem>> -> memref<1x40xi32, #tpu.memory_space<vmem>>
    %dma_wait3A_433 = tpu.memref_squeeze %dma_wait3A_432 : memref<1x40xi32, #tpu.memory_space<vmem>> -> memref<40xi32, #tpu.memory_space<vmem>>
    %dma_wait3A_434 = tpu.memref_slice %arg4[%add3A_425] : memref<320000xi32, #tpu.memory_space<hbm>> -> memref<40xi32, #tpu.memory_space<hbm>>
    tpu.wait_dma2 semaphore(%arg20 : memref<!tpu.dma_semaphore, #tpu.memory_space<semaphore_mem>>) src(%dma_wait3A_434 : memref<40xi32, #tpu.memory_space<hbm>>) dst(%dma_wait3A_433 : memref<40xi32, #tpu.memory_space<vmem>>)
    %dma_wait3A_435 = arith.constant 3 : i32
    %dma_wait3A_436 = arith.constant 0 : i32
    %dma_wait3A_437 = arith.constant 0 : i32
    %dma_wait3A_438 = tpu.memref_slice %arg9[%dma_wait3A_435, %dma_wait3A_436, %dma_wait3A_437] : memref<6x40x128xf32, #tpu.memory_space<vmem>> -> memref<1x40x128xf32, #tpu.memory_space<vmem>>
    %dma_wait3A_439 = tpu.memref_squeeze %dma_wait3A_438 : memref<1x40x128xf32, #tpu.memory_space<vmem>> -> memref<40x128xf32, #tpu.memory_space<vmem>>
    %dma_wait3A_440 = arith.constant 9960 : i32
    %dma_wait3A_441 = tpu.memref_slice %arg7[%dma_wait3A_440] : memref<10000xi32, #tpu.memory_space<vmem>> -> memref<40xi32, #tpu.memory_space<vmem>>
    %dma_wait3A_442 = arith.constant 0 : i32
    %dma_wait3A_443 = arith.constant 0 : i32
    %dma_wait3A_444 = tpu.memref_slice %arg2[%dma_wait3A_442, %dma_wait3A_443] : memref<10000x128xf32, #tpu.memory_space<hbm>> -> memref<10000x128xf32, #tpu.memory_space<hbm>>
    tpu.wait_indirect_dma semaphore(%arg14 : memref<!tpu.dma_semaphore, #tpu.memory_space<semaphore_mem>>) src(%dma_wait3A_444 : memref<10000x128xf32, #tpu.memory_space<hbm>>) dst(%dma_wait3A_439 : memref<40x128xf32, #tpu.memory_space<vmem>>)
    %run_scoped3A_445 = arith.constant 3 : i32
    %run_scoped3A_446 = arith.constant 3 : i32
    "tpu.region"() ({
      %run_scoped3A_452 = tpu.sem_alloc : memref<!tpu.dma_semaphore, #tpu.memory_space<semaphore_mem>>
      %dma_start3A_453 = arith.constant 0 : i32
      %dma_start3A_454 = arith.constant 0 : i32
      %dma_start3A_455 = tpu.memref_slice %arg9[%run_scoped3A_445, %dma_start3A_453, %dma_start3A_454] : memref<6x40x128xf32, #tpu.memory_space<vmem>> -> memref<1x40x128xf32, #tpu.memory_space<vmem>>
      %dma_start3A_456 = tpu.memref_squeeze %dma_start3A_455 : memref<1x40x128xf32, #tpu.memory_space<vmem>> -> memref<40x128xf32, #tpu.memory_space<vmem>>
      %dma_start3A_457 = arith.constant 0 : i32
      %dma_start3A_458 = tpu.memref_slice %arg8[%run_scoped3A_446, %dma_start3A_457] : memref<6x40xi32, #tpu.memory_space<vmem>> -> memref<1x40xi32, #tpu.memory_space<vmem>>
      %dma_start3A_459 = tpu.memref_squeeze %dma_start3A_458 : memref<1x40xi32, #tpu.memory_space<vmem>> -> memref<40xi32, #tpu.memory_space<vmem>>
      %dma_start3A_460 = arith.constant 0 : i32
      %dma_start3A_461 = arith.constant 0 : i32
      %dma_start3A_462 = tpu.memref_slice %arg10[%dma_start3A_460, %dma_start3A_461] : memref<10240x128xf32, #tpu.memory_space<vmem_shared>> -> memref<10240x128xf32, #tpu.memory_space<vmem_shared>>
      tpu.enqueue_indirect_dma source(%dma_start3A_456 : memref<40x128xf32, #tpu.memory_space<vmem>>) target(%dma_start3A_462 : memref<10240x128xf32, #tpu.memory_space<vmem_shared>>) offsets(%dma_start3A_459 : memref<40xi32, #tpu.memory_space<vmem>>) semaphore(%run_scoped3A_452 : memref<!tpu.dma_semaphore, #tpu.memory_space<semaphore_mem>>) {add = true}
      %dma_wait3A_463 = arith.constant 0 : i32
      %dma_wait3A_464 = arith.constant 0 : i32
      %dma_wait3A_465 = tpu.memref_slice %arg9[%run_scoped3A_445, %dma_wait3A_463, %dma_wait3A_464] : memref<6x40x128xf32, #tpu.memory_space<vmem>> -> memref<1x40x128xf32, #tpu.memory_space<vmem>>
      %dma_wait3A_466 = tpu.memref_squeeze %dma_wait3A_465 : memref<1x40x128xf32, #tpu.memory_space<vmem>> -> memref<40x128xf32, #tpu.memory_space<vmem>>
      %dma_wait3A_467 = arith.constant 0 : i32
      %dma_wait3A_468 = tpu.memref_slice %arg8[%run_scoped3A_446, %dma_wait3A_467] : memref<6x40xi32, #tpu.memory_space<vmem>> -> memref<1x40xi32, #tpu.memory_space<vmem>>
      %dma_wait3A_469 = tpu.memref_squeeze %dma_wait3A_468 : memref<1x40xi32, #tpu.memory_space<vmem>> -> memref<40xi32, #tpu.memory_space<vmem>>
      %dma_wait3A_470 = arith.constant 0 : i32
      %dma_wait3A_471 = arith.constant 0 : i32
      %dma_wait3A_472 = tpu.memref_slice %arg10[%dma_wait3A_470, %dma_wait3A_471] : memref<10240x128xf32, #tpu.memory_space<vmem_shared>> -> memref<10240x128xf32, #tpu.memory_space<vmem_shared>>
      tpu.wait_indirect_dma semaphore(%run_scoped3A_452 : memref<!tpu.dma_semaphore, #tpu.memory_space<semaphore_mem>>) src(%dma_wait3A_466 : memref<40x128xf32, #tpu.memory_space<vmem>>) dst(%dma_wait3A_472 : memref<10240x128xf32, #tpu.memory_space<vmem_shared>>)
      tpu.yield
    }) : () -> ()
    %barrier3A_447 = arith.constant 0 : index
    tpu.barrier barrier_id(%barrier3A_447)
    %mul3A_448 = arith.constant 640 : i32
    %mul3A_449 = arith.muli %arg1, %mul3A_448 : i32
    %mul3A_450 = arith.constant 640 : i32
    %mul3A_451 = arith.muli %arg1, %mul3A_450 : i32
    "tpu.region"() ({
      %run_scoped3A_452 = tpu.sem_alloc : memref<!tpu.dma_semaphore, #tpu.memory_space<semaphore_mem>>
      %dma_start3A_453 = arith.constant 0 : i32
      %dma_start3A_454 = tpu.memref_slice %arg6[%arg0, %mul3A_451, %dma_start3A_453] : memref<2x10240x128xf32, #tpu.memory_space<hbm>> -> memref<1x640x128xf32, #tpu.memory_space<hbm>>
      %dma_start3A_455 = tpu.memref_squeeze %dma_start3A_454 : memref<1x640x128xf32, #tpu.memory_space<hbm>> -> memref<640x128xf32, #tpu.memory_space<hbm>>
      %dma_start3A_456 = arith.constant 0 : i32
      %dma_start3A_457 = tpu.memref_slice %arg10[%mul3A_449, %dma_start3A_456] : memref<10240x128xf32, #tpu.memory_space<vmem_shared>> -> memref<640x128xf32, #tpu.memory_space<vmem_shared>>
      tpu.enqueue_dma source(%dma_start3A_457 : memref<640x128xf32, #tpu.memory_space<vmem_shared>>) target(%dma_start3A_455 : memref<640x128xf32, #tpu.memory_space<hbm>>) target_semaphore(%run_scoped3A_452 : memref<!tpu.dma_semaphore, #tpu.memory_space<semaphore_mem>>)
      %dma_wait3A_458 = arith.constant 0 : i32
      %dma_wait3A_459 = tpu.memref_slice %arg6[%arg0, %mul3A_451, %dma_wait3A_458] : memref<2x10240x128xf32, #tpu.memory_space<hbm>> -> memref<1x640x128xf32, #tpu.memory_space<hbm>>
      %dma_wait3A_460 = tpu.memref_squeeze %dma_wait3A_459 : memref<1x640x128xf32, #tpu.memory_space<hbm>> -> memref<640x128xf32, #tpu.memory_space<hbm>>
      %dma_wait3A_461 = arith.constant 0 : i32
      %dma_wait3A_462 = tpu.memref_slice %arg10[%mul3A_449, %dma_wait3A_461] : memref<10240x128xf32, #tpu.memory_space<vmem_shared>> -> memref<640x128xf32, #tpu.memory_space<vmem_shared>>
      tpu.wait_dma2 semaphore(%run_scoped3A_452 : memref<!tpu.dma_semaphore, #tpu.memory_space<semaphore_mem>>) src(%dma_wait3A_462 : memref<640x128xf32, #tpu.memory_space<vmem_shared>>) dst(%dma_wait3A_460 : memref<640x128xf32, #tpu.memory_space<hbm>>)
      tpu.yield
    }) : () -> ()
    return
  }
}

module attributes {stable_mosaic.version = 14 : i64} {
  func.func @_prep_body(%arg0: i32, %arg1: memref<2000x128xf32, #tpu.memory_space<vmem>>, %arg2: memref<128x128xf32, #tpu.memory_space<vmem>>, %arg3: memref<2x2000x128xf32, #tpu.memory_space<vmem>>, %arg4: memref<2000x128xf32, #tpu.memory_space<vmem>>) attributes {dimension_semantics = [#tpu.dimension_semantics<arbitrary>], iteration_bounds = array<i64: 5>, scalar_prefetch = 0 : i64, scratch_operands = 0 : i64, tpu.core_type = #tpu.core_type<tc>, window_params = [{transform_indices = @transform_0, window_bounds = array<i64: 2000, 128>}, {pipeline_mode = #tpu.pipeline_mode<synchronous>, transform_indices = @transform_1, window_bounds = array<i64: 128, 128>}, {transform_indices = @transform_2, window_bounds = array<i64: 2, 2000, 128>}, {transform_indices = @transform_3, window_bounds = array<i64: 2000, 128>}]} {
    %get3A = arith.constant 0 : index
    %get3A_0 = arith.constant 0 : index
    %get3A_1 = vector.load %arg1[%get3A, %get3A_0] : memref<2000x128xf32, #tpu.memory_space<vmem>>, vector<2000x128xf32>
    %get3A_2 = arith.constant 0 : index
    %get3A_3 = arith.constant 0 : index
    %get3A_4 = vector.load %arg2[%get3A_2, %get3A_3] : memref<128x128xf32, #tpu.memory_space<vmem>>, vector<128x128xf32>
    %dot_general3A = arith.constant dense<0.000000e+00> : vector<2000x128xf32>
    %dot_general3A_5 = tpu.matmul %get3A_1, %get3A_4, %dot_general3A {dimension_numbers = #tpu.dot_dimension_numbers<[1], [0], [0], [1], [0, 0, 1, 1], [], []>, transpose_lhs_hint = false} : vector<2000x128xf32>, vector<128x128xf32>, vector<2000x128xf32> -> vector<2000x128xf32>
    %get3A_6 = arith.constant 0 : index
    %get3A_7 = arith.constant 0 : index
    %get3A_8 = arith.constant 0 : index
    %get3A_9 = vector.load %arg3[%get3A_6, %get3A_7, %get3A_8] : memref<2x2000x128xf32, #tpu.memory_space<vmem>>, vector<2x2000x128xf32>
    %slice3A = vector.extract_strided_slice %get3A_9 {offsets = [0, 0, 0], sizes = [1, 2000, 1], strides = [1, 1, 1]} : vector<2x2000x128xf32> to vector<1x2000x1xf32>
    %squeeze3A = vector.shape_cast %slice3A : vector<1x2000x1xf32> to vector<2000xf32>
    %slice3A_10 = vector.extract_strided_slice %get3A_9 {offsets = [1, 0, 0], sizes = [1, 2000, 1], strides = [1, 1, 1]} : vector<2x2000x128xf32> to vector<1x2000x1xf32>
    %squeeze3A_11 = vector.shape_cast %slice3A_10 : vector<1x2000x1xf32> to vector<2000xf32>
    %add3A = arith.addf %squeeze3A, %squeeze3A_11 : vector<2000xf32>
    %add3A_12 = arith.constant 1.000000e+00 : f32
    %add3A_13 = vector.broadcast %add3A_12 : f32 to vector<2000xf32>
    %add3A_14 = arith.addf %add3A, %add3A_13 : vector<2000xf32>
    %rsqrt3A = math.rsqrt %add3A_14 : vector<2000xf32>
    %broadcast_in_dim3A = vector.shape_cast %rsqrt3A : vector<2000xf32> to vector<2000x1xf32>
    %mul3A = vector.broadcast %broadcast_in_dim3A : vector<2000x1xf32> to vector<2000x128xf32>
    %mul3A_15 = arith.mulf %dot_general3A_5, %mul3A : vector<2000x128xf32>
    %swap3A = arith.constant 0 : index
    %swap3A_16 = arith.constant 0 : index
    %swap3A_17 = vector.load %arg4[%swap3A, %swap3A_16] : memref<2000x128xf32, #tpu.memory_space<vmem>>, vector<2000x128xf32>
    tpu.vector_store %arg4[%swap3A, %swap3A_16], %mul3A_15 {strides = array<i32>} : memref<2000x128xf32, #tpu.memory_space<vmem>>, vector<2000x128xf32>,
    return
  }
  func.func @transform_0(%arg0: i32) -> (i32, i32) {
    %c0_i32 = arith.constant 0 : i32
    %c0_i32_0 = arith.constant 0 : i32
    return %arg0, %c0_i32 : i32, i32
  }
  func.func @transform_1(%arg0: i32) -> (i32, i32) {
    %c0_i32 = arith.constant 0 : i32
    %c0_i32_0 = arith.constant 0 : i32
    %c0_i32_1 = arith.constant 0 : i32
    return %c0_i32, %c0_i32_0 : i32, i32
  }
  func.func @transform_2(%arg0: i32) -> (i32, i32, i32) {
    %c0_i32 = arith.constant 0 : i32
    %c0_i32_0 = arith.constant 0 : i32
    %c0_i32_1 = arith.constant 0 : i32
    return %c0_i32, %arg0, %c0_i32_0 : i32, i32, i32
  }
  func.func @transform_3(%arg0: i32) -> (i32, i32) {
    %c0_i32 = arith.constant 0 : i32
    %c0_i32_0 = arith.constant 0 : i32
    return %arg0, %c0_i32 : i32, i32
  }
}

module attributes {stable_mosaic.version = 14 : i64} {
  func.func @_head_body(%arg0: i32, %arg1: memref<2x2000x128xf32, #tpu.memory_space<vmem>>, %arg2: memref<2000x128xf32, #tpu.memory_space<vmem>>, %arg3: memref<2000x128xf32, #tpu.memory_space<vmem>>, %arg4: memref<2x2000x128xf32, #tpu.memory_space<vmem>>, %arg5: memref<128xf32, #tpu.memory_space<vmem>>, %arg6: memref<128x32xf32, #tpu.memory_space<vmem>>, %arg7: memref<32xf32, #tpu.memory_space<vmem>>, %arg8: memref<32x32xf32, #tpu.memory_space<vmem>>, %arg9: memref<32xf32, #tpu.memory_space<vmem>>, %arg10: memref<32x1xf32, #tpu.memory_space<vmem>>, %arg11: memref<1xf32, #tpu.memory_space<vmem>>, %arg12: memref<2000x1xf32, #tpu.memory_space<vmem>>) attributes {dimension_semantics = [#tpu.dimension_semantics<arbitrary>], iteration_bounds = array<i64: 5>, scalar_prefetch = 0 : i64, scratch_operands = 0 : i64, tpu.core_type = #tpu.core_type<tc>, window_params = [{transform_indices = @transform_0, window_bounds = array<i64: 2, 2000, 128>}, {transform_indices = @transform_1, window_bounds = array<i64: 2000, 128>}, {transform_indices = @transform_2, window_bounds = array<i64: 2000, 128>}, {transform_indices = @transform_3, window_bounds = array<i64: 2, 2000, 128>}, {pipeline_mode = #tpu.pipeline_mode<synchronous>, transform_indices = @transform_4, window_bounds = array<i64: 128>}, {pipeline_mode = #tpu.pipeline_mode<synchronous>, transform_indices = @transform_5, window_bounds = array<i64: 128, 32>}, {pipeline_mode = #tpu.pipeline_mode<synchronous>, transform_indices = @transform_6, window_bounds = array<i64: 32>}, {pipeline_mode = #tpu.pipeline_mode<synchronous>, transform_indices = @transform_7, window_bounds = array<i64: 32, 32>}, {pipeline_mode = #tpu.pipeline_mode<synchronous>, transform_indices = @transform_8, window_bounds = array<i64: 32>}, {pipeline_mode = #tpu.pipeline_mode<synchronous>, transform_indices = @transform_9, window_bounds = array<i64: 32, 1>}, {pipeline_mode = #tpu.pipeline_mode<synchronous>, transform_indices = @transform_10, window_bounds = array<i64: 1>}, {transform_indices = @transform_11, window_bounds = array<i64: 2000, 1>}]} {
    %get3A = arith.constant 0 : index
    %get3A_0 = arith.constant 0 : index
    %get3A_1 = arith.constant 0 : index
    %get3A_2 = vector.load %arg1[%get3A, %get3A_0, %get3A_1] : memref<2x2000x128xf32, #tpu.memory_space<vmem>>, vector<2x2000x128xf32>
    %get3A_3 = arith.constant 0 : index
    %get3A_4 = arith.constant 0 : index
    %get3A_5 = vector.load %arg2[%get3A_3, %get3A_4] : memref<2000x128xf32, #tpu.memory_space<vmem>>, vector<2000x128xf32>
    %get3A_6 = arith.constant 0 : index
    %get3A_7 = arith.constant 0 : index
    %get3A_8 = arith.constant 0 : index
    %get3A_9 = vector.load %arg4[%get3A_6, %get3A_7, %get3A_8] : memref<2x2000x128xf32, #tpu.memory_space<vmem>>, vector<2x2000x128xf32>
    %slice3A = vector.extract_strided_slice %get3A_9 {offsets = [0, 0, 0], sizes = [1, 2000, 1], strides = [1, 1, 1]} : vector<2x2000x128xf32> to vector<1x2000x1xf32>
    %squeeze3A = vector.shape_cast %slice3A : vector<1x2000x1xf32> to vector<2000xf32>
    %slice3A_10 = vector.extract_strided_slice %get3A_9 {offsets = [1, 0, 0], sizes = [1, 2000, 1], strides = [1, 1, 1]} : vector<2x2000x128xf32> to vector<1x2000x1xf32>
    %squeeze3A_11 = vector.shape_cast %slice3A_10 : vector<1x2000x1xf32> to vector<2000xf32>
    %add3A = arith.addf %squeeze3A, %squeeze3A_11 : vector<2000xf32>
    %add3A_12 = arith.constant 1.000000e+00 : f32
    %add3A_13 = vector.broadcast %add3A_12 : f32 to vector<2000xf32>
    %add3A_14 = arith.addf %add3A, %add3A_13 : vector<2000xf32>
    %rsqrt3A = math.rsqrt %add3A_14 : vector<2000xf32>
    %broadcast_in_dim3A = vector.shape_cast %rsqrt3A : vector<2000xf32> to vector<2000x1xf32>
    %slice3A_15 = vector.extract_strided_slice %get3A_2 {offsets = [0, 0, 0], sizes = [1, 2000, 128], strides = [1, 1, 1]} : vector<2x2000x128xf32> to vector<1x2000x128xf32>
    %squeeze3A_16 = vector.shape_cast %slice3A_15 : vector<1x2000x128xf32> to vector<2000x128xf32>
    %slice3A_17 = vector.extract_strided_slice %get3A_2 {offsets = [1, 0, 0], sizes = [1, 2000, 128], strides = [1, 1, 1]} : vector<2x2000x128xf32> to vector<1x2000x128xf32>
    %squeeze3A_18 = vector.shape_cast %slice3A_17 : vector<1x2000x128xf32> to vector<2000x128xf32>
    %add3A_19 = arith.addf %squeeze3A_16, %squeeze3A_18 : vector<2000x128xf32>
    %add3A_20 = arith.addf %add3A_19, %get3A_5 : vector<2000x128xf32>
    %mul3A = vector.broadcast %broadcast_in_dim3A : vector<2000x1xf32> to vector<2000x128xf32>
    %mul3A_21 = arith.mulf %mul3A, %add3A_20 : vector<2000x128xf32>
    %get3A_22 = arith.constant 0 : index
    %get3A_23 = vector.load %arg5[%get3A_22] : memref<128xf32, #tpu.memory_space<vmem>>, vector<128xf32>
    %broadcast_in_dim3A_24 = vector.shape_cast %get3A_23 : vector<128xf32> to vector<1x128xf32>
    %add3A_25 = vector.broadcast %broadcast_in_dim3A_24 : vector<1x128xf32> to vector<2000x128xf32>
    %add3A_26 = arith.addf %mul3A_21, %add3A_25 : vector<2000x128xf32>
    %max3A = arith.constant 0.000000e+00 : f32
    %max3A_27 = vector.broadcast %max3A : f32 to vector<2000x128xf32>
    %max3A_28 = arith.maximumf %add3A_26, %max3A_27 : vector<2000x128xf32>
    %get3A_29 = arith.constant 0 : index
    %get3A_30 = arith.constant 0 : index
    %get3A_31 = vector.load %arg3[%get3A_29, %get3A_30] : memref<2000x128xf32, #tpu.memory_space<vmem>>, vector<2000x128xf32>
    %add3A_32 = arith.addf %max3A_28, %get3A_31 : vector<2000x128xf32>
    %get3A_33 = arith.constant 0 : index
    %get3A_34 = arith.constant 0 : index
    %get3A_35 = vector.load %arg6[%get3A_33, %get3A_34] : memref<128x32xf32, #tpu.memory_space<vmem>>, vector<128x32xf32>
    %dot_general3A = arith.constant dense<0.000000e+00> : vector<2000x32xf32>
    %dot_general3A_36 = tpu.matmul %add3A_32, %get3A_35, %dot_general3A {dimension_numbers = #tpu.dot_dimension_numbers<[1], [0], [0], [1], [0, 0, 1, 1], [], []>, transpose_lhs_hint = false} : vector<2000x128xf32>, vector<128x32xf32>, vector<2000x32xf32> -> vector<2000x32xf32>
    %get3A_37 = arith.constant 0 : index
    %get3A_38 = vector.load %arg7[%get3A_37] : memref<32xf32, #tpu.memory_space<vmem>>, vector<32xf32>
    %broadcast_in_dim3A_39 = vector.shape_cast %get3A_38 : vector<32xf32> to vector<1x32xf32>
    %add3A_40 = vector.broadcast %broadcast_in_dim3A_39 : vector<1x32xf32> to vector<2000x32xf32>
    %add3A_41 = arith.addf %dot_general3A_36, %add3A_40 : vector<2000x32xf32>
    %max3A_42 = arith.constant 0.000000e+00 : f32
    %max3A_43 = vector.broadcast %max3A_42 : f32 to vector<2000x32xf32>
    %max3A_44 = arith.maximumf %add3A_41, %max3A_43 : vector<2000x32xf32>
    %get3A_45 = arith.constant 0 : index
    %get3A_46 = arith.constant 0 : index
    %get3A_47 = vector.load %arg8[%get3A_45, %get3A_46] : memref<32x32xf32, #tpu.memory_space<vmem>>, vector<32x32xf32>
    %dot_general3A_48 = arith.constant dense<0.000000e+00> : vector<2000x32xf32>
    %dot_general3A_49 = tpu.matmul %max3A_44, %get3A_47, %dot_general3A_48 {dimension_numbers = #tpu.dot_dimension_numbers<[1], [0], [0], [1], [0, 0, 1, 1], [], []>, transpose_lhs_hint = false} : vector<2000x32xf32>, vector<32x32xf32>, vector<2000x32xf32> -> vector<2000x32xf32>
    %get3A_50 = arith.constant 0 : index
    %get3A_51 = vector.load %arg9[%get3A_50] : memref<32xf32, #tpu.memory_space<vmem>>, vector<32xf32>
    %broadcast_in_dim3A_52 = vector.shape_cast %get3A_51 : vector<32xf32> to vector<1x32xf32>
    %add3A_53 = vector.broadcast %broadcast_in_dim3A_52 : vector<1x32xf32> to vector<2000x32xf32>
    %add3A_54 = arith.addf %dot_general3A_49, %add3A_53 : vector<2000x32xf32>
    %max3A_55 = arith.constant 0.000000e+00 : f32
    %max3A_56 = vector.broadcast %max3A_55 : f32 to vector<2000x32xf32>
    %max3A_57 = arith.maximumf %add3A_54, %max3A_56 : vector<2000x32xf32>
    %get3A_58 = arith.constant 0 : index
    %get3A_59 = arith.constant 0 : index
    %get3A_60 = vector.load %arg10[%get3A_58, %get3A_59] : memref<32x1xf32, #tpu.memory_space<vmem>>, vector<32x1xf32>
    %dot_general3A_61 = arith.constant dense<0.000000e+00> : vector<2000x1xf32>
    %dot_general3A_62 = tpu.matmul %max3A_57, %get3A_60, %dot_general3A_61 {dimension_numbers = #tpu.dot_dimension_numbers<[1], [0], [0], [1], [0, 0, 1, 1], [], []>, transpose_lhs_hint = false} : vector<2000x32xf32>, vector<32x1xf32>, vector<2000x1xf32> -> vector<2000x1xf32>
    %get3A_63 = arith.constant 0 : index
    %get3A_64 = vector.load %arg11[%get3A_63] : memref<1xf32, #tpu.memory_space<vmem>>, vector<1xf32>
    %broadcast_in_dim3A_65 = vector.shape_cast %get3A_64 : vector<1xf32> to vector<1x1xf32>
    %add3A_66 = vector.broadcast %broadcast_in_dim3A_65 : vector<1x1xf32> to vector<2000x1xf32>
    %add3A_67 = arith.addf %dot_general3A_62, %add3A_66 : vector<2000x1xf32>
    %max3A_68 = arith.constant 0.000000e+00 : f32
    %max3A_69 = vector.broadcast %max3A_68 : f32 to vector<2000x1xf32>
    %max3A_70 = arith.maximumf %add3A_67, %max3A_69 : vector<2000x1xf32>
    %abs3A = math.absf %add3A_67 : vector<2000x1xf32>
    %neg3A = arith.constant 0.000000e+00 : f32
    %neg3A_71 = vector.broadcast %neg3A : f32 to vector<2000x1xf32>
    %neg3A_72 = arith.subf %neg3A_71, %abs3A : vector<2000x1xf32>
    %exp3A = math.exp %neg3A_72 : vector<2000x1xf32>
    %log1p3A = math.log1p %exp3A : vector<2000x1xf32>
    %add3A_73 = arith.addf %max3A_70, %log1p3A : vector<2000x1xf32>
    %add3A_74 = arith.constant 9.99999968E-21 : f32
    %add3A_75 = vector.broadcast %add3A_74 : f32 to vector<2000x1xf32>
    %add3A_76 = arith.addf %add3A_73, %add3A_75 : vector<2000x1xf32>
    %swap3A = arith.constant 0 : index
    %swap3A_77 = arith.constant 0 : index
    %swap3A_78 = vector.load %arg12[%swap3A, %swap3A_77] : memref<2000x1xf32, #tpu.memory_space<vmem>>, vector<2000x1xf32>
    tpu.vector_store %arg12[%swap3A, %swap3A_77], %add3A_76 {strides = array<i32>} : memref<2000x1xf32, #tpu.memory_space<vmem>>, vector<2000x1xf32>,
    return
  }
  func.func @transform_0(%arg0: i32) -> (i32, i32, i32) {
    %c0_i32 = arith.constant 0 : i32
    %c0_i32_0 = arith.constant 0 : i32
    %c0_i32_1 = arith.constant 0 : i32
    return %c0_i32, %arg0, %c0_i32_0 : i32, i32, i32
  }
  func.func @transform_1(%arg0: i32) -> (i32, i32) {
    %c0_i32 = arith.constant 0 : i32
    %c0_i32_0 = arith.constant 0 : i32
    return %arg0, %c0_i32 : i32, i32
  }
  func.func @transform_2(%arg0: i32) -> (i32, i32) {
    %c0_i32 = arith.constant 0 : i32
    %c0_i32_0 = arith.constant 0 : i32
    return %arg0, %c0_i32 : i32, i32
  }
  func.func @transform_3(%arg0: i32) -> (i32, i32, i32) {
    %c0_i32 = arith.constant 0 : i32
    %c0_i32_0 = arith.constant 0 : i32
    %c0_i32_1 = arith.constant 0 : i32
    return %c0_i32, %arg0, %c0_i32_0 : i32, i32, i32
  }
  func.func @transform_4(%arg0: i32) -> i32 {
    %c0_i32 = arith.constant 0 : i32
    %c0_i32_0 = arith.constant 0 : i32
    return %c0_i32 : i32
  }
  func.func @transform_5(%arg0: i32) -> (i32, i32) {
    %c0_i32 = arith.constant 0 : i32
    %c0_i32_0 = arith.constant 0 : i32
    %c0_i32_1 = arith.constant 0 : i32
    return %c0_i32, %c0_i32_0 : i32, i32
  }
  func.func @transform_6(%arg0: i32) -> i32 {
    %c0_i32 = arith.constant 0 : i32
    %c0_i32_0 = arith.constant 0 : i32
    return %c0_i32 : i32
  }
  func.func @transform_7(%arg0: i32) -> (i32, i32) {
    %c0_i32 = arith.constant 0 : i32
    %c0_i32_0 = arith.constant 0 : i32
    %c0_i32_1 = arith.constant 0 : i32
    return %c0_i32, %c0_i32_0 : i32, i32
  }
  func.func @transform_8(%arg0: i32) -> i32 {
    %c0_i32 = arith.constant 0 : i32
    %c0_i32_0 = arith.constant 0 : i32
    return %c0_i32 : i32
  }
  func.func @transform_9(%arg0: i32) -> (i32, i32) {
    %c0_i32 = arith.constant 0 : i32
    %c0_i32_0 = arith.constant 0 : i32
    %c0_i32_1 = arith.constant 0 : i32
    return %c0_i32, %c0_i32_0 : i32, i32
  }
  func.func @transform_10(%arg0: i32) -> i32 {
    %c0_i32 = arith.constant 0 : i32
    %c0_i32_0 = arith.constant 0 : i32
    return %c0_i32 : i32
  }
  func.func @transform_11(%arg0: i32) -> (i32, i32) {
    %c0_i32 = arith.constant 0 : i32
    %c0_i32_0 = arith.constant 0 : i32
    return %arg0, %c0_i32 : i32, i32
  }
}

</mosaic_0001>

<sc_bundles>
// kernel: kernel.6.cloned.1.call-start
scs
__scs_entry_jumppad:
0x0: {  	(pc) =	sbr.rel $0x88, $3  }
0x1: {  	(tag) =	ssettag $0x0;
	lr =	simm.s32 $0x1  }
0x2: {  	[smem:$0x3F97] =	sst lr;
	_ =	strace $0xD0000000  }
0x3: {  	_ = 	snop  }
0x4: {  	_ = 	snop  }
0x5: {  	_ = 	snop  }
0x6: {  	_ = 	snop  }
0x7: {  	_ = 	snop  }
__scs_overlays_trampoline_lowered:
0x8: {  	[smem:$0x3FA6] =	sst s0  }
0x9: {  	[smem:$0x3FA7] =	sst s1  }
0xa: {  	[smem:$0x3FA8] =	sst s2  }
0xb: {  	[smem:$0x3FA9] =	sst s3  }
0xc: {  	[smem:$0x3FAA] =	sst s4  }
0xd: {  	[smem:$0x3FAB] =	sst s5  }
0xe: {  	[smem:$0x3FAC] =	sst s6  }
0xf: {  	[smem:$0x3FAD] =	sst s7  }
0x10: {  	[smem:$0x3FAE] =	sst s8  }
0x11: {  	[smem:$0x3FAF] =	sst s9;
	s0 =	simm.s32 @!p0 $0x0  }
0x12: {  	s1 =	sld [smem:$0x3F95];
	s0 =	simm.s32 @p0 $0x1  }
0x13: {  	[smem:$0x3FB0] =	sst s0;
	s0 =	simm.s32 @!p1 $0x0  }
0x14: {  	s2 =	sld [smem:$0x3F94];
	s0 =	simm.s32 @p1 $0x1  }
0x15: {  	[smem:$0x3FB1] =	sst s0;
	s0 =	simm.s32 @!p2 $0x0  }
0x16: {  	s3 =	sld [smem:$0x3FDB];
	s0 =	simm.s32 @p2 $0x1  }
0x17: {  	s4 =	simm.s32 $0x1BF5;
	[smem:$0x3FB3] =	sst s0  }
0x18: {  	s0 =	sld [smem:$0x3F96];
	_ =	swait.ge [sflag:s4], $0x0  }
0x19: {  	s7 =	sld [smem:$0x3F97]  }
0x1a: {  	s8 =	sadd.s32 $0xFFFFE003, lr  }
0x1b: {  	s9 =	sadd.s32 $0xFFFFFEF7, lr;
	s5 =	simm.s32 $0xFFFFFFFF;
	p2 =	slt.u32 s8, $0xFFFFF086  }
0x1c: {  	p1 =	slt.u32 s9, $0xF7A;
	s5 =	simm.s32 @!p2 $0x0  }
0x1d: {  	s5 =	simm.s32 @p1 $0x1;
	p0 =	seq.s32 s7, s2  }
0x1e: {  	s7 =	smul.u32 @!p0 $0xF7A, s2;
	p2 =	seq.s32 @!p0 s5, $0x0  }
0x1f: {  	s9 =	smul.u32 $0xF7A, s1;
	s8 =	simm.s32 @!p0 $0x1BF5;
	p2 =	por !p2, p0  }
0x20: {  	[sflag:s8] =	ssyncset.s32 @!p0 $0xFFFFF086;
	s6 =	sadd.s32 @!p0 s3, s7;
	s7 =	simm.s32 @!p0 $0x108  }
0x21: {  	s3 =	sadd.s32 s3, s9;
	s6 =	sadd.s32 @!p0 $0x88, s6;
	s7 =	simm.s32 @p2 $0x1082  }
0x22: {  	[simem:s7], [sflag:s8] =	dma.local @!p0 [hbm:s6], $0xF7A  }
0x23: {  	s9 =	sor.u32 $0xD0000000, s2;
	s6 =	simm.s32 $0x108;
	_ =	swait.ge @!p0 [sflag:s8], $0x0  }
0x24: {  	s3 =	sadd.s32 $0x88, s3;
	s6 =	simm.s32 @!p1 $0x1082;
	[sflag:s4] =	ssyncset.s32 $0xFFFFF086  }
0x25: {  	[simem:s6], [sflag:s4] =	dma.local [hbm:s3], $0xF7A  }
0x26: {  	[smem:$0x3F97] =	sst s1;
	(tag) =	ssettag s2;
	_ =	strace s9  }
0x27: {  	s1 =	sld [smem:$0x3FA7]  }
0x28: {  	s2 =	sld [smem:$0x3FA8]  }
0x29: {  	s4 =	sld [smem:$0x3FAA]  }
0x2a: {  	p0 =	seq.s32 s5, $0x0;
	s5 =	sld [smem:$0x3FAB]  }
0x2b: {  	s6 =	sld [smem:$0x3FAC]  }
0x2c: {  	s7 =	sld [smem:$0x3FAD]  }
0x2d: {  	s3 =	simm.s32 $0x108;
	s8 =	sld [smem:$0x3FAE]  }
0x2e: {  	s3 =	simm.s32 @!p0 $0x1082;
	s9 =	sld [smem:$0x3FAF]  }
0x2f: {  	lr =	sadd.s32 s0, s3;
	s0 =	sld [smem:$0x3FA6]  }
0x30: {  	s3 =	sld [smem:$0x3FA9]  }
0x31: {  	[smem:$0x3FB2] =	sst s10  }
0x32: {  	s10 =	sld [smem:$0x3FB0];
	_ =	sdelay $0x3  }
0x33: {  	p0 =	seq.s32 s10, $0x1;
	s10 =	sld [smem:$0x3FB2];
	_ =	sdelay $0x3  }
0x34: {  	[smem:$0x3FB2] =	sst s10  }
0x35: {  	s10 =	sld [smem:$0x3FB1];
	_ =	sdelay $0x3  }
0x36: {  	p1 =	seq.s32 s10, $0x1;
	s10 =	sld [smem:$0x3FB2];
	_ =	sdelay $0x3  }
0x37: {  	[smem:$0x3FB2] =	sst s10  }
0x38: {  	s10 =	sld [smem:$0x3FB3]  }
0x39: {  	_ = 	snop;
	(pc) =	sbr.ind lr, $3  }
0x3a: {  	_ = 	snop  }
0x3b: {  	_ = 	snop  }
0x3c: {  	p2 =	seq.s32 s10, $0x1;
	s10 =	sld [smem:$0x3FB2]  }
0x3d: {  	_ =	shalt  }
0x3e: {  	_ =	shalt  }
0x3f: {  	_ =	shalt  }
0x40: {  	_ =	shalt  }
0x41: {  	_ =	shalt  }
0x42: {  	_ =	shalt  }
0x43: {  	_ =	shalt  }
0x44: {  	_ =	shalt  }
0x45: {  	_ =	shalt  }
0x46: {  	_ =	shalt  }
0x47: {  	_ =	shalt  }
0x48: {  	_ =	shalt  }
0x49: {  	_ =	shalt  }
0x4a: {  	_ =	shalt  }
0x4b: {  	_ =	shalt  }
0x4c: {  	_ =	shalt  }
0x4d: {  	_ =	shalt  }
0x4e: {  	_ =	shalt  }
0x4f: {  	_ =	shalt  }
0x50: {  	_ =	shalt  }
0x51: {  	_ =	shalt  }
0x52: {  	_ =	shalt  }
0x53: {  	_ =	shalt  }
0x54: {  	_ =	shalt  }
0x55: {  	_ =	shalt  }
0x56: {  	_ =	shalt  }
0x57: {  	_ =	shalt  }
0x58: {  	_ =	shalt  }
0x59: {  	_ =	shalt  }
0x5a: {  	_ =	shalt  }
0x5b: {  	_ =	shalt  }
0x5c: {  	_ =	shalt  }
0x5d: {  	_ =	shalt  }
0x5e: {  	_ =	shalt  }
0x5f: {  	_ =	shalt  }
0x60: {  	_ =	shalt  }
0x61: {  	_ =	shalt  }
0x62: {  	_ =	shalt  }
0x63: {  	_ =	shalt  }
0x64: {  	_ =	shalt  }
0x65: {  	_ =	shalt  }
0x66: {  	_ =	shalt  }
0x67: {  	_ =	shalt  }
0x68: {  	_ =	shalt  }
0x69: {  	_ =	shalt  }
0x6a: {  	_ =	shalt  }
0x6b: {  	_ =	shalt  }
0x6c: {  	_ =	shalt  }
0x6d: {  	_ =	shalt  }
0x6e: {  	_ =	shalt  }
0x6f: {  	_ =	shalt  }
0x70: {  	_ =	shalt  }
0x71: {  	_ =	shalt  }
0x72: {  	_ =	shalt  }
0x73: {  	_ =	shalt  }
0x74: {  	_ =	shalt  }
0x75: {  	_ =	shalt  }
0x76: {  	_ =	shalt  }
0x77: {  	_ =	shalt  }
0x78: {  	_ =	shalt  }
0x79: {  	_ =	shalt  }
0x7a: {  	_ =	shalt  }
0x7b: {  	_ =	shalt  }
0x7c: {  	_ =	shalt  }
0x7d: {  	_ =	shalt  }
0x7e: {  	_ =	shalt  }
0x7f: {  	_ =	shalt  }
0x80: {  	_ =	shalt  }
0x81: {  	_ =	shalt  }
0x82: {  	_ =	shalt  }
0x83: {  	_ =	shalt  }
0x84: {  	_ =	shalt  }
0x85: {  	_ =	shalt  }
0x86: {  	_ =	shalt  }
0x87: {  	_ =	shalt  }
.Lfunc_end0:
.L_simem_size_0:
called_computation_lowered:
.L_overlay_start_0:
0x88: {  	s2 =	sld [smem:$0x3FD9]  }
0x89: {  	s3 =	sld [smem:$0x3FFE];
	_ =	sdelay $0x1  }
0x8a: {  	s1 =	srdreg.scid  }
0x8b: {  	s0 =	sand.u32 $0x1, s1  }
0x8c: {  	s17 =	sshll.u32 s0, $0xA;
	s2 =	sadd.s32 s3, s2  }
0x8d: {  	s2 =	sadd.s32 s2, s17  }
0x8e: {  	[smem:$0x3FBE] =	sst s2  }
0x8f: {  	_ = 	snop  }
0x90: {  	s2 =	sld [smem:$0x3FD0];
	(tm) =	ssettm $0x1  }
0x91: {  	s18 =	sld [smem:$0x3FFB];
	_ =	sdelay $0x3  }
0x92: {  	_ =	strace s18  }
0x93: {  	s3 =	sld [smem:$0x3FFC];
	_ =	sdelay $0x3  }
0x94: {  	_ =	strace s3  }
0x95: {  	s3 =	sld [smem:$0x3FFD];
	_ =	sdelay $0x3  }
0x96: {  	_ =	strace s3  }
0x97: {  	_ =	strace $0x8FFFFFFF  }
0x98: {  	s19 =	sld [smem:$0x3FDB];
	_ =	sdelay $0x1  }
0x99: {  	s4 =	simm.s32 $_scs_section_size  }
0x9a: {  	s5 =	simm.s32 $_size__tile_overlayer_lowered;
	s6 =	simm.s32 $_tile_overlayer_lowered  }
0x9b: {  	s22 =	simm.s32 $0x1BFF;
	s21 =	sshll.u32 s6, $0x1;
	s3 =	sadd.s32 s4, s19  }
0x9c: {  	s7 =	simm.s32 $0x0;
	s20 =	sshll.u32 s5, $0x1;
	s5 =	sadd.s32 s21, s3  }
0x9d: {  	[timem:s7], [sflag:s22] =	dma.local [hbm:s5], s20  }
0x9e: {  	_ =	swait.ge [sflag:s22], s20  }
0x9f: {  	s4 =	ssub.s32 $0x0, s20;
	[sflag:s22] =	ssyncset.done $0x0  }
0xa0: {  	[sflag:s22] =	ssyncadd.s32 s4;
	_ =	sdelay $0x1  }
0xa1: {  	s23 =	simm.s32 $0x1B8B  }
0xa2: {  	_ =	swait.ge [sflag:s23], $0x1  }
0xa3: {  	[sflag:s23] =	ssyncset.done $0x0  }
0xa4: {  	s25 =	simm.s32 $0x1B8E;
	s24 =	sld [smem:$0x3FFE];
	[sflag:s23] =	ssyncadd.s32 $0xFFFFFFFF  }
0xa5: {  	s26 =	simm.s32 $execute0_lowered;
	[smem:$0x3FD2] =	sst s25  }
0xa6: {  	s5 =	sshll.u32 s26, $0x1;
	_ =	strace $0x80000046;
	[dreg:$0x1] =	wrdreg $0xFFFFFFFF  }
0xa7: {  	s28 =	simm.s32 $_size_execute0_lowered;
	s3 =	sadd.s32 s3, s5;
	[dreg:$0x0] =	wrdreg $0x0  }
0xa8: {  	s5 =	sshll.u32 s28, $0x1;
	[dreg:$0x2] =	wrdreg s3  }
0xa9: {  	[dreg:$0x3] =	wrdreg s5  }
0xaa: {  	[dreg:$0x4] =	wrdreg $0xC0  }
0xab: {  	_ =	task [dreg:s7], $0x5FFFF  }
0xac: {  	[dreg:$0x1] =	wrdreg $0xFFFFFFFF  }
0xad: {  	[dreg:$0x0] =	wrdreg $0x60  }
0xae: {  	[dreg:$0x2] =	wrdreg s24  }
0xaf: {  	[dreg:$0x3] =	wrdreg s2  }
0xb0: {  	[dreg:$0x4] =	wrdreg $0x68000  }
0xb1: {  	[dreg:$0x5] =	wrdreg $0x9  }
0xb2: {  	_ =	task.clear_ibuf [dreg:s7], $0x6FFFF;
	_ =	strace $0x90000046  }
0xb3: {  	s29 =	simm.s32 $0x9;
	_ =	strace $0x80000048  }
0xb4: {  	_ =	swait.ge [sflag:s29], $0x1  }
0xb5: {  	[sflag:s29] =	ssyncadd.s32 $0xFFFFFFFF  }
0xb6: {  	_ =	strace $0x90000048  }
0xb7: {  	_ =	sfence  }
0xb8: {  	s30 =	sld [smem:$0x0];
	_ =	sdelay $0x2  }
0xb9: {  	s31 =	sshll.u32 s1, $0xD;
	s1 =	sshrl.u32 s1, $0x2  }
0xba: {  	s3 =	sand.u32 $0x4000, s31;
	s1 =	sadd.s32 s1, s30  }
0xbb: {  	s0 =	sor.u32 s3, s0;
	s1 =	sshll.u32 s1, $0x11  }
0xbc: {  	s0 =	sor.u32 s1, s0  }
0xbd: {  	s0 =	sadd.s32 $0x8F2B, s0  }
0xbe: {  	[sflag:s0] =	ssyncadd.remote.s32 $0x1  }
0xbf: {  	_ =	sfence.sel $0xFFFF  }
0xc0: {  	[dreg:$0x0] =	wrdreg $0xFFFFFFFF;
	(pc) =	sbr.abs _section_cstart, $3  }
0xc1: {  	[dreg:$0x1] =	wrdreg $0xFFFFFFFF  }
0xc2: {  	_ =	task.clear_ibuf [dreg:s7], $0x2FFFF;
	_ =	strace $0x9FFFFFFF  }
0xc3: {  	(tm) =	ssettm $0x7FFFFFFF  }
tec
execute0_lowered:
.L_overlay_start_1:
0x0: {  	(tag) =	ssettag $0x1  }
0x1: {  	s6 =	rddreg [dreg:$0x0]  }
0x2: {  	s2 =	rddreg [dreg:$0x1];
	s0 =	srdreg.scid  }
0x3: {  	s3 =	rddreg [dreg:$0x2];
	s1 =	stileid.u32;
	s4 =	simm.s32 $0x0  }
0x4: {  	s12 =	simm.s32 $0x4000;
	s13 =	simm.s32 $0x50;
	s14 =	simm.s32 $0x0  }
0x5: {  	s7 =	sand.u32 $0x1, s0;
	s0 =	rddreg [dreg:$0x3];
	s8 =	smul.u32 $0x14000, s1  }
0x6: {  	[smem:$0x7FF] =	sst s4;
	s9 =	sshll.u32 s1, $0xB;
	s10 =	smul.u32 $0x50000, s1  }
0x7: {  	s31 =	sshll.u32 s1, $0x6;
	s5 =	smul.u32 $0x140000, s7;
	_ =	strace $0x80000047  }
0x8: {  	s9 =	sadd.s32 s9, s6;
	s26 =	ssub.s32 $0x2, s7;
	s7 =	sshll.u32 s7, $0xF  }
0x9: {  	s11 =	sshrl.u32 s26, $0x1;
	s7 =	sadd.s32 s7, s9;
	s28 =	sshrl.u32 s10, $0x2  }
0xa: {  	s9 =	simm.s32 $0x1;
	s10 =	sor.u32 $0x1C01, s31;
	s8 =	sadd.s32 s8, s5  }
0xb: {  	s5 =	sadd.s32 $0x25A00, s6;
	s30 =	sadd.s32 s28, s3;
	s8 =	sshrl.u32 s8, $0x3  }
0xc: {  	s29 =	ssub.s32 s26, s11;
	s11 =	sshrl.u32 s30, $0x3;
	s8 =	sadd.s32 s8, s6  }
0xd: {  	s6 =	sadd.s32 $0x15A00, s7;
	s7 =	sadd.s32 $0x28200, s8;
	s8 =	smax.u32 s29, $0x1  }
.LBB2_1:
0xe: {  	[tilespmem:s4], [sflag:$0x1] =	stream.linear.gather [hbm4b:s6+s4], $0x3E80, $0x38;
	[tilespmem:$0x1A800] =	vst v63  }
0xf: {  	_ =	swait.ge [sflag:s9], $0x3E80  }
0x10: {  	[sflag:s9] =	ssyncset.done $0x0  }
0x11: {  	[sflag:s9] =	ssyncadd.s32 $0xFFFFC180  }
0x12: {  	[spmem:s11], [sflag:s10] =	dma.local [hbm:s5], $0x2800  }
0x13: {  	_ =	swait.ge [sflag:s9], $0x2800  }
0x14: {  	[sflag:s9] =	ssyncset.done $0x0  }
0x15: {  	[sflag:s9] =	ssyncadd.s32 $0xFFFFD800  }
0x16: {  	[tilespmem:s12], [sflag:$0x1] =	stream.linear.gather [hbm4b:s2+s4], $0x2800, $0x38;
	[tilespmem:$0x1A800] =	vst v63  }
0x17: {  	_ =	swait.ge [sflag:s9], $0x2800  }
0x18: {  	[sflag:s9] =	ssyncset.done $0x0  }
0x19: {  	[sflag:s9] =	ssyncadd.s32 $0xFFFFD800  }
0x1a: {  	s15 =	simm.s32 $0x0;
	[bflag:$0x0] =	sbarrier.arrive $0xFFFF  }
0x1b: {  	[spmem:s3] =	stream.indirect.scatter.add.f32 [tilespmem:s12], [sflag:$0x1], $0x80, s15, s13, $0xb8;
	[tilespmem:$0x1A800] =	vst v63  }
0x1c: {  	_ =	swait.ge [sflag:s9], $0x2800  }
0x1d: {  	s15 =	simm.s32 $0x200;
	[sflag:s9] =	ssyncset.done $0x0  }
.LBB2_2:
0x1e: {  	s16 =	sshra.s32 s15, $0x2;
	[sflag:s9] =	ssyncadd.s32 $0xFFFFD800;
	p0 =	sne.s32 s15, $0xF800  }
0x1f: {  	[spmem:s3] =	stream.indirect.scatter.add.f32 [tilespmem:s12], [sflag:$0x1], $0x80, s16, s13, $0xb8;
	[tilespmem:$0x1A800] =	vst v63  }
.Ltmp0:
0x20: {  	_ = 	snop;
	(pc) =	sbr.rel @p0 .LBB2_2-.Ltmp0, $4  }
0x21: {  	_ = 	snop  }
0x22: {  	s15 =	sadd.s32 $0x200, s15  }
0x23: {  	_ =	swait.ge [sflag:s9], $0x2800  }
0x24: {  	[sflag:s9] =	ssyncset.done $0x0  }
0x25: {  	s14 =	sadd.s32 $0x1, s14  }
0x26: {  	[sflag:s9] =	ssyncadd.s32 $0xFFFFD800;
	p0 =	sne.s32 s14, s8  }
.Ltmp1:
0x27: {  	[bflag:$0x0] =	sbarrier.arrive $0xFFFF;
	(pc) =	sbr.rel @p0 .LBB2_1-.Ltmp1, $4  }
0x28: {  	[hbm:s7], [sflag:s10] =	dma.local [spmem:s11], $0x2800  }
0x29: {  	_ =	swait.ge [sflag:s9], $0x2800  }
0x2a: {  	[sflag:s9] =	ssyncset.done $0x0  }
0x2b: {  	[sflag:s9] =	ssyncadd.s32 $0xFFFFD800  }
0x2c: {  	_ =	sfence.sel $0x180000  }
0x2d: {  	[bflag:$0x0] =	sbarrier.arrive $0xFFFF  }
0x2e: {  	p0 =	sne.s32 s1, $0x0;
	_ =	strace $0x90000047  }
0x2f: {  	s0 =	sadd.s32 @!p0 $0x100000, s0;
	[bflag:$0x2] =	sbarrier.arrive $0xFFFF  }
0x30: {  	[sflag:s0] =	ssyncadd.tile.s32 @!p0 $0x1;
	_ =	shalt  }
.Lfunc_end2:
_tile_overlayer_lowered:
.L_overlay_start_2:
0x31: {  	(tag) =	ssettag $0x2  }
0x32: {  	s0 =	rddreg [dreg:$0x0];
	s2 =	stileid.u32  }
0x33: {  	s1 =	rddreg [dreg:$0x1];
	p0 =	sne.s32 s2, $0x0  }
0x34: {  	s3 =	rddreg [dreg:$0x2];
	[bflag:$0x3] =	sbarrier.arrive $0xFFFF;
	s2 =	simm.s32 @!p0 $0x1C01  }
0x35: {  	[timem:s3], [sflag:s2] =	dma.local @!p0 [hbm:s0], s1  }
0x36: {  	s0 =	simm.s32 @!p0 $0x1  }
0x37: {  	_ =	swait.ge @!p0 [sflag:s0], s1  }
0x38: {  	s1 =	ssub.s32 @!p0 $0x0, s1;
	[sflag:s0] =	ssyncset.done @!p0 $0x0  }
0x39: {  	[sflag:s0] =	ssyncadd.s32 @!p0 s1  }
0x3a: {  	[bflag:$0x3] =	sbarrier.arrive $0xFFFF  }
0x3b: {  	_ =	shalt  }

// kernel: kernel.9.cloned.1.call-start
scs
__scs_entry_jumppad:
0x0: {  	(pc) =	sbr.rel $0x88, $3  }
0x1: {  	(tag) =	ssettag $0x0;
	lr =	simm.s32 $0x1  }
0x2: {  	[smem:$0x3F97] =	sst lr;
	_ =	strace $0xD0000000  }
0x3: {  	_ = 	snop  }
0x4: {  	_ = 	snop  }
0x5: {  	_ = 	snop  }
0x6: {  	_ = 	snop  }
0x7: {  	_ = 	snop  }
__scs_overlays_trampoline_lowered:
0x8: {  	[smem:$0x3FA6] =	sst s0  }
0x9: {  	[smem:$0x3FA7] =	sst s1  }
0xa: {  	[smem:$0x3FA8] =	sst s2  }
0xb: {  	[smem:$0x3FA9] =	sst s3  }
0xc: {  	[smem:$0x3FAA] =	sst s4  }
0xd: {  	[smem:$0x3FAB] =	sst s5  }
0xe: {  	[smem:$0x3FAC] =	sst s6  }
0xf: {  	[smem:$0x3FAD] =	sst s7  }
0x10: {  	[smem:$0x3FAE] =	sst s8  }
0x11: {  	[smem:$0x3FAF] =	sst s9;
	s0 =	simm.s32 @!p0 $0x0  }
0x12: {  	s1 =	sld [smem:$0x3F95];
	s0 =	simm.s32 @p0 $0x1  }
0x13: {  	[smem:$0x3FB0] =	sst s0;
	s0 =	simm.s32 @!p1 $0x0  }
0x14: {  	s2 =	sld [smem:$0x3F94];
	s0 =	simm.s32 @p1 $0x1  }
0x15: {  	[smem:$0x3FB1] =	sst s0;
	s0 =	simm.s32 @!p2 $0x0  }
0x16: {  	s3 =	sld [smem:$0x3FDB];
	s0 =	simm.s32 @p2 $0x1  }
0x17: {  	s4 =	simm.s32 $0x1BF5;
	[smem:$0x3FB3] =	sst s0  }
0x18: {  	s0 =	sld [smem:$0x3F96];
	_ =	swait.ge [sflag:s4], $0x0  }
0x19: {  	s7 =	sld [smem:$0x3F97]  }
0x1a: {  	s8 =	sadd.s32 $0xFFFFE003, lr  }
0x1b: {  	s9 =	sadd.s32 $0xFFFFFEF7, lr;
	s5 =	simm.s32 $0xFFFFFFFF;
	p2 =	slt.u32 s8, $0xFFFFF086  }
0x1c: {  	p1 =	slt.u32 s9, $0xF7A;
	s5 =	simm.s32 @!p2 $0x0  }
0x1d: {  	s5 =	simm.s32 @p1 $0x1;
	p0 =	seq.s32 s7, s2  }
0x1e: {  	s7 =	smul.u32 @!p0 $0xF7A, s2;
	p2 =	seq.s32 @!p0 s5, $0x0  }
0x1f: {  	s9 =	smul.u32 $0xF7A, s1;
	s8 =	simm.s32 @!p0 $0x1BF5;
	p2 =	por !p2, p0  }
0x20: {  	[sflag:s8] =	ssyncset.s32 @!p0 $0xFFFFF086;
	s6 =	sadd.s32 @!p0 s3, s7;
	s7 =	simm.s32 @!p0 $0x108  }
0x21: {  	s3 =	sadd.s32 s3, s9;
	s6 =	sadd.s32 @!p0 $0x88, s6;
	s7 =	simm.s32 @p2 $0x1082  }
0x22: {  	[simem:s7], [sflag:s8] =	dma.local @!p0 [hbm:s6], $0xF7A  }
0x23: {  	s9 =	sor.u32 $0xD0000000, s2;
	s6 =	simm.s32 $0x108;
	_ =	swait.ge @!p0 [sflag:s8], $0x0  }
0x24: {  	s3 =	sadd.s32 $0x88, s3;
	s6 =	simm.s32 @!p1 $0x1082;
	[sflag:s4] =	ssyncset.s32 $0xFFFFF086  }
0x25: {  	[simem:s6], [sflag:s4] =	dma.local [hbm:s3], $0xF7A  }
0x26: {  	[smem:$0x3F97] =	sst s1;
	(tag) =	ssettag s2;
	_ =	strace s9  }
0x27: {  	s1 =	sld [smem:$0x3FA7]  }
0x28: {  	s2 =	sld [smem:$0x3FA8]  }
0x29: {  	s4 =	sld [smem:$0x3FAA]  }
0x2a: {  	p0 =	seq.s32 s5, $0x0;
	s5 =	sld [smem:$0x3FAB]  }
0x2b: {  	s6 =	sld [smem:$0x3FAC]  }
0x2c: {  	s7 =	sld [smem:$0x3FAD]  }
0x2d: {  	s3 =	simm.s32 $0x108;
	s8 =	sld [smem:$0x3FAE]  }
0x2e: {  	s3 =	simm.s32 @!p0 $0x1082;
	s9 =	sld [smem:$0x3FAF]  }
0x2f: {  	lr =	sadd.s32 s0, s3;
	s0 =	sld [smem:$0x3FA6]  }
0x30: {  	s3 =	sld [smem:$0x3FA9]  }
0x31: {  	[smem:$0x3FB2] =	sst s10  }
0x32: {  	s10 =	sld [smem:$0x3FB0];
	_ =	sdelay $0x3  }
0x33: {  	p0 =	seq.s32 s10, $0x1;
	s10 =	sld [smem:$0x3FB2];
	_ =	sdelay $0x3  }
0x34: {  	[smem:$0x3FB2] =	sst s10  }
0x35: {  	s10 =	sld [smem:$0x3FB1];
	_ =	sdelay $0x3  }
0x36: {  	p1 =	seq.s32 s10, $0x1;
	s10 =	sld [smem:$0x3FB2];
	_ =	sdelay $0x3  }
0x37: {  	[smem:$0x3FB2] =	sst s10  }
0x38: {  	s10 =	sld [smem:$0x3FB3]  }
0x39: {  	_ = 	snop;
	(pc) =	sbr.ind lr, $3  }
0x3a: {  	_ = 	snop  }
0x3b: {  	_ = 	snop  }
0x3c: {  	p2 =	seq.s32 s10, $0x1;
	s10 =	sld [smem:$0x3FB2]  }
0x3d: {  	_ =	shalt  }
0x3e: {  	_ =	shalt  }
0x3f: {  	_ =	shalt  }
0x40: {  	_ =	shalt  }
0x41: {  	_ =	shalt  }
0x42: {  	_ =	shalt  }
0x43: {  	_ =	shalt  }
0x44: {  	_ =	shalt  }
0x45: {  	_ =	shalt  }
0x46: {  	_ =	shalt  }
0x47: {  	_ =	shalt  }
0x48: {  	_ =	shalt  }
0x49: {  	_ =	shalt  }
0x4a: {  	_ =	shalt  }
0x4b: {  	_ =	shalt  }
0x4c: {  	_ =	shalt  }
0x4d: {  	_ =	shalt  }
0x4e: {  	_ =	shalt  }
0x4f: {  	_ =	shalt  }
0x50: {  	_ =	shalt  }
0x51: {  	_ =	shalt  }
0x52: {  	_ =	shalt  }
0x53: {  	_ =	shalt  }
0x54: {  	_ =	shalt  }
0x55: {  	_ =	shalt  }
0x56: {  	_ =	shalt  }
0x57: {  	_ =	shalt  }
0x58: {  	_ =	shalt  }
0x59: {  	_ =	shalt  }
0x5a: {  	_ =	shalt  }
0x5b: {  	_ =	shalt  }
0x5c: {  	_ =	shalt  }
0x5d: {  	_ =	shalt  }
0x5e: {  	_ =	shalt  }
0x5f: {  	_ =	shalt  }
0x60: {  	_ =	shalt  }
0x61: {  	_ =	shalt  }
0x62: {  	_ =	shalt  }
0x63: {  	_ =	shalt  }
0x64: {  	_ =	shalt  }
0x65: {  	_ =	shalt  }
0x66: {  	_ =	shalt  }
0x67: {  	_ =	shalt  }
0x68: {  	_ =	shalt  }
0x69: {  	_ =	shalt  }
0x6a: {  	_ =	shalt  }
0x6b: {  	_ =	shalt  }
0x6c: {  	_ =	shalt  }
0x6d: {  	_ =	shalt  }
0x6e: {  	_ =	shalt  }
0x6f: {  	_ =	shalt  }
0x70: {  	_ =	shalt  }
0x71: {  	_ =	shalt  }
0x72: {  	_ =	shalt  }
0x73: {  	_ =	shalt  }
0x74: {  	_ =	shalt  }
0x75: {  	_ =	shalt  }
0x76: {  	_ =	shalt  }
0x77: {  	_ =	shalt  }
0x78: {  	_ =	shalt  }
0x79: {  	_ =	shalt  }
0x7a: {  	_ =	shalt  }
0x7b: {  	_ =	shalt  }
0x7c: {  	_ =	shalt  }
0x7d: {  	_ =	shalt  }
0x7e: {  	_ =	shalt  }
0x7f: {  	_ =	shalt  }
0x80: {  	_ =	shalt  }
0x81: {  	_ =	shalt  }
0x82: {  	_ =	shalt  }
0x83: {  	_ =	shalt  }
0x84: {  	_ =	shalt  }
0x85: {  	_ =	shalt  }
0x86: {  	_ =	shalt  }
0x87: {  	_ =	shalt  }
.Lfunc_end0:
.L_simem_size_0:
called_computation.1_lowered:
.L_overlay_start_0:
0x88: {  	s2 =	sld [smem:$0x3FD9]  }
0x89: {  	s3 =	sld [smem:$0x3FFE];
	_ =	sdelay $0x1  }
0x8a: {  	s1 =	srdreg.scid  }
0x8b: {  	s0 =	sand.u32 $0x1, s1  }
0x8c: {  	s16 =	sshll.u32 s0, $0xA;
	s2 =	sadd.s32 s3, s2  }
0x8d: {  	s2 =	sadd.s32 s2, s16  }
0x8e: {  	[smem:$0x3FBE] =	sst s2  }
0x8f: {  	_ = 	snop  }
0x90: {  	(tm) =	ssettm $0x1  }
0x91: {  	s17 =	sld [smem:$0x3FFB];
	_ =	sdelay $0x3  }
0x92: {  	_ =	strace s17  }
0x93: {  	s2 =	sld [smem:$0x3FFC];
	_ =	sdelay $0x3  }
0x94: {  	_ =	strace s2  }
0x95: {  	s2 =	sld [smem:$0x3FFD];
	_ =	sdelay $0x3  }
0x96: {  	_ =	strace s2  }
0x97: {  	_ =	strace $0x8FFFFFFF  }
0x98: {  	s18 =	sld [smem:$0x3FDB];
	_ =	sdelay $0x1  }
0x99: {  	s19 =	simm.s32 $_scs_section_size  }
0x9a: {  	s4 =	simm.s32 $_size__tile_overlayer_lowered;
	s5 =	simm.s32 $_tile_overlayer_lowered  }
0x9b: {  	s22 =	simm.s32 $0x1BFF;
	s21 =	sshll.u32 s5, $0x1;
	s2 =	sadd.s32 s19, s18  }
0x9c: {  	s6 =	simm.s32 $0x0;
	s20 =	sshll.u32 s4, $0x1;
	s4 =	sadd.s32 s21, s2  }
0x9d: {  	[timem:s6], [sflag:s22] =	dma.local [hbm:s4], s20  }
0x9e: {  	_ =	swait.ge [sflag:s22], s20  }
0x9f: {  	s3 =	ssub.s32 $0x0, s20;
	[sflag:s22] =	ssyncset.done $0x0  }
0xa0: {  	[sflag:s22] =	ssyncadd.s32 s3;
	_ =	sdelay $0x1  }
0xa1: {  	s23 =	simm.s32 $0x1B8B  }
0xa2: {  	_ =	swait.ge [sflag:s23], $0x1  }
0xa3: {  	[sflag:s23] =	ssyncset.done $0x0  }
0xa4: {  	s25 =	simm.s32 $0x1B8E;
	s24 =	sld [smem:$0x3FFE];
	[sflag:s23] =	ssyncadd.s32 $0xFFFFFFFF  }
0xa5: {  	s26 =	simm.s32 $execute0_lowered;
	[smem:$0x3FD2] =	sst s25  }
0xa6: {  	s4 =	sshll.u32 s26, $0x1;
	_ =	strace $0x80000049;
	[dreg:$0x1] =	wrdreg $0xFFFFFFFF  }
0xa7: {  	s28 =	simm.s32 $_size_execute0_lowered;
	s2 =	sadd.s32 s2, s4;
	[dreg:$0x0] =	wrdreg $0x0  }
0xa8: {  	s4 =	sshll.u32 s28, $0x1;
	[dreg:$0x2] =	wrdreg s2  }
0xa9: {  	[dreg:$0x3] =	wrdreg s4  }
0xaa: {  	[dreg:$0x4] =	wrdreg $0xC0  }
0xab: {  	_ =	task [dreg:s6], $0x5FFFF  }
0xac: {  	[dreg:$0x1] =	wrdreg $0xFFFFFFFF  }
0xad: {  	[dreg:$0x0] =	wrdreg $0x60  }
0xae: {  	[dreg:$0x2] =	wrdreg s24  }
0xaf: {  	[dreg:$0x3] =	wrdreg $0xA3800  }
0xb0: {  	[dreg:$0x4] =	wrdreg $0x9  }
0xb1: {  	_ =	task.clear_ibuf [dreg:s6], $0x5FFFF;
	_ =	strace $0x90000049  }
0xb2: {  	s29 =	simm.s32 $0x9;
	_ =	strace $0x8000004B  }
0xb3: {  	_ =	swait.ge [sflag:s29], $0x1  }
0xb4: {  	[sflag:s29] =	ssyncadd.s32 $0xFFFFFFFF  }
0xb5: {  	_ =	strace $0x9000004B  }
0xb6: {  	_ =	sfence  }
0xb7: {  	s30 =	sld [smem:$0x0];
	_ =	sdelay $0x2  }
0xb8: {  	s31 =	sshll.u32 s1, $0xD;
	s1 =	sshrl.u32 s1, $0x2  }
0xb9: {  	s3 =	sand.u32 $0x4000, s31;
	s1 =	sadd.s32 s1, s30  }
0xba: {  	s0 =	sor.u32 s3, s0;
	s1 =	sshll.u32 s1, $0x11  }
0xbb: {  	s0 =	sor.u32 s1, s0  }
0xbc: {  	s0 =	sadd.s32 $0x8F2B, s0  }
0xbd: {  	[sflag:s0] =	ssyncadd.remote.s32 $0x1  }
0xbe: {  	_ =	sfence.sel $0xFFFF  }
0xbf: {  	[dreg:$0x0] =	wrdreg $0xFFFFFFFF;
	(pc) =	sbr.abs _section_cstart, $3  }
0xc0: {  	[dreg:$0x1] =	wrdreg $0xFFFFFFFF  }
0xc1: {  	_ =	task.clear_ibuf [dreg:s6], $0x2FFFF;
	_ =	strace $0x9FFFFFFF  }
0xc2: {  	(tm) =	ssettm $0x7FFFFFFF  }
0xc3: {  	_ =	shalt  }
tec
execute0_lowered:
.L_overlay_start_1:
0x0: {  	(tag) =	ssettag $0x1  }
0x1: {  	s0 =	srdreg.scid;
	s12 =	stileid.u32  }
0x2: {  	s1 =	rddreg [dreg:$0x0];
	s8 =	smul.u32 $0x14000, s12  }
0x3: {  	s2 =	rddreg [dreg:$0x1];
	s28 =	simm.s32 $0xD;
	s10 =	smul.u32 $0x50000, s12  }
0x4: {  	s30 =	simm.s32 $0x28;
	s0 =	sand.u32 $0x1, s0;
	s16 =	smul.u32 $0x2710, s12  }
0x5: {  	s25 =	sadd.s32 $0xBC00, s1;
	s11 =	sadd.s32 $0x25A00, s1;
	s6 =	smul.u32 $0x140000, s0  }
0x6: {  	s3 =	sshll.u32 s0, $0x4;
	s19 =	ssub.s32 $0x2, s0;
	s0 =	smul.u32 $0x27100, s0  }
0x7: {  	s4 =	sor.u32 s12, s3;
	s3 =	simm.s32 $0x0;
	s20 =	sshrl.u32 s19, $0x1  }
0x8: {  	s22 =	sshrl.u32 s10, $0x2;
	s5 =	smul.u32 $0x2710, s4;
	[smem:$0x7FF] =	sst s3  }
0x9: {  	s4 =	sadd.s32 $0x78200, s1;
	s6 =	sadd.s32 s8, s6;
	s21 =	ssub.s32 s19, s20  }
0xa: {  	s8 =	sadd.s32 s22, s2;
	s0 =	sadd.s32 s16, s0;
	s16 =	simm.s32 $0x1  }
0xb: {  	_ =	strace $0x8000004A;
	[dreg:$0x3] =	wrdreg s11;
	s6 =	sshrl.u32 s6, $0x3  }
0xc: {  	[dreg:$0x5] =	wrdreg s8;
	s18 =	sadd.s32 $0x1B8, s0;
	s19 =	sadd.s32 $0x190, s0  }
0xd: {  	s22 =	sadd.s32 $0x140, s0;
	s7 =	sshrl.u32 s5, $0x3;
	s23 =	sadd.s32 $0x28, s5  }
0xe: {  	s26 =	sadd.s32 $0x78, s5;
	s31 =	sadd.s32 $0xC8, s5;
	s15 =	sadd.s32 $0x2698, s5  }
0xf: {  	s5 =	sadd.s32 $0x26E8, s5;
	s9 =	sadd.s32 s7, s1;
	s1 =	sadd.s32 s6, s1  }
0x10: {  	s24 =	sshrl.u32 s23, $0x3;
	s6 =	smax.u32 s21, $0x1;
	s21 =	sadd.s32 $0x168, s0  }
0x11: {  	s23 =	sadd.s32 $0x118, s0;
	s0 =	sadd.s32 $0xF0, s0;
	[dreg:$0x10] =	wrdreg s6  }
0x12: {  	s5 =	sshrl.u32 s5, $0x3;
	s9 =	sadd.s32 $0x1E00, s9;
	[dreg:$0x16] =	wrdreg s0  }
0x13: {  	s29 =	sshrl.u32 s26, $0x3;
	s5 =	sadd.s32 s25, s5;
	[dreg:$0x4] =	wrdreg s9  }
0x14: {  	s13 =	sshrl.u32 s31, $0x3;
	s1 =	sadd.s32 $0x9F400, s1;
	[dreg:$0xe] =	wrdreg s5  }
0x15: {  	s9 =	sadd.s32 s25, s7;
	s7 =	sadd.s32 s25, s24;
	[dreg:$0xf] =	wrdreg s1  }
0x16: {  	s26 =	sshrl.u32 s23, $0x3;
	s23 =	simm.s32 $0xC;
	[dreg:$0x7] =	wrdreg s7  }
0x17: {  	s1 =	sshrl.u32 s18, $0x3;
	s11 =	sadd.s32 $0xA, s9;
	[dreg:$0x6] =	wrdreg s9  }
0x18: {  	s5 =	sshrl.u32 s19, $0x3;
	s7 =	sadd.s32 s25, s29;
	[dreg:$0x8] =	wrdreg s11  }
0x19: {  	s24 =	sshrl.u32 s22, $0x3;
	s14 =	sadd.s32 $0x14, s9;
	[dreg:$0x9] =	wrdreg s7  }
0x1a: {  	s18 =	simm.s32 $0x2;
	s17 =	sadd.s32 $0x4CE, s9;
	[dreg:$0xa] =	wrdreg s14  }
0x1b: {  	s19 =	simm.s32 $0x9;
	s1 =	sadd.s32 s1, s25;
	[dreg:$0xc] =	wrdreg s17  }
0x1c: {  	s22 =	simm.s32 $0x5;
	s20 =	sadd.s32 s5, s25;
	[dreg:$0x11] =	wrdreg s1  }
0x1d: {  	s29 =	sadd.s32 s26, s25;
	s31 =	sadd.s32 $0x4D8, s9;
	[dreg:$0x12] =	wrdreg s20  }
0x1e: {  	s26 =	simm.s32 $0x3;
	s9 =	simm.s32 $0xA;
	[dreg:$0x15] =	wrdreg s29  }
0x1f: {  	s7 =	sadd.s32 s25, s13;
	s1 =	sshrl.u32 s21, $0x3;
	[dreg:$0x17] =	wrdreg s31  }
0x20: {  	s14 =	simm.s32 $0x8F80;
	s17 =	simm.s32 $0x8;
	s20 =	simm.s32 $0x4  }
0x21: {  	[dreg:$0xb] =	wrdreg s7;
	s7 =	sshrl.u32 s15, $0x3;
	s1 =	sadd.s32 s1, s25  }
0x22: {  	s21 =	simm.s32 $0xB;
	s7 =	sadd.s32 s25, s7;
	[dreg:$0x13] =	wrdreg s1  }
0x23: {  	s15 =	simm.s32 $0x7;
	s1 =	sadd.s32 s24, s25;
	[dreg:$0xd] =	wrdreg s7  }
0x24: {  	s24 =	simm.s32 $0x6;
	[dreg:$0x14] =	wrdreg s1;
	s1 =	simm.s32 $0x0  }
.LBB2_1:
0x25: {  	[dreg:$0x18] =	wrdreg s1  }
0x26: {  	s0 =	rddreg [dreg:$0x4]  }
0x27: {  	[tilespmem:s3], [sflag:$0xD] =	stream.linear.gather [hbm4b:s0+s3], $0x2710, $0x38;
	[tilespmem:$0x1E380] =	vst v63  }
0x28: {  	s5 =	stileid.u32;
	_ =	swait.ge [sflag:s28], $0x2710  }
0x29: {  	s0 =	sshll.u32 s5, $0x6;
	s7 =	rddreg [dreg:$0x5]  }
0x2a: {  	s6 =	sor.u32 $0x1C0D, s0;
	s8 =	rddreg [dreg:$0x3]  }
0x2b: {  	[sflag:s28] =	ssyncset.done $0x0;
	[dreg:$0x19] =	wrdreg s6;
	s5 =	sshrl.u32 s7, $0x3  }
0x2c: {  	[sflag:s28] =	ssyncadd.s32 $0xFFFFD8F0;
	[dreg:$0x1a] =	wrdreg s5  }
0x2d: {  	[spmem:s5], [sflag:s6] =	dma.local [hbm:s8], $0x2800  }
0x2e: {  	_ =	swait.ge [sflag:s28], $0x2800  }
0x2f: {  	[sflag:s28] =	ssyncset.done $0x0  }
0x30: {  	[sflag:s28] =	ssyncadd.s32 $0xFFFFD800  }
0x31: {  	[bflag:$0x0] =	sbarrier.arrive $0xFFFF  }
0x32: {  	s1 =	simm.s32 $0x2780;
	s10 =	rddreg [dreg:$0x6]  }
0x33: {  	[tilespmem:s1], [sflag:$0x7] =	stream.linear.gather [hbm4b:s10+s3], $0x28, $0x38;
	[tilespmem:$0x1E380] =	vst v63  }
0x34: {  	s5 =	simm.s32 $0x2B80  }
0x35: {  	[tilespmem:s5], [sflag:$0x1] =	stream.indirect.gather [hbm4b:s4+s30], $0x80, s3, s30, $0xb8;
	[tilespmem:$0x1E380] =	vst v63  }
0x36: {  	s6 =	simm.s32 $0x2800;
	s11 =	rddreg [dreg:$0x7]  }
0x37: {  	[tilespmem:s6], [sflag:$0x8] =	stream.linear.gather [hbm4b:s11+s3], $0x28, $0x38;
	[tilespmem:$0x1E380] =	vst v63  }
0x38: {  	s7 =	simm.s32 $0x3F80  }
0x39: {  	[tilespmem:s7], [sflag:$0x2] =	stream.indirect.gather [hbm4b:s4+s30], $0x80, s30, s30, $0xb8;
	[tilespmem:$0x1E380] =	vst v63  }
0x3a: {  	s12 =	rddreg [dreg:$0x8];
	s10 =	simm.s32 $0x2880  }
0x3b: {  	[tilespmem:s10], [sflag:$0x9] =	stream.linear.gather [hbm4b:s12+s3], $0x28, $0x38;
	[tilespmem:$0x1E380] =	vst v63  }
0x3c: {  	s13 =	simm.s32 $0x50;
	s11 =	simm.s32 $0x5380  }
0x3d: {  	[tilespmem:s11], [sflag:$0x3] =	stream.indirect.gather [hbm4b:s4+s30], $0x80, s13, s30, $0xb8;
	[tilespmem:$0x1E380] =	vst v63  }
0x3e: {  	s8 =	rddreg [dreg:$0x9];
	s12 =	simm.s32 $0x2900  }
0x3f: {  	[tilespmem:s12], [sflag:$0xA] =	stream.linear.gather [hbm4b:s8+s3], $0x28, $0x38;
	[tilespmem:$0x1E380] =	vst v63  }
0x40: {  	s29 =	simm.s32 $0x6780;
	s13 =	simm.s32 $0x78  }
0x41: {  	[tilespmem:s29], [sflag:$0x4] =	stream.indirect.gather [hbm4b:s4+s30], $0x80, s13, s30, $0xb8;
	[tilespmem:$0x1E380] =	vst v63  }
0x42: {  	s31 =	simm.s32 $0x2980;
	s8 =	rddreg [dreg:$0xa]  }
0x43: {  	[tilespmem:s31], [sflag:$0xB] =	stream.linear.gather [hbm4b:s8+s3], $0x28, $0x38;
	[tilespmem:$0x1E380] =	vst v63  }
0x44: {  	s13 =	simm.s32 $0xA0;
	s8 =	simm.s32 $0x7B80  }
0x45: {  	[tilespmem:s8], [sflag:$0x5] =	stream.indirect.gather [hbm4b:s4+s30], $0x80, s13, s30, $0xb8;
	[tilespmem:$0x1E380] =	vst v63  }
0x46: {  	s8 =	rddreg [dreg:$0xb];
	s13 =	simm.s32 $0x2A00  }
0x47: {  	[tilespmem:s13], [sflag:$0xC] =	stream.linear.gather [hbm4b:s8+s3], $0x28, $0x38;
	[tilespmem:$0x1E380] =	vst v63  }
0x48: {  	s8 =	simm.s32 $0xC8  }
0x49: {  	[tilespmem:s14], [sflag:$0x6] =	stream.indirect.gather [hbm4b:s4+s30], $0x80, s8, s30, $0xb8;
	[tilespmem:$0x1E380] =	vst v63  }
0x4a: {  	_ =	swait.ge [sflag:s15], $0x28  }
0x4b: {  	[sflag:s15] =	ssyncset.done $0x0  }
0x4c: {  	[sflag:s15] =	ssyncadd.s32 $0xFFFFFFD8  }
0x4d: {  	_ =	swait.ge [sflag:s16], $0x1400  }
0x4e: {  	[sflag:s16] =	ssyncset.done $0x0  }
0x4f: {  	[sflag:s16] =	ssyncadd.s32 $0xFFFFEC00  }
0x50: {  	[spmem:s2] =	stream.indirect.scatter.add.f32 [tilespmem:s5], [sflag:$0xD], $0x80, s1, s30, $0xb8;
	[tilespmem:$0x1E380] =	vst v63  }
0x51: {  	_ =	swait.ge [sflag:s28], $0x1400  }
0x52: {  	s8 =	rddreg [dreg:$0x16]  }
0x53: {  	[sflag:s28] =	ssyncset.done $0x0;
	s0 =	sshrl.u32 s8, $0x3  }
0x54: {  	[sflag:s28] =	ssyncadd.s32 $0xFFFFEC00;
	s0 =	sadd.s32 s25, s0  }
0x55: {  	[tilespmem:s1], [sflag:$0x7] =	stream.linear.gather [hbm4b:s0+s3], $0x28, $0x38;
	[tilespmem:$0x1E380] =	vst v63  }
0x56: {  	s1 =	simm.s32 $0xF0  }
0x57: {  	[tilespmem:s5], [sflag:$0x1] =	stream.indirect.gather [hbm4b:s4+s30], $0x80, s1, s30, $0xb8;
	[tilespmem:$0x1E380] =	vst v63  }
0x58: {  	_ =	swait.ge [sflag:s17], $0x28  }
0x59: {  	[sflag:s17] =	ssyncset.done $0x0  }
0x5a: {  	[sflag:s17] =	ssyncadd.s32 $0xFFFFFFD8  }
0x5b: {  	_ =	swait.ge [sflag:s18], $0x1400  }
0x5c: {  	[sflag:s18] =	ssyncset.done $0x0  }
0x5d: {  	[sflag:s18] =	ssyncadd.s32 $0xFFFFEC00  }
0x5e: {  	[spmem:s2] =	stream.indirect.scatter.add.f32 [tilespmem:s7], [sflag:$0xD], $0x80, s6, s30, $0xb8;
	[tilespmem:$0x1E380] =	vst v63  }
0x5f: {  	_ =	swait.ge [sflag:s28], $0x1400  }
0x60: {  	[sflag:s28] =	ssyncset.done $0x0  }
0x61: {  	s5 =	rddreg [dreg:$0x15];
	[sflag:s28] =	ssyncadd.s32 $0xFFFFEC00  }
0x62: {  	[tilespmem:s6], [sflag:$0x8] =	stream.linear.gather [hbm4b:s5+s3], $0x28, $0x38;
	[tilespmem:$0x1E380] =	vst v63  }
0x63: {  	s6 =	simm.s32 $0x118  }
0x64: {  	[tilespmem:s7], [sflag:$0x2] =	stream.indirect.gather [hbm4b:s4+s30], $0x80, s6, s30, $0xb8;
	[tilespmem:$0x1E380] =	vst v63  }
0x65: {  	_ =	swait.ge [sflag:s19], $0x28  }
0x66: {  	[sflag:s19] =	ssyncset.done $0x0  }
0x67: {  	[sflag:s19] =	ssyncadd.s32 $0xFFFFFFD8  }
0x68: {  	_ =	swait.ge [sflag:s26], $0x1400  }
0x69: {  	[sflag:s26] =	ssyncset.done $0x0  }
0x6a: {  	[sflag:s26] =	ssyncadd.s32 $0xFFFFEC00  }
0x6b: {  	[spmem:s2] =	stream.indirect.scatter.add.f32 [tilespmem:s11], [sflag:$0xD], $0x80, s10, s30, $0xb8;
	[tilespmem:$0x1E380] =	vst v63  }
0x6c: {  	_ =	swait.ge [sflag:s28], $0x1400  }
0x6d: {  	[sflag:s28] =	ssyncset.done $0x0  }
0x6e: {  	s7 =	rddreg [dreg:$0x14];
	[sflag:s28] =	ssyncadd.s32 $0xFFFFEC00  }
0x6f: {  	[tilespmem:s10], [sflag:$0x9] =	stream.linear.gather [hbm4b:s7+s3], $0x28, $0x38;
	[tilespmem:$0x1E380] =	vst v63  }
0x70: {  	s10 =	simm.s32 $0x140  }
0x71: {  	[tilespmem:s11], [sflag:$0x3] =	stream.indirect.gather [hbm4b:s4+s30], $0x80, s10, s30, $0xb8;
	[tilespmem:$0x1E380] =	vst v63  }
0x72: {  	_ =	swait.ge [sflag:s9], $0x28  }
0x73: {  	[sflag:s9] =	ssyncset.done $0x0  }
0x74: {  	[sflag:s9] =	ssyncadd.s32 $0xFFFFFFD8  }
0x75: {  	_ =	swait.ge [sflag:s20], $0x1400  }
0x76: {  	[sflag:s20] =	ssyncset.done $0x0  }
0x77: {  	[sflag:s20] =	ssyncadd.s32 $0xFFFFEC00  }
0x78: {  	[spmem:s2] =	stream.indirect.scatter.add.f32 [tilespmem:s29], [sflag:$0xD], $0x80, s12, s30, $0xb8;
	[tilespmem:$0x1E380] =	vst v63  }
0x79: {  	_ =	swait.ge [sflag:s28], $0x1400  }
0x7a: {  	[sflag:s28] =	ssyncset.done $0x0  }
0x7b: {  	s1 =	rddreg [dreg:$0x13];
	[sflag:s28] =	ssyncadd.s32 $0xFFFFEC00  }
0x7c: {  	[tilespmem:s12], [sflag:$0xA] =	stream.linear.gather [hbm4b:s1+s3], $0x28, $0x38;
	[tilespmem:$0x1E380] =	vst v63  }
0x7d: {  	s12 =	simm.s32 $0x168  }
0x7e: {  	[tilespmem:s29], [sflag:$0x4] =	stream.indirect.gather [hbm4b:s4+s30], $0x80, s12, s30, $0xb8;
	[tilespmem:$0x1E380] =	vst v63  }
0x7f: {  	_ =	swait.ge [sflag:s21], $0x28  }
0x80: {  	[sflag:s21] =	ssyncset.done $0x0  }
0x81: {  	[sflag:s21] =	ssyncadd.s32 $0xFFFFFFD8  }
0x82: {  	_ =	swait.ge [sflag:s22], $0x1400  }
0x83: {  	[sflag:s22] =	ssyncset.done $0x0  }
0x84: {  	s0 =	simm.s32 $0x7B80;
	[sflag:s22] =	ssyncadd.s32 $0xFFFFEC00  }
0x85: {  	[spmem:s2] =	stream.indirect.scatter.add.f32 [tilespmem:s0], [sflag:$0xD], $0x80, s31, s30, $0xb8;
	[tilespmem:$0x1E380] =	vst v63  }
0x86: {  	_ =	swait.ge [sflag:s28], $0x1400  }
0x87: {  	[sflag:s28] =	ssyncset.done $0x0  }
0x88: {  	s6 =	rddreg [dreg:$0x12];
	[sflag:s28] =	ssyncadd.s32 $0xFFFFEC00  }
0x89: {  	[tilespmem:s31], [sflag:$0xB] =	stream.linear.gather [hbm4b:s6+s3], $0x28, $0x38;
	[tilespmem:$0x1E380] =	vst v63  }
0x8a: {  	s11 =	simm.s32 $0x190  }
0x8b: {  	[tilespmem:s0], [sflag:$0x5] =	stream.indirect.gather [hbm4b:s4+s30], $0x80, s11, s30, $0xb8;
	[tilespmem:$0x1E380] =	vst v63  }
0x8c: {  	_ =	swait.ge [sflag:s23], $0x28  }
0x8d: {  	[sflag:s23] =	ssyncset.done $0x0  }
0x8e: {  	[sflag:s23] =	ssyncadd.s32 $0xFFFFFFD8  }
0x8f: {  	_ =	swait.ge [sflag:s24], $0x1400  }
0x90: {  	s5 =	sadd.s32 $0x1E, s5;
	s10 =	smov.u32 s25;
	[sflag:s24] =	ssyncset.done $0x0  }
0x91: {  	s25 =	simm.s32 $0x3C0;
	s29 =	sadd.s32 $0xF0, s8;
	[sflag:s24] =	ssyncadd.s32 $0xFFFFEC00  }
0x92: {  	[spmem:s2] =	stream.indirect.scatter.add.f32 [tilespmem:s14], [sflag:$0xD], $0x80, s13, s30, $0xb8;
	[tilespmem:$0x1E380] =	vst v63  }
0x93: {  	s31 =	sadd.s32 $0x1E, s1;
	s1 =	sadd.s32 $0x1E, s7;
	_ =	swait.ge [sflag:s28], $0x1400  }
0x94: {  	s7 =	simm.s32 $0x1B8;
	[sflag:s28] =	ssyncset.done $0x0;
	s12 =	rddreg [dreg:$0x11]  }
0x95: {  	s6 =	sadd.s32 $0x1E, s6;
	[sflag:s28] =	ssyncadd.s32 $0xFFFFEC00;
	s0 =	sadd.s32 $0x1E, s12  }
0x96: {  	[tilespmem:s13], [sflag:$0xC] =	stream.linear.gather [hbm4b:s12+s3], $0x28, $0x38;
	[tilespmem:$0x1E380] =	vst v63  }
.LBB2_2:
0x97: {  	[tilespmem:s14], [sflag:$0x6] =	stream.indirect.gather [hbm4b:s4+s30], $0x80, s7, s30, $0xb8;
	[tilespmem:$0x1E380] =	vst v63  }
0x98: {  	s7 =	smov.u32 s25  }
0x99: {  	p0 =	sne.s32 s25, $0x9240;
	s25 =	sadd.s32 $0x3C0, s25;
	_ =	swait.ge [sflag:s15], $0x28  }
0x9a: {  	[sflag:s15] =	ssyncset.done $0x0  }
0x9b: {  	[sflag:s15] =	ssyncadd.s32 $0xFFFFFFD8  }
0x9c: {  	_ =	swait.ge [sflag:s16], $0x1400  }
0x9d: {  	[sflag:s16] =	ssyncset.done $0x0  }
0x9e: {  	s11 =	simm.s32 $0x2780;
	s12 =	simm.s32 $0x2B80;
	[sflag:s16] =	ssyncadd.s32 $0xFFFFEC00  }
0x9f: {  	[spmem:s2] =	stream.indirect.scatter.add.f32 [tilespmem:s12], [sflag:$0xD], $0x80, s11, s30, $0xb8;
	[tilespmem:$0x1E380] =	vst v63  }
0xa0: {  	_ =	swait.ge [sflag:s28], $0x1400  }
0xa1: {  	s8 =	sshrl.u32 s29, $0x3;
	[sflag:s28] =	ssyncset.done $0x0  }
0xa2: {  	s8 =	sadd.s32 s10, s8;
	s7 =	sshra.s32 s7, $0x2;
	[sflag:s28] =	ssyncadd.s32 $0xFFFFEC00  }
0xa3: {  	[tilespmem:s11], [sflag:$0x7] =	stream.linear.gather [hbm4b:s8+s3], $0x28, $0x38;
	[tilespmem:$0x1E380] =	vst v63  }
0xa4: {  	s8 =	sadd.s32 $0xF0, s7  }
0xa5: {  	[tilespmem:s12], [sflag:$0x1] =	stream.indirect.gather [hbm4b:s4+s30], $0x80, s8, s30, $0xb8;
	[tilespmem:$0x1E380] =	vst v63  }
0xa6: {  	_ =	swait.ge [sflag:s17], $0x28  }
0xa7: {  	[sflag:s17] =	ssyncset.done $0x0  }
0xa8: {  	[sflag:s17] =	ssyncadd.s32 $0xFFFFFFD8  }
0xa9: {  	_ =	swait.ge [sflag:s18], $0x1400  }
0xaa: {  	[sflag:s18] =	ssyncset.done $0x0  }
0xab: {  	s11 =	simm.s32 $0x3F80;
	s8 =	simm.s32 $0x2800;
	[sflag:s18] =	ssyncadd.s32 $0xFFFFEC00  }
0xac: {  	[spmem:s2] =	stream.indirect.scatter.add.f32 [tilespmem:s11], [sflag:$0xD], $0x80, s8, s30, $0xb8;
	[tilespmem:$0x1E380] =	vst v63  }
0xad: {  	_ =	swait.ge [sflag:s28], $0x1400  }
0xae: {  	[sflag:s28] =	ssyncset.done $0x0  }
0xaf: {  	[sflag:s28] =	ssyncadd.s32 $0xFFFFEC00  }
0xb0: {  	[tilespmem:s8], [sflag:$0x8] =	stream.linear.gather [hbm4b:s5+s3], $0x28, $0x38;
	[tilespmem:$0x1E380] =	vst v63  }
0xb1: {  	s8 =	sadd.s32 $0x118, s7  }
0xb2: {  	[tilespmem:s11], [sflag:$0x2] =	stream.indirect.gather [hbm4b:s4+s30], $0x80, s8, s30, $0xb8;
	[tilespmem:$0x1E380] =	vst v63  }
0xb3: {  	_ =	swait.ge [sflag:s19], $0x28  }
0xb4: {  	[sflag:s19] =	ssyncset.done $0x0  }
0xb5: {  	[sflag:s19] =	ssyncadd.s32 $0xFFFFFFD8  }
0xb6: {  	_ =	swait.ge [sflag:s26], $0x1400  }
0xb7: {  	[sflag:s26] =	ssyncset.done $0x0  }
0xb8: {  	s8 =	simm.s32 $0x2880;
	s11 =	simm.s32 $0x5380;
	[sflag:s26] =	ssyncadd.s32 $0xFFFFEC00  }
0xb9: {  	[spmem:s2] =	stream.indirect.scatter.add.f32 [tilespmem:s11], [sflag:$0xD], $0x80, s8, s30, $0xb8;
	[tilespmem:$0x1E380] =	vst v63  }
0xba: {  	_ =	swait.ge [sflag:s28], $0x1400  }
0xbb: {  	[sflag:s28] =	ssyncset.done $0x0  }
0xbc: {  	[sflag:s28] =	ssyncadd.s32 $0xFFFFEC00  }
0xbd: {  	[tilespmem:s8], [sflag:$0x9] =	stream.linear.gather [hbm4b:s1+s3], $0x28, $0x38;
	[tilespmem:$0x1E380] =	vst v63  }
0xbe: {  	s8 =	sadd.s32 $0x140, s7  }
0xbf: {  	[tilespmem:s11], [sflag:$0x3] =	stream.indirect.gather [hbm4b:s4+s30], $0x80, s8, s30, $0xb8;
	[tilespmem:$0x1E380] =	vst v63  }
0xc0: {  	_ =	swait.ge [sflag:s9], $0x28  }
0xc1: {  	[sflag:s9] =	ssyncset.done $0x0  }
0xc2: {  	[sflag:s9] =	ssyncadd.s32 $0xFFFFFFD8  }
0xc3: {  	_ =	swait.ge [sflag:s20], $0x1400  }
0xc4: {  	[sflag:s20] =	ssyncset.done $0x0  }
0xc5: {  	s8 =	simm.s32 $0x2900;
	s11 =	simm.s32 $0x6780;
	[sflag:s20] =	ssyncadd.s32 $0xFFFFEC00  }
0xc6: {  	[spmem:s2] =	stream.indirect.scatter.add.f32 [tilespmem:s11], [sflag:$0xD], $0x80, s8, s30, $0xb8;
	[tilespmem:$0x1E380] =	vst v63  }
0xc7: {  	_ =	swait.ge [sflag:s28], $0x1400  }
0xc8: {  	[sflag:s28] =	ssyncset.done $0x0  }
0xc9: {  	[sflag:s28] =	ssyncadd.s32 $0xFFFFEC00  }
0xca: {  	[tilespmem:s8], [sflag:$0xA] =	stream.linear.gather [hbm4b:s31+s3], $0x28, $0x38;
	[tilespmem:$0x1E380] =	vst v63  }
0xcb: {  	s8 =	sadd.s32 $0x168, s7  }
0xcc: {  	[tilespmem:s11], [sflag:$0x4] =	stream.indirect.gather [hbm4b:s4+s30], $0x80, s8, s30, $0xb8;
	[tilespmem:$0x1E380] =	vst v63  }
0xcd: {  	_ =	swait.ge [sflag:s21], $0x28  }
0xce: {  	[sflag:s21] =	ssyncset.done $0x0  }
0xcf: {  	[sflag:s21] =	ssyncadd.s32 $0xFFFFFFD8  }
0xd0: {  	_ =	swait.ge [sflag:s22], $0x1400  }
0xd1: {  	[sflag:s22] =	ssyncset.done $0x0  }
0xd2: {  	s13 =	simm.s32 $0x7B80;
	s8 =	simm.s32 $0x2980;
	[sflag:s22] =	ssyncadd.s32 $0xFFFFEC00  }
0xd3: {  	[spmem:s2] =	stream.indirect.scatter.add.f32 [tilespmem:s13], [sflag:$0xD], $0x80, s8, s30, $0xb8;
	[tilespmem:$0x1E380] =	vst v63  }
0xd4: {  	_ =	swait.ge [sflag:s28], $0x1400  }
0xd5: {  	[sflag:s28] =	ssyncset.done $0x0  }
0xd6: {  	s11 =	simm.s32 $0x2980;
	[sflag:s28] =	ssyncadd.s32 $0xFFFFEC00  }
0xd7: {  	[tilespmem:s8], [sflag:$0xB] =	stream.linear.gather [hbm4b:s6+s3], $0x28, $0x38;
	[tilespmem:$0x1E380] =	vst v63  }
0xd8: {  	s12 =	simm.s32 $0x7B80;
	s8 =	sadd.s32 $0x190, s7  }
0xd9: {  	[tilespmem:s13], [sflag:$0x5] =	stream.indirect.gather [hbm4b:s4+s30], $0x80, s8, s30, $0xb8;
	[tilespmem:$0x1E380] =	vst v63  }
0xda: {  	_ =	swait.ge [sflag:s23], $0x28  }
0xdb: {  	[sflag:s23] =	ssyncset.done $0x0  }
0xdc: {  	[sflag:s23] =	ssyncadd.s32 $0xFFFFFFD8  }
0xdd: {  	_ =	swait.ge [sflag:s24], $0x1400  }
0xde: {  	[sflag:s24] =	ssyncset.done $0x0  }
0xdf: {  	s13 =	simm.s32 $0x2A00;
	[sflag:s24] =	ssyncadd.s32 $0xFFFFEC00  }
0xe0: {  	[spmem:s2] =	stream.indirect.scatter.add.f32 [tilespmem:s14], [sflag:$0xD], $0x80, s13, s30, $0xb8;
	[tilespmem:$0x1E380] =	vst v63  }
.Ltmp0:
0xe1: {  	s29 =	sadd.s32 $0xF0, s29;
	_ =	swait.ge [sflag:s28], $0x1400;
	(pc) =	sbr.rel @p0 .LBB2_2-.Ltmp0, $4  }
0xe2: {  	s5 =	sadd.s32 $0x1E, s5;
	s1 =	sadd.s32 $0x1E, s1;
	[sflag:s28] =	ssyncset.done $0x0  }
0xe3: {  	s31 =	sadd.s32 $0x1E, s31;
	s8 =	simm.s32 $0x2A00;
	[sflag:s28] =	ssyncadd.s32 $0xFFFFEC00  }
0xe4: {  	[tilespmem:s13], [sflag:$0xC] =	stream.linear.gather [hbm4b:s0+s3], $0x28, $0x38;
	[tilespmem:$0x1E380] =	vst v63  }
0xe5: {  	s7 =	sadd.s32 $0x1B8, s7;
	s6 =	sadd.s32 $0x1E, s6;
	s0 =	sadd.s32 $0x1E, s0  }
0xe6: {  	[tilespmem:s14], [sflag:$0x6] =	stream.indirect.gather [hbm4b:s4+s30], $0x80, s7, s30, $0xb8;
	[tilespmem:$0x1E380] =	vst v63  }
0xe7: {  	_ =	swait.ge [sflag:s15], $0x28  }
0xe8: {  	[sflag:s15] =	ssyncset.done $0x0  }
0xe9: {  	[sflag:s15] =	ssyncadd.s32 $0xFFFFFFD8  }
0xea: {  	_ =	swait.ge [sflag:s16], $0x1400  }
0xeb: {  	[sflag:s16] =	ssyncset.done $0x0  }
0xec: {  	s1 =	simm.s32 $0x2780;
	s5 =	simm.s32 $0x2B80;
	[sflag:s16] =	ssyncadd.s32 $0xFFFFEC00  }
0xed: {  	[spmem:s2] =	stream.indirect.scatter.add.f32 [tilespmem:s5], [sflag:$0xD], $0x80, s1, s30, $0xb8;
	[tilespmem:$0x1E380] =	vst v63  }
0xee: {  	_ =	swait.ge [sflag:s28], $0x1400  }
0xef: {  	[sflag:s28] =	ssyncset.done $0x0  }
0xf0: {  	s0 =	rddreg [dreg:$0xc];
	[sflag:s28] =	ssyncadd.s32 $0xFFFFEC00  }
0xf1: {  	[tilespmem:s1], [sflag:$0x7] =	stream.linear.gather [hbm4b:s0+s3], $0x28, $0x38;
	[tilespmem:$0x1E380] =	vst v63  }
0xf2: {  	s25 =	simm.s32 $0x2670  }
0xf3: {  	[tilespmem:s5], [sflag:$0x1] =	stream.indirect.gather [hbm4b:s4+s30], $0x80, s25, s30, $0xb8;
	[tilespmem:$0x1E380] =	vst v63  }
0xf4: {  	_ =	swait.ge [sflag:s17], $0x28  }
0xf5: {  	[sflag:s17] =	ssyncset.done $0x0  }
0xf6: {  	[sflag:s17] =	ssyncadd.s32 $0xFFFFFFD8  }
0xf7: {  	_ =	swait.ge [sflag:s18], $0x1400  }
0xf8: {  	[sflag:s18] =	ssyncset.done $0x0  }
0xf9: {  	s6 =	simm.s32 $0x2800;
	s7 =	simm.s32 $0x3F80;
	[sflag:s18] =	ssyncadd.s32 $0xFFFFEC00  }
0xfa: {  	[spmem:s2] =	stream.indirect.scatter.add.f32 [tilespmem:s7], [sflag:$0xD], $0x80, s6, s30, $0xb8;
	[tilespmem:$0x1E380] =	vst v63  }
0xfb: {  	_ =	swait.ge [sflag:s28], $0x1400  }
0xfc: {  	[sflag:s28] =	ssyncset.done $0x0  }
0xfd: {  	s29 =	rddreg [dreg:$0xd];
	[sflag:s28] =	ssyncadd.s32 $0xFFFFEC00  }
0xfe: {  	[tilespmem:s6], [sflag:$0x8] =	stream.linear.gather [hbm4b:s29+s3], $0x28, $0x38;
	[tilespmem:$0x1E380] =	vst v63  }
0xff: {  	s31 =	simm.s32 $0x2698  }
0x100: {  	[tilespmem:s7], [sflag:$0x2] =	stream.indirect.gather [hbm4b:s4+s30], $0x80, s31, s30, $0xb8;
	[tilespmem:$0x1E380] =	vst v63  }
0x101: {  	_ =	swait.ge [sflag:s19], $0x28  }
0x102: {  	[sflag:s19] =	ssyncset.done $0x0  }
0x103: {  	[sflag:s19] =	ssyncadd.s32 $0xFFFFFFD8  }
0x104: {  	_ =	swait.ge [sflag:s26], $0x1400  }
0x105: {  	[sflag:s26] =	ssyncset.done $0x0  }
0x106: {  	s29 =	simm.s32 $0x5380;
	s31 =	simm.s32 $0x2880;
	[sflag:s26] =	ssyncadd.s32 $0xFFFFEC00  }
0x107: {  	[spmem:s2] =	stream.indirect.scatter.add.f32 [tilespmem:s29], [sflag:$0xD], $0x80, s31, s30, $0xb8;
	[tilespmem:$0x1E380] =	vst v63  }
0x108: {  	_ =	swait.ge [sflag:s28], $0x1400  }
0x109: {  	[sflag:s28] =	ssyncset.done $0x0  }
0x10a: {  	s13 =	rddreg [dreg:$0x17];
	[sflag:s28] =	ssyncadd.s32 $0xFFFFEC00  }
0x10b: {  	[tilespmem:s31], [sflag:$0x9] =	stream.linear.gather [hbm4b:s13+s3], $0x28, $0x38;
	[tilespmem:$0x1E380] =	vst v63  }
0x10c: {  	s25 =	simm.s32 $0x26C0  }
0x10d: {  	[tilespmem:s29], [sflag:$0x3] =	stream.indirect.gather [hbm4b:s4+s30], $0x80, s25, s30, $0xb8;
	[tilespmem:$0x1E380] =	vst v63  }
0x10e: {  	_ =	swait.ge [sflag:s9], $0x28  }
0x10f: {  	[sflag:s9] =	ssyncset.done $0x0  }
0x110: {  	[sflag:s9] =	ssyncadd.s32 $0xFFFFFFD8  }
0x111: {  	_ =	swait.ge [sflag:s20], $0x1400  }
0x112: {  	[sflag:s20] =	ssyncset.done $0x0  }
0x113: {  	s13 =	simm.s32 $0x2900;
	s25 =	simm.s32 $0x6780;
	[sflag:s20] =	ssyncadd.s32 $0xFFFFEC00  }
0x114: {  	[spmem:s2] =	stream.indirect.scatter.add.f32 [tilespmem:s25], [sflag:$0xD], $0x80, s13, s30, $0xb8;
	[tilespmem:$0x1E380] =	vst v63  }
0x115: {  	_ =	swait.ge [sflag:s28], $0x1400  }
0x116: {  	[sflag:s28] =	ssyncset.done $0x0  }
0x117: {  	s0 =	rddreg [dreg:$0xe];
	[sflag:s28] =	ssyncadd.s32 $0xFFFFEC00  }
0x118: {  	[tilespmem:s13], [sflag:$0xA] =	stream.linear.gather [hbm4b:s0+s3], $0x28, $0x38;
	[tilespmem:$0x1E380] =	vst v63  }
0x119: {  	s0 =	simm.s32 $0x26E8  }
0x11a: {  	[tilespmem:s25], [sflag:$0x4] =	stream.indirect.gather [hbm4b:s4+s30], $0x80, s0, s30, $0xb8;
	[tilespmem:$0x1E380] =	vst v63  }
0x11b: {  	_ =	swait.ge [sflag:s21], $0x28  }
0x11c: {  	[sflag:s21] =	ssyncset.done $0x0  }
0x11d: {  	[sflag:s21] =	ssyncadd.s32 $0xFFFFFFD8  }
0x11e: {  	_ =	swait.ge [sflag:s22], $0x1400  }
0x11f: {  	[sflag:s22] =	ssyncset.done $0x0  }
0x120: {  	[sflag:s22] =	ssyncadd.s32 $0xFFFFEC00  }
0x121: {  	[spmem:s2] =	stream.indirect.scatter.add.f32 [tilespmem:s12], [sflag:$0xD], $0x80, s11, s30, $0xb8;
	[tilespmem:$0x1E380] =	vst v63  }
0x122: {  	_ =	swait.ge [sflag:s28], $0x1400  }
0x123: {  	[sflag:s28] =	ssyncset.done $0x0  }
0x124: {  	[sflag:s28] =	ssyncadd.s32 $0xFFFFEC00  }
0x125: {  	_ =	swait.ge [sflag:s23], $0x28  }
0x126: {  	[sflag:s23] =	ssyncset.done $0x0  }
0x127: {  	[sflag:s23] =	ssyncadd.s32 $0xFFFFFFD8  }
0x128: {  	_ =	swait.ge [sflag:s24], $0x1400  }
0x129: {  	[sflag:s24] =	ssyncset.done $0x0  }
0x12a: {  	[sflag:s24] =	ssyncadd.s32 $0xFFFFEC00  }
0x12b: {  	[spmem:s2] =	stream.indirect.scatter.add.f32 [tilespmem:s14], [sflag:$0xD], $0x80, s8, s30, $0xb8;
	[tilespmem:$0x1E380] =	vst v63  }
0x12c: {  	_ =	swait.ge [sflag:s28], $0x1400  }
0x12d: {  	[sflag:s28] =	ssyncset.done $0x0  }
0x12e: {  	[sflag:s28] =	ssyncadd.s32 $0xFFFFEC00  }
0x12f: {  	_ =	swait.ge [sflag:s15], $0x28  }
0x130: {  	[sflag:s15] =	ssyncset.done $0x0  }
0x131: {  	[sflag:s15] =	ssyncadd.s32 $0xFFFFFFD8  }
0x132: {  	_ =	swait.ge [sflag:s16], $0x1400  }
0x133: {  	[sflag:s16] =	ssyncset.done $0x0  }
0x134: {  	[sflag:s16] =	ssyncadd.s32 $0xFFFFEC00  }
0x135: {  	[spmem:s2] =	stream.indirect.scatter.add.f32 [tilespmem:s5], [sflag:$0xD], $0x80, s1, s30, $0xb8;
	[tilespmem:$0x1E380] =	vst v63  }
0x136: {  	_ =	swait.ge [sflag:s28], $0x1400  }
0x137: {  	[sflag:s28] =	ssyncset.done $0x0  }
0x138: {  	[sflag:s28] =	ssyncadd.s32 $0xFFFFEC00  }
0x139: {  	_ =	swait.ge [sflag:s17], $0x28  }
0x13a: {  	[sflag:s17] =	ssyncset.done $0x0  }
0x13b: {  	[sflag:s17] =	ssyncadd.s32 $0xFFFFFFD8  }
0x13c: {  	_ =	swait.ge [sflag:s18], $0x1400  }
0x13d: {  	[sflag:s18] =	ssyncset.done $0x0  }
0x13e: {  	[sflag:s18] =	ssyncadd.s32 $0xFFFFEC00  }
0x13f: {  	[spmem:s2] =	stream.indirect.scatter.add.f32 [tilespmem:s7], [sflag:$0xD], $0x80, s6, s30, $0xb8;
	[tilespmem:$0x1E380] =	vst v63  }
0x140: {  	_ =	swait.ge [sflag:s28], $0x1400  }
0x141: {  	[sflag:s28] =	ssyncset.done $0x0  }
0x142: {  	[sflag:s28] =	ssyncadd.s32 $0xFFFFEC00  }
0x143: {  	_ =	swait.ge [sflag:s19], $0x28  }
0x144: {  	[sflag:s19] =	ssyncset.done $0x0  }
0x145: {  	[sflag:s19] =	ssyncadd.s32 $0xFFFFFFD8  }
0x146: {  	_ =	swait.ge [sflag:s26], $0x1400  }
0x147: {  	[sflag:s26] =	ssyncset.done $0x0  }
0x148: {  	[sflag:s26] =	ssyncadd.s32 $0xFFFFEC00  }
0x149: {  	[spmem:s2] =	stream.indirect.scatter.add.f32 [tilespmem:s29], [sflag:$0xD], $0x80, s31, s30, $0xb8;
	[tilespmem:$0x1E380] =	vst v63  }
0x14a: {  	_ =	swait.ge [sflag:s28], $0x1400  }
0x14b: {  	[sflag:s28] =	ssyncset.done $0x0  }
0x14c: {  	[sflag:s28] =	ssyncadd.s32 $0xFFFFEC00  }
0x14d: {  	_ =	swait.ge [sflag:s9], $0x28  }
0x14e: {  	[sflag:s9] =	ssyncset.done $0x0  }
0x14f: {  	[sflag:s9] =	ssyncadd.s32 $0xFFFFFFD8  }
0x150: {  	_ =	swait.ge [sflag:s20], $0x1400  }
0x151: {  	[sflag:s20] =	ssyncset.done $0x0  }
0x152: {  	[sflag:s20] =	ssyncadd.s32 $0xFFFFEC00  }
0x153: {  	[spmem:s2] =	stream.indirect.scatter.add.f32 [tilespmem:s25], [sflag:$0xD], $0x80, s13, s30, $0xb8;
	[tilespmem:$0x1E380] =	vst v63  }
0x154: {  	_ =	swait.ge [sflag:s28], $0x1400  }
0x155: {  	[sflag:s28] =	ssyncset.done $0x0  }
0x156: {  	[sflag:s28] =	ssyncadd.s32 $0xFFFFEC00  }
0x157: {  	[bflag:$0x0] =	sbarrier.arrive $0xFFFF  }
0x158: {  	s12 =	rddreg [dreg:$0xf]  }
0x159: {  	s13 =	rddreg [dreg:$0x19]  }
0x15a: {  	s25 =	rddreg [dreg:$0x1a]  }
0x15b: {  	[hbm:s12], [sflag:s13] =	dma.local [spmem:s25], $0x2800  }
0x15c: {  	_ =	swait.ge [sflag:s28], $0x2800  }
0x15d: {  	s29 =	rddreg [dreg:$0x18]  }
0x15e: {  	s31 =	rddreg [dreg:$0x10];
	s1 =	sadd.s32 $0x1, s29  }
0x15f: {  	p0 =	sne.s32 s1, s31  }
.Ltmp1:
0x160: {  	_ = 	snop;
	(pc) =	sbr.rel @p0 .LBB2_1-.Ltmp1, $3  }
0x161: {  	_ =	sdelay $0x1  }
0x162: {  	[sflag:s28] =	ssyncset.done $0x0  }
0x163: {  	s25 =	smov.u32 s10;
	[sflag:s28] =	ssyncadd.s32 $0xFFFFD800  }
0x164: {  	_ =	sfence.sel $0x180000  }
0x165: {  	[bflag:$0x0] =	sbarrier.arrive $0xFFFF  }
0x166: {  	_ =	strace $0x9000004A  }
0x167: {  	s0 =	stileid.u32;
	[bflag:$0x2] =	sbarrier.arrive $0xFFFF  }
0x168: {  	p0 =	sne.s32 s0, $0x0;
	s0 =	rddreg [dreg:$0x2]  }
0x169: {  	s0 =	sadd.s32 @!p0 $0x100000, s0  }
0x16a: {  	[sflag:s0] =	ssyncadd.tile.s32 @!p0 $0x1;
	_ =	shalt  }
.Lfunc_end2:
_tile_overlayer_lowered:
.L_overlay_start_2:
0x16b: {  	(tag) =	ssettag $0x2  }
0x16c: {  	s0 =	rddreg [dreg:$0x0];
	s2 =	stileid.u32  }
0x16d: {  	s1 =	rddreg [dreg:$0x1];
	p0 =	sne.s32 s2, $0x0  }
0x16e: {  	s3 =	rddreg [dreg:$0x2];
	[bflag:$0x3] =	sbarrier.arrive $0xFFFF;
	s2 =	simm.s32 @!p0 $0x1C0D  }
0x16f: {  	[timem:s3], [sflag:s2] =	dma.local @!p0 [hbm:s0], s1  }
0x170: {  	s0 =	simm.s32 @!p0 $0xD  }
0x171: {  	_ =	swait.ge @!p0 [sflag:s0], s1  }
0x172: {  	s1 =	ssub.s32 @!p0 $0x0, s1;
	[sflag:s0] =	ssyncset.done @!p0 $0x0  }
0x173: {  	[sflag:s0] =	ssyncadd.s32 @!p0 s1  }
0x174: {  	[bflag:$0x3] =	sbarrier.arrive $0xFFFF  }
0x175: {  	_ =	shalt  }

</sc_bundles>
